<compile_context>
chip_gen: v7x
topology: tpu7x:2x2x1
jax: 0.10.2.dev20260603
libtpu: 0.0.44.dev20260713+nightly
codegen_flags: <defaults>
</compile_context>

<pallas_src>
import functools

import jax
import jax.numpy as jnp
from jax import lax
from jax.experimental import pallas as pl
from jax.experimental.pallas import tpu as pltpu
from jax.experimental.pallas import tpu_sc as plsc

N = 10000
E = 320000
IN_DIM = 128
HID = 64
OUT_DIM = 128

NC = 2
NS = 16
NW = NC * NS
EPW = E // NW
CH = 80
NITER = EPW // CH
NPAD = 10240
RPT = NPAD // NS
DEGW = 8

BLK = 1000
GRID = N // BLK

_SC_MESH = plsc.VectorSubcoreMesh(core_axis_name="c", subcore_axis_name="s")


@functools.partial(
    pl.kernel,
    out_type=jax.ShapeDtypeStruct((NC * NPAD, 128), jnp.float32),
    mesh=_SC_MESH,
    compiler_params=pltpu.CompilerParams(use_tc_tiling_on_sc=False),
    scratch_types=[
        pltpu.VMEM((NITER, CH), jnp.int32),
        pltpu.VMEM((NITER, CH), jnp.int32),
        pltpu.VMEM((6, CH, HID), jnp.float32),
        pltpu.VMEM((CH, DEGW), jnp.float32),
        pltpu.VMEM_SHARED((NPAD, HID), jnp.float32),
        pltpu.VMEM_SHARED((NPAD, DEGW), jnp.float32),
        pltpu.SemaphoreType.DMA,
        pltpu.SemaphoreType.DMA,
        pltpu.SemaphoreType.DMA,
        pltpu.SemaphoreType.DMA,
        pltpu.SemaphoreType.DMA,
        pltpu.SemaphoreType.DMA,
    ],
)
def _sc_agg_deg(xp, edge4, z64, z16, ones16, part_out,
                sidx, didx, rows, ones_v, acc, dacc, *sems):
    c = lax.axis_index("c")
    s = lax.axis_index("s")
    wid = c * NS + s
    r0 = pl.multiple_of(s * RPT, 8)

    pltpu.sync_copy(edge4.at[0].at[wid], sidx)
    pltpu.sync_copy(edge4.at[1].at[wid], didx)
    for _b in range(5):
        pltpu.async_copy(xp.at[sidx.at[_b]], rows.at[_b], sems[_b])
    pltpu.sync_copy(z64.at[pl.ds(r0, RPT)], acc.at[pl.ds(r0, RPT)])
    pltpu.sync_copy(z16.at[pl.ds(r0, RPT)], dacc.at[pl.ds(r0, RPT)])
    pltpu.sync_copy(ones16, ones_v)
    plsc.subcore_barrier()

    def scat(i, buf):
        pltpu.sync_copy(rows.at[buf], acc.at[didx.at[i]], add=True)
        pltpu.sync_copy(ones_v, dacc.at[didx.at[i]], add=True)

    def step(k, carry):
        i = 6 * k
        for _b in range(6):
            pltpu.async_copy(xp.at[sidx.at[i + 5 + _b]],
                             rows.at[(5 + _b) % 6], sems[(5 + _b) % 6])
            pltpu.make_async_copy(xp.at[sidx.at[i + _b]],
                                  rows.at[_b], sems[_b]).wait()
            scat(i + _b, _b)
        return carry

    NL = (NITER - 5) // 6
    lax.fori_loop(0, NL, step, 0)
    for _b in range(5):
        j = NITER - 5 + _b
        pltpu.make_async_copy(xp.at[sidx.at[j]], rows.at[_b], sems[_b]).wait()
        scat(j, _b)
    plsc.subcore_barrier()

    out_r0 = pl.multiple_of(c * NPAD + s * RPT, 8)
    pltpu.sync_copy(acc.at[pl.ds(r0, RPT)],
                    part_out.at[pl.ds(out_r0, RPT), pl.ds(0, HID)])
    pltpu.sync_copy(dacc.at[pl.ds(r0, RPT)],
                    part_out.at[pl.ds(out_r0, RPT), pl.ds(HID, DEGW)])


@functools.partial(
    pl.kernel,
    out_type=jax.ShapeDtypeStruct((NC * NPAD, 128), jnp.float32),
    mesh=_SC_MESH,
    compiler_params=pltpu.CompilerParams(use_tc_tiling_on_sc=False),
    scratch_types=[
        pltpu.VMEM((NITER, CH), jnp.int32),
        pltpu.VMEM((NITER, CH), jnp.int32),
        pltpu.VMEM((6, CH, HID), jnp.float32),
        pltpu.VMEM_SHARED((NPAD, HID), jnp.float32),
        pltpu.SemaphoreType.DMA,
        pltpu.SemaphoreType.DMA,
        pltpu.SemaphoreType.DMA,
        pltpu.SemaphoreType.DMA,
        pltpu.SemaphoreType.DMA,
        pltpu.SemaphoreType.DMA,
    ],
)
def _sc_agg(xp, edge4, z64, part_out, sidx, didx, rows, acc, *sems):
    c = lax.axis_index("c")
    s = lax.axis_index("s")
    wid = c * NS + s
    r0 = pl.multiple_of(s * RPT, 8)

    pltpu.sync_copy(edge4.at[0].at[wid], sidx)
    pltpu.sync_copy(edge4.at[1].at[wid], didx)
    for _b in range(5):
        pltpu.async_copy(xp.at[sidx.at[_b]], rows.at[_b], sems[_b])
    pltpu.sync_copy(z64.at[pl.ds(r0, RPT)], acc.at[pl.ds(r0, RPT)])
    plsc.subcore_barrier()

    def scat(i, buf):
        pltpu.sync_copy(rows.at[buf], acc.at[didx.at[i]], add=True)

    def step(k, carry):
        i = 6 * k
        for _b in range(6):
            pltpu.async_copy(xp.at[sidx.at[i + 5 + _b]],
                             rows.at[(5 + _b) % 6], sems[(5 + _b) % 6])
            pltpu.make_async_copy(xp.at[sidx.at[i + _b]],
                                  rows.at[_b], sems[_b]).wait()
            scat(i + _b, _b)
        return carry

    NL = (NITER - 5) // 6
    lax.fori_loop(0, NL, step, 0)
    for _b in range(5):
        j = NITER - 5 + _b
        pltpu.make_async_copy(xp.at[sidx.at[j]], rows.at[_b], sems[_b]).wait()
        scat(j, _b)
    plsc.subcore_barrier()

    out_r0 = pl.multiple_of(c * NPAD + s * RPT, 8)
    pltpu.sync_copy(acc.at[pl.ds(r0, RPT)],
                    part_out.at[pl.ds(out_r0, RPT), pl.ds(0, HID)])


def _tc_a1_body(x_ref, wl, xp_o):
    xp_o[...] = jnp.dot(x_ref[...], wl[...], preferred_element_type=jnp.float32)


def _tc_a2_body(x_ref, wr, wres, bl, br, bres, xr_o, xres_o):
    x = x_ref[...]
    xr_o[...] = jnp.dot(x, wr[...], preferred_element_type=jnp.float32) + bl[...] + br[...]
    xres_o[...] = jnp.dot(x, wres[...], preferred_element_type=jnp.float32) + bres[...]


def _ln_relu(h, g, be):
    mu = jnp.mean(h, axis=1, keepdims=True)
    var = jnp.mean((h - mu) * (h - mu), axis=1, keepdims=True)
    h = (h - mu) * lax.rsqrt(var + 1e-5) * g + be
    return jnp.maximum(h, 0.0)


def _tc_b1_body(pa, pb, xr, xres, g, be, wl2, x1_o, xp2_o, rdeg_o):
    pa0 = pa[0]
    pb0 = pb[0]
    ssum = pa0[:, :HID] + pb0[:, :HID]
    deg = jnp.sum(pa0[:, HID:HID + DEGW] + pb0[:, HID:HID + DEGW],
                  axis=1, keepdims=True)
    rdeg = 1.0 / jnp.maximum(deg, 1.0)
    rdeg_o[...] = jnp.broadcast_to(rdeg, (BLK, DEGW))
    h = ssum * rdeg + xr[...]
    h = _ln_relu(h, g[...], be[...])
    x1 = xres[...] + h
    x1_o[...] = x1
    xp2_o[...] = jnp.dot(x1, wl2[...], preferred_element_type=jnp.float32)


def _tc_b2_body(x1_ref, wr2, bl2, br2, xr2_o):
    xr2_o[...] = jnp.dot(x1_ref[...], wr2[...], preferred_element_type=jnp.float32) + bl2[...] + br2[...]


def _tc_c_body(pa, pb, rdeg_ref, xr2, x1, g, be, wh, bh, out_o):
    ssum = pa[0][:, :HID] + pb[0][:, :HID]
    rdeg = rdeg_ref[:, 0:1]
    h = ssum * rdeg + xr2[...]
    h = _ln_relu(h, g[...], be[...])
    x2 = x1[...] + h
    out_o[...] = jnp.dot(x2, wh[...], preferred_element_type=jnp.float32) + bh[...]


def _row_spec(width):
    return pl.BlockSpec((BLK, width), lambda i: (i, 0))


def _slab_spec(width, slab, col_blk=0):
    return pl.BlockSpec((1, BLK, width),
                        lambda i, _s=slab, _c=col_blk: (_s, i, _c))


def _full_spec(shape):
    return pl.BlockSpec(shape, lambda i: (0,) * len(shape))


def kernel(x, edge_index, Wl1, bl1, Wr1, br1, g1, be1, Wres1, bres1,
           Wl2, bl2, Wr2, br2, g2, be2, Wh, bh):
    edge4 = edge_index.astype(jnp.int32).reshape(2, NW, NITER, CH)

    z64 = jnp.zeros((NPAD, HID), jnp.float32)
    z16 = jnp.zeros((NPAD, DEGW), jnp.float32)
    ones16 = jnp.zeros((CH, DEGW), jnp.float32).at[:, 0].set(1.0)

    bl1r = bl1.reshape(1, HID)
    br1r = br1.reshape(1, HID)
    bres1r = bres1.reshape(1, HID)
    g1r = g1.reshape(1, HID)
    be1r = be1.reshape(1, HID)
    bl2r = bl2.reshape(1, HID)
    br2r = br2.reshape(1, HID)
    g2r = g2.reshape(1, HID)
    be2r = be2.reshape(1, HID)
    bhr = bh.reshape(1, OUT_DIM)

    xp1 = pl.pallas_call(
        _tc_a1_body,
        grid=(GRID,),
        in_specs=[_row_spec(IN_DIM), _full_spec((IN_DIM, HID))],
        out_specs=_row_spec(HID),
        out_shape=jax.ShapeDtypeStruct((N, HID), jnp.float32),
    )(x, Wl1)

    xr1, xres = pl.pallas_call(
        _tc_a2_body,
        grid=(GRID,),
        in_specs=[
            _row_spec(IN_DIM),
            _full_spec((IN_DIM, HID)),
            _full_spec((IN_DIM, HID)),
            _full_spec((1, HID)),
            _full_spec((1, HID)),
            _full_spec((1, HID)),
        ],
        out_specs=[_row_spec(HID), _row_spec(HID)],
        out_shape=[
            jax.ShapeDtypeStruct((N, HID), jnp.float32),
            jax.ShapeDtypeStruct((N, HID), jnp.float32),
        ],
    )(x, Wr1, Wres1, bl1r, br1r, bres1r)

    part1 = _sc_agg_deg(xp1, edge4, z64, z16, ones16).reshape(NC, NPAD, 128)

    x1, xp2, rdeg = pl.pallas_call(
        _tc_b1_body,
        grid=(GRID,),
        in_specs=[
            _slab_spec(128, 0), _slab_spec(128, 1),
            _row_spec(HID), _row_spec(HID),
            _full_spec((1, HID)), _full_spec((1, HID)),
            _full_spec((HID, HID)),
        ],
        out_specs=[_row_spec(HID), _row_spec(HID), _row_spec(DEGW)],
        out_shape=[
            jax.ShapeDtypeStruct((N, HID), jnp.float32),
            jax.ShapeDtypeStruct((N, HID), jnp.float32),
            jax.ShapeDtypeStruct((N, DEGW), jnp.float32),
        ],
    )(part1, part1, xr1, xres, g1r, be1r, Wl2)

    part2 = _sc_agg(xp2, edge4, z64).reshape(NC, NPAD, 128)

    xr2 = pl.pallas_call(
        _tc_b2_body,
        grid=(GRID,),
        in_specs=[
            _row_spec(HID),
            _full_spec((HID, HID)),
            _full_spec((1, HID)),
            _full_spec((1, HID)),
        ],
        out_specs=_row_spec(HID),
        out_shape=jax.ShapeDtypeStruct((N, HID), jnp.float32),
    )(x1, Wr2, bl2r, br2r)

    out = pl.pallas_call(
        _tc_c_body,
        grid=(GRID,),
        in_specs=[
            _slab_spec(128, 0), _slab_spec(128, 1),
            _row_spec(DEGW),
            _row_spec(HID), _row_spec(HID),
            _full_spec((1, HID)), _full_spec((1, HID)),
            _full_spec((HID, OUT_DIM)), _full_spec((1, OUT_DIM)),
        ],
        out_specs=_row_spec(OUT_DIM),
        out_shape=jax.ShapeDtypeStruct((N, OUT_DIM), jnp.float32),
    )(part2, part2, rdeg, xr2, x1, g2r, be2r, Wh, bhr)

    return out

# --- scband reference (transcript-rebuilt; emitter-appended) ---
"""Pipeline reference for scband-graph-sage-71760313581753 (READ-ONLY COPY).

The authoritative reference and input builder live on the scoring server;
editing this copy changes nothing except your own understanding.
"""

import jax, jax.numpy as jnp
import numpy as np

N = 10000
E = 320000
IN_DIM = 128
HID = 64
OUT_DIM = 128

def _ln(h, g, b, eps=1e-5):
    mu = jnp.mean(h, axis=-1, keepdims=True)
    var = jnp.var(h, axis=-1, keepdims=True)
    return (h - mu) / jnp.sqrt(var + eps) * g + b

def _sage_conv(x, src, dst, Wl, bl, Wr, br):
    msg = jnp.take(x, src, axis=0)
    agg = jax.ops.segment_sum(msg, dst, num_segments=N)
    deg = jax.ops.segment_sum(jnp.ones((E,), dtype=x.dtype), dst, num_segments=N)
    mean = agg / jnp.clip(deg, 1.0, None)[:, None]
    return mean @ Wl + bl + x @ Wr + br

def setup_inputs(seed: int = 0) -> dict:
    key = jax.random.key(seed)
    ks = jax.random.split(key, 16)
    x = jax.random.normal(ks[0], (N, IN_DIM), dtype=jnp.float32)
    edge_index = jax.random.randint(ks[1], (2, E), 0, N, dtype=jnp.int64)
    s = 0.05
    return {
        'x': x,
        'edge_index': edge_index,
        'Wl1': jax.random.normal(ks[2], (IN_DIM, HID), dtype=jnp.float32) * s,
        'bl1': jnp.zeros((HID,), dtype=jnp.float32),
        'Wr1': jax.random.normal(ks[3], (IN_DIM, HID), dtype=jnp.float32) * s,
        'br1': jnp.zeros((HID,), dtype=jnp.float32),
        'g1': jnp.ones((HID,), dtype=jnp.float32),
        'be1': jnp.zeros((HID,), dtype=jnp.float32),
        'Wres1': jax.random.normal(ks[4], (IN_DIM, HID), dtype=jnp.float32) * s,
        'bres1': jnp.zeros((HID,), dtype=jnp.float32),
        'Wl2': jax.random.normal(ks[5], (HID, HID), dtype=jnp.float32) * s,
        'bl2': jnp.zeros((HID,), dtype=jnp.float32),
        'Wr2': jax.random.normal(ks[6], (HID, HID), dtype=jnp.float32) * s,
        'br2': jnp.zeros((HID,), dtype=jnp.float32),
        'g2': jnp.ones((HID,), dtype=jnp.float32),
        'be2': jnp.zeros((HID,), dtype=jnp.float32),
        'Wh': jax.random.normal(ks[7], (HID, OUT_DIM), dtype=jnp.float32) * s,
        'bh': jnp.zeros((OUT_DIM,), dtype=jnp.float32),
    }

def reference(x, edge_index, Wl1, bl1, Wr1, br1, g1, be1, Wres1, bres1, Wl2, bl2, Wr2, br2, g2, be2, Wh, bh):
    src = edge_index[0]
    dst = edge_index[1]
    # layer 1 (in_dim -> hidden), residual via projection since dims differ
    h = _sage_conv(x, src, dst, Wl1, bl1, Wr1, br1)
    h = _ln(h, g1, be1)
    h = jax.nn.relu(h)
    x1 = (x @ Wres1 + bres1) + h
    # layer 2 (hidden -> hidden), identity residual
    h = _sage_conv(x1, src, dst, Wl2, bl2, Wr2, br2)
    h = _ln(h, g2, be2)
    h = jax.nn.relu(h)
    x2 = x1 + h
    # head
    return x2 @ Wh + bh

if __name__ == "__main__":
    import jax
    _d = setup_inputs()
    print(jax.jit(kernel)(*tuple(_d.values())))

</pallas_src>

<mosaic_0001>
#map = affine_map<(d0, d1) -> (0, 0)>
#map1 = affine_map<(d0, d1) -> (0, 0, 0, 0)>
module attributes {stable_mosaic.version = 14 : i64} {
  func.func @_sc_agg(%arg0: i32, %arg1: i32, %arg2: memref<10000x64xf32, #tpu.memory_space<hbm>>, %arg3: memref<2x32x125x80xi32, #tpu.memory_space<hbm>>, %arg4: memref<10240x64xf32, #tpu.memory_space<hbm>>, %arg5: memref<20480x128xf32, #tpu.memory_space<hbm>>, %arg6: memref<125x80xi32, #tpu.memory_space<vmem>>, %arg7: memref<125x80xi32, #tpu.memory_space<vmem>>, %arg8: memref<6x80x64xf32, #tpu.memory_space<vmem>>, %arg9: memref<10240x64xf32, #tpu.memory_space<vmem_shared>>, %arg10: memref<!tpu.dma_semaphore, #tpu.memory_space<semaphore_mem>>, %arg11: memref<!tpu.dma_semaphore, #tpu.memory_space<semaphore_mem>>, %arg12: memref<!tpu.dma_semaphore, #tpu.memory_space<semaphore_mem>>, %arg13: memref<!tpu.dma_semaphore, #tpu.memory_space<semaphore_mem>>, %arg14: memref<!tpu.dma_semaphore, #tpu.memory_space<semaphore_mem>>, %arg15: memref<!tpu.dma_semaphore, #tpu.memory_space<semaphore_mem>>) attributes {dimension_semantics = [#tpu.dimension_semantics<core_parallel>, #tpu.dimension_semantics<subcore_parallel>], iteration_bounds = array<i64: 2, 16>, scalar_prefetch = 0 : i64, scratch_operands = 10 : i64, tpu.core_type = #tpu.core_type<sc_vector_subcore>, window_params = [{transform_indices = #map}, {transform_indices = #map1}, {transform_indices = #map}, {transform_indices = #map}]} {
    %mul3A = arith.constant 16 : i32
    %mul3A_0 = arith.muli %arg0, %mul3A : i32
    %add3A = arith.addi %mul3A_0, %arg1 : i32
    %mul3A_1 = arith.constant 640 : i32
    %mul3A_2 = arith.muli %arg1, %mul3A_1 : i32
    %multiple_of3A = tpu.assume_multiple %mul3A_2, 8 : i32
    %run_scoped3A = arith.constant 0 : i32
    "tpu.region"() ({
      %run_scoped3A_144 = tpu.sem_alloc : memref<!tpu.dma_semaphore, #tpu.memory_space<semaphore_mem>>
      %dma_start3A_145 = arith.constant 0 : i32
      %dma_start3A_146 = arith.constant 0 : i32
      %dma_start3A_147 = arith.constant 0 : i32
      %dma_start3A_148 = tpu.memref_slice %arg3[%run_scoped3A, %dma_start3A_145, %dma_start3A_146, %dma_start3A_147] : memref<2x32x125x80xi32, #tpu.memory_space<hbm>> -> memref<1x32x125x80xi32, #tpu.memory_space<hbm>>
      %dma_start3A_149 = tpu.memref_squeeze %dma_start3A_148 : memref<1x32x125x80xi32, #tpu.memory_space<hbm>> -> memref<32x125x80xi32, #tpu.memory_space<hbm>>
      %dma_start3A_150 = arith.constant 0 : i32
      %dma_start3A_151 = arith.constant 0 : i32
      %dma_start3A_152 = tpu.memref_slice %dma_start3A_149[%add3A, %dma_start3A_150, %dma_start3A_151] : memref<32x125x80xi32, #tpu.memory_space<hbm>> -> memref<1x125x80xi32, #tpu.memory_space<hbm>>
      %dma_start3A_153 = tpu.memref_squeeze %dma_start3A_152 : memref<1x125x80xi32, #tpu.memory_space<hbm>> -> memref<125x80xi32, #tpu.memory_space<hbm>>
      %dma_start3A_154 = arith.constant 0 : i32
      %dma_start3A_155 = arith.constant 0 : i32
      %dma_start3A_156 = arith.constant 0 : i32
      %dma_start3A_157 = tpu.memref_slice %arg3[%run_scoped3A, %dma_start3A_154, %dma_start3A_155, %dma_start3A_156] : memref<2x32x125x80xi32, #tpu.memory_space<hbm>> -> memref<1x32x125x80xi32, #tpu.memory_space<hbm>>
      %dma_start3A_158 = tpu.memref_squeeze %dma_start3A_157 : memref<1x32x125x80xi32, #tpu.memory_space<hbm>> -> memref<32x125x80xi32, #tpu.memory_space<hbm>>
      %dma_start3A_159 = arith.constant 0 : i32
      %dma_start3A_160 = arith.constant 0 : i32
      %dma_start3A_161 = tpu.memref_slice %dma_start3A_158[%add3A, %dma_start3A_159, %dma_start3A_160] : memref<32x125x80xi32, #tpu.memory_space<hbm>> -> memref<1x125x80xi32, #tpu.memory_space<hbm>>
      %dma_start3A_162 = tpu.memref_squeeze %dma_start3A_161 : memref<1x125x80xi32, #tpu.memory_space<hbm>> -> memref<125x80xi32, #tpu.memory_space<hbm>>
      tpu.enqueue_dma source(%dma_start3A_162 : memref<125x80xi32, #tpu.memory_space<hbm>>) target(%arg6 : memref<125x80xi32, #tpu.memory_space<vmem>>) target_semaphore(%run_scoped3A_144 : memref<!tpu.dma_semaphore, #tpu.memory_space<semaphore_mem>>)
      %dma_wait3A_163 = arith.constant 0 : i32
      %dma_wait3A_164 = arith.constant 0 : i32
      %dma_wait3A_165 = arith.constant 0 : i32
      %dma_wait3A_166 = tpu.memref_slice %arg3[%run_scoped3A, %dma_wait3A_163, %dma_wait3A_164, %dma_wait3A_165] : memref<2x32x125x80xi32, #tpu.memory_space<hbm>> -> memref<1x32x125x80xi32, #tpu.memory_space<hbm>>
      %dma_wait3A_167 = tpu.memref_squeeze %dma_wait3A_166 : memref<1x32x125x80xi32, #tpu.memory_space<hbm>> -> memref<32x125x80xi32, #tpu.memory_space<hbm>>
      %dma_wait3A_168 = arith.constant 0 : i32
      %dma_wait3A_169 = arith.constant 0 : i32
      %dma_wait3A_170 = tpu.memref_slice %dma_wait3A_167[%add3A, %dma_wait3A_168, %dma_wait3A_169] : memref<32x125x80xi32, #tpu.memory_space<hbm>> -> memref<1x125x80xi32, #tpu.memory_space<hbm>>
      %dma_wait3A_171 = tpu.memref_squeeze %dma_wait3A_170 : memref<1x125x80xi32, #tpu.memory_space<hbm>> -> memref<125x80xi32, #tpu.memory_space<hbm>>
      %dma_wait3A_172 = arith.constant 0 : i32
      %dma_wait3A_173 = arith.constant 0 : i32
      %dma_wait3A_174 = arith.constant 0 : i32
      %dma_wait3A_175 = tpu.memref_slice %arg3[%run_scoped3A, %dma_wait3A_172, %dma_wait3A_173, %dma_wait3A_174] : memref<2x32x125x80xi32, #tpu.memory_space<hbm>> -> memref<1x32x125x80xi32, #tpu.memory_space<hbm>>
      %dma_wait3A_176 = tpu.memref_squeeze %dma_wait3A_175 : memref<1x32x125x80xi32, #tpu.memory_space<hbm>> -> memref<32x125x80xi32, #tpu.memory_space<hbm>>
      %dma_wait3A_177 = arith.constant 0 : i32
      %dma_wait3A_178 = arith.constant 0 : i32
      %dma_wait3A_179 = tpu.memref_slice %dma_wait3A_176[%add3A, %dma_wait3A_177, %dma_wait3A_178] : memref<32x125x80xi32, #tpu.memory_space<hbm>> -> memref<1x125x80xi32, #tpu.memory_space<hbm>>
      %dma_wait3A_180 = tpu.memref_squeeze %dma_wait3A_179 : memref<1x125x80xi32, #tpu.memory_space<hbm>> -> memref<125x80xi32, #tpu.memory_space<hbm>>
      tpu.wait_dma2 semaphore(%run_scoped3A_144 : memref<!tpu.dma_semaphore, #tpu.memory_space<semaphore_mem>>) src(%dma_wait3A_180 : memref<125x80xi32, #tpu.memory_space<hbm>>) dst(%arg6 : memref<125x80xi32, #tpu.memory_space<vmem>>)
      tpu.yield
    }) : () -> ()
    %run_scoped3A_3 = arith.constant 1 : i32
    "tpu.region"() ({
      %run_scoped3A_144 = tpu.sem_alloc : memref<!tpu.dma_semaphore, #tpu.memory_space<semaphore_mem>>
      %dma_start3A_145 = arith.constant 0 : i32
      %dma_start3A_146 = arith.constant 0 : i32
      %dma_start3A_147 = arith.constant 0 : i32
      %dma_start3A_148 = tpu.memref_slice %arg3[%run_scoped3A_3, %dma_start3A_145, %dma_start3A_146, %dma_start3A_147] : memref<2x32x125x80xi32, #tpu.memory_space<hbm>> -> memref<1x32x125x80xi32, #tpu.memory_space<hbm>>
      %dma_start3A_149 = tpu.memref_squeeze %dma_start3A_148 : memref<1x32x125x80xi32, #tpu.memory_space<hbm>> -> memref<32x125x80xi32, #tpu.memory_space<hbm>>
      %dma_start3A_150 = arith.constant 0 : i32
      %dma_start3A_151 = arith.constant 0 : i32
      %dma_start3A_152 = tpu.memref_slice %dma_start3A_149[%add3A, %dma_start3A_150, %dma_start3A_151] : memref<32x125x80xi32, #tpu.memory_space<hbm>> -> memref<1x125x80xi32, #tpu.memory_space<hbm>>
      %dma_start3A_153 = tpu.memref_squeeze %dma_start3A_152 : memref<1x125x80xi32, #tpu.memory_space<hbm>> -> memref<125x80xi32, #tpu.memory_space<hbm>>
      %dma_start3A_154 = arith.constant 0 : i32
      %dma_start3A_155 = arith.constant 0 : i32
      %dma_start3A_156 = arith.constant 0 : i32
      %dma_start3A_157 = tpu.memref_slice %arg3[%run_scoped3A_3, %dma_start3A_154, %dma_start3A_155, %dma_start3A_156] : memref<2x32x125x80xi32, #tpu.memory_space<hbm>> -> memref<1x32x125x80xi32, #tpu.memory_space<hbm>>
      %dma_start3A_158 = tpu.memref_squeeze %dma_start3A_157 : memref<1x32x125x80xi32, #tpu.memory_space<hbm>> -> memref<32x125x80xi32, #tpu.memory_space<hbm>>
      %dma_start3A_159 = arith.constant 0 : i32
      %dma_start3A_160 = arith.constant 0 : i32
      %dma_start3A_161 = tpu.memref_slice %dma_start3A_158[%add3A, %dma_start3A_159, %dma_start3A_160] : memref<32x125x80xi32, #tpu.memory_space<hbm>> -> memref<1x125x80xi32, #tpu.memory_space<hbm>>
      %dma_start3A_162 = tpu.memref_squeeze %dma_start3A_161 : memref<1x125x80xi32, #tpu.memory_space<hbm>> -> memref<125x80xi32, #tpu.memory_space<hbm>>
      tpu.enqueue_dma source(%dma_start3A_162 : memref<125x80xi32, #tpu.memory_space<hbm>>) target(%arg7 : memref<125x80xi32, #tpu.memory_space<vmem>>) target_semaphore(%run_scoped3A_144 : memref<!tpu.dma_semaphore, #tpu.memory_space<semaphore_mem>>)
      %dma_wait3A_163 = arith.constant 0 : i32
      %dma_wait3A_164 = arith.constant 0 : i32
      %dma_wait3A_165 = arith.constant 0 : i32
      %dma_wait3A_166 = tpu.memref_slice %arg3[%run_scoped3A_3, %dma_wait3A_163, %dma_wait3A_164, %dma_wait3A_165] : memref<2x32x125x80xi32, #tpu.memory_space<hbm>> -> memref<1x32x125x80xi32, #tpu.memory_space<hbm>>
      %dma_wait3A_167 = tpu.memref_squeeze %dma_wait3A_166 : memref<1x32x125x80xi32, #tpu.memory_space<hbm>> -> memref<32x125x80xi32, #tpu.memory_space<hbm>>
      %dma_wait3A_168 = arith.constant 0 : i32
      %dma_wait3A_169 = arith.constant 0 : i32
      %dma_wait3A_170 = tpu.memref_slice %dma_wait3A_167[%add3A, %dma_wait3A_168, %dma_wait3A_169] : memref<32x125x80xi32, #tpu.memory_space<hbm>> -> memref<1x125x80xi32, #tpu.memory_space<hbm>>
      %dma_wait3A_171 = tpu.memref_squeeze %dma_wait3A_170 : memref<1x125x80xi32, #tpu.memory_space<hbm>> -> memref<125x80xi32, #tpu.memory_space<hbm>>
      %dma_wait3A_172 = arith.constant 0 : i32
      %dma_wait3A_173 = arith.constant 0 : i32
      %dma_wait3A_174 = arith.constant 0 : i32
      %dma_wait3A_175 = tpu.memref_slice %arg3[%run_scoped3A_3, %dma_wait3A_172, %dma_wait3A_173, %dma_wait3A_174] : memref<2x32x125x80xi32, #tpu.memory_space<hbm>> -> memref<1x32x125x80xi32, #tpu.memory_space<hbm>>
      %dma_wait3A_176 = tpu.memref_squeeze %dma_wait3A_175 : memref<1x32x125x80xi32, #tpu.memory_space<hbm>> -> memref<32x125x80xi32, #tpu.memory_space<hbm>>
      %dma_wait3A_177 = arith.constant 0 : i32
      %dma_wait3A_178 = arith.constant 0 : i32
      %dma_wait3A_179 = tpu.memref_slice %dma_wait3A_176[%add3A, %dma_wait3A_177, %dma_wait3A_178] : memref<32x125x80xi32, #tpu.memory_space<hbm>> -> memref<1x125x80xi32, #tpu.memory_space<hbm>>
      %dma_wait3A_180 = tpu.memref_squeeze %dma_wait3A_179 : memref<1x125x80xi32, #tpu.memory_space<hbm>> -> memref<125x80xi32, #tpu.memory_space<hbm>>
      tpu.wait_dma2 semaphore(%run_scoped3A_144 : memref<!tpu.dma_semaphore, #tpu.memory_space<semaphore_mem>>) src(%dma_wait3A_180 : memref<125x80xi32, #tpu.memory_space<hbm>>) dst(%arg7 : memref<125x80xi32, #tpu.memory_space<vmem>>)
      tpu.yield
    }) : () -> ()
    %dma_start3A = arith.constant 0 : i32
    %dma_start3A_4 = arith.constant 0 : i32
    %dma_start3A_5 = arith.constant 0 : i32
    %dma_start3A_6 = arith.constant 0 : i32
    %dma_start3A_7 = tpu.memref_slice %arg8[%dma_start3A_4, %dma_start3A_5, %dma_start3A_6] : memref<6x80x64xf32, #tpu.memory_space<vmem>> -> memref<1x80x64xf32, #tpu.memory_space<vmem>>
    %dma_start3A_8 = tpu.memref_squeeze %dma_start3A_7 : memref<1x80x64xf32, #tpu.memory_space<vmem>> -> memref<80x64xf32, #tpu.memory_space<vmem>>
    %dma_start3A_9 = arith.constant 0 : i32
    %dma_start3A_10 = tpu.memref_slice %arg6[%dma_start3A, %dma_start3A_9] : memref<125x80xi32, #tpu.memory_space<vmem>> -> memref<1x80xi32, #tpu.memory_space<vmem>>
    %dma_start3A_11 = tpu.memref_squeeze %dma_start3A_10 : memref<1x80xi32, #tpu.memory_space<vmem>> -> memref<80xi32, #tpu.memory_space<vmem>>
    %dma_start3A_12 = arith.constant 0 : i32
    %dma_start3A_13 = arith.constant 0 : i32
    %dma_start3A_14 = tpu.memref_slice %arg2[%dma_start3A_12, %dma_start3A_13] : memref<10000x64xf32, #tpu.memory_space<hbm>> -> memref<10000x64xf32, #tpu.memory_space<hbm>>
    tpu.enqueue_indirect_dma source(%dma_start3A_14 : memref<10000x64xf32, #tpu.memory_space<hbm>>) target(%dma_start3A_8 : memref<80x64xf32, #tpu.memory_space<vmem>>) offsets(%dma_start3A_11 : memref<80xi32, #tpu.memory_space<vmem>>) semaphore(%arg10 : memref<!tpu.dma_semaphore, #tpu.memory_space<semaphore_mem>>)
    %dma_start3A_15 = arith.constant 1 : i32
    %dma_start3A_16 = arith.constant 1 : i32
    %dma_start3A_17 = arith.constant 0 : i32
    %dma_start3A_18 = arith.constant 0 : i32
    %dma_start3A_19 = tpu.memref_slice %arg8[%dma_start3A_16, %dma_start3A_17, %dma_start3A_18] : memref<6x80x64xf32, #tpu.memory_space<vmem>> -> memref<1x80x64xf32, #tpu.memory_space<vmem>>
    %dma_start3A_20 = tpu.memref_squeeze %dma_start3A_19 : memref<1x80x64xf32, #tpu.memory_space<vmem>> -> memref<80x64xf32, #tpu.memory_space<vmem>>
    %dma_start3A_21 = arith.constant 0 : i32
    %dma_start3A_22 = tpu.memref_slice %arg6[%dma_start3A_15, %dma_start3A_21] : memref<125x80xi32, #tpu.memory_space<vmem>> -> memref<1x80xi32, #tpu.memory_space<vmem>>
    %dma_start3A_23 = tpu.memref_squeeze %dma_start3A_22 : memref<1x80xi32, #tpu.memory_space<vmem>> -> memref<80xi32, #tpu.memory_space<vmem>>
    %dma_start3A_24 = arith.constant 0 : i32
    %dma_start3A_25 = arith.constant 0 : i32
    %dma_start3A_26 = tpu.memref_slice %arg2[%dma_start3A_24, %dma_start3A_25] : memref<10000x64xf32, #tpu.memory_space<hbm>> -> memref<10000x64xf32, #tpu.memory_space<hbm>>
    tpu.enqueue_indirect_dma source(%dma_start3A_26 : memref<10000x64xf32, #tpu.memory_space<hbm>>) target(%dma_start3A_20 : memref<80x64xf32, #tpu.memory_space<vmem>>) offsets(%dma_start3A_23 : memref<80xi32, #tpu.memory_space<vmem>>) semaphore(%arg11 : memref<!tpu.dma_semaphore, #tpu.memory_space<semaphore_mem>>)
    %dma_start3A_27 = arith.constant 2 : i32
    %dma_start3A_28 = arith.constant 2 : i32
    %dma_start3A_29 = arith.constant 0 : i32
    %dma_start3A_30 = arith.constant 0 : i32
    %dma_start3A_31 = tpu.memref_slice %arg8[%dma_start3A_28, %dma_start3A_29, %dma_start3A_30] : memref<6x80x64xf32, #tpu.memory_space<vmem>> -> memref<1x80x64xf32, #tpu.memory_space<vmem>>
    %dma_start3A_32 = tpu.memref_squeeze %dma_start3A_31 : memref<1x80x64xf32, #tpu.memory_space<vmem>> -> memref<80x64xf32, #tpu.memory_space<vmem>>
    %dma_start3A_33 = arith.constant 0 : i32
    %dma_start3A_34 = tpu.memref_slice %arg6[%dma_start3A_27, %dma_start3A_33] : memref<125x80xi32, #tpu.memory_space<vmem>> -> memref<1x80xi32, #tpu.memory_space<vmem>>
    %dma_start3A_35 = tpu.memref_squeeze %dma_start3A_34 : memref<1x80xi32, #tpu.memory_space<vmem>> -> memref<80xi32, #tpu.memory_space<vmem>>
    %dma_start3A_36 = arith.constant 0 : i32
    %dma_start3A_37 = arith.constant 0 : i32
    %dma_start3A_38 = tpu.memref_slice %arg2[%dma_start3A_36, %dma_start3A_37] : memref<10000x64xf32, #tpu.memory_space<hbm>> -> memref<10000x64xf32, #tpu.memory_space<hbm>>
    tpu.enqueue_indirect_dma source(%dma_start3A_38 : memref<10000x64xf32, #tpu.memory_space<hbm>>) target(%dma_start3A_32 : memref<80x64xf32, #tpu.memory_space<vmem>>) offsets(%dma_start3A_35 : memref<80xi32, #tpu.memory_space<vmem>>) semaphore(%arg12 : memref<!tpu.dma_semaphore, #tpu.memory_space<semaphore_mem>>)
    %dma_start3A_39 = arith.constant 3 : i32
    %dma_start3A_40 = arith.constant 3 : i32
    %dma_start3A_41 = arith.constant 0 : i32
    %dma_start3A_42 = arith.constant 0 : i32
    %dma_start3A_43 = tpu.memref_slice %arg8[%dma_start3A_40, %dma_start3A_41, %dma_start3A_42] : memref<6x80x64xf32, #tpu.memory_space<vmem>> -> memref<1x80x64xf32, #tpu.memory_space<vmem>>
    %dma_start3A_44 = tpu.memref_squeeze %dma_start3A_43 : memref<1x80x64xf32, #tpu.memory_space<vmem>> -> memref<80x64xf32, #tpu.memory_space<vmem>>
    %dma_start3A_45 = arith.constant 0 : i32
    %dma_start3A_46 = tpu.memref_slice %arg6[%dma_start3A_39, %dma_start3A_45] : memref<125x80xi32, #tpu.memory_space<vmem>> -> memref<1x80xi32, #tpu.memory_space<vmem>>
    %dma_start3A_47 = tpu.memref_squeeze %dma_start3A_46 : memref<1x80xi32, #tpu.memory_space<vmem>> -> memref<80xi32, #tpu.memory_space<vmem>>
    %dma_start3A_48 = arith.constant 0 : i32
    %dma_start3A_49 = arith.constant 0 : i32
    %dma_start3A_50 = tpu.memref_slice %arg2[%dma_start3A_48, %dma_start3A_49] : memref<10000x64xf32, #tpu.memory_space<hbm>> -> memref<10000x64xf32, #tpu.memory_space<hbm>>
    tpu.enqueue_indirect_dma source(%dma_start3A_50 : memref<10000x64xf32, #tpu.memory_space<hbm>>) target(%dma_start3A_44 : memref<80x64xf32, #tpu.memory_space<vmem>>) offsets(%dma_start3A_47 : memref<80xi32, #tpu.memory_space<vmem>>) semaphore(%arg13 : memref<!tpu.dma_semaphore, #tpu.memory_space<semaphore_mem>>)
    %dma_start3A_51 = arith.constant 4 : i32
    %dma_start3A_52 = arith.constant 4 : i32
    %dma_start3A_53 = arith.constant 0 : i32
    %dma_start3A_54 = arith.constant 0 : i32
    %dma_start3A_55 = tpu.memref_slice %arg8[%dma_start3A_52, %dma_start3A_53, %dma_start3A_54] : memref<6x80x64xf32, #tpu.memory_space<vmem>> -> memref<1x80x64xf32, #tpu.memory_space<vmem>>
    %dma_start3A_56 = tpu.memref_squeeze %dma_start3A_55 : memref<1x80x64xf32, #tpu.memory_space<vmem>> -> memref<80x64xf32, #tpu.memory_space<vmem>>
    %dma_start3A_57 = arith.constant 0 : i32
    %dma_start3A_58 = tpu.memref_slice %arg6[%dma_start3A_51, %dma_start3A_57] : memref<125x80xi32, #tpu.memory_space<vmem>> -> memref<1x80xi32, #tpu.memory_space<vmem>>
    %dma_start3A_59 = tpu.memref_squeeze %dma_start3A_58 : memref<1x80xi32, #tpu.memory_space<vmem>> -> memref<80xi32, #tpu.memory_space<vmem>>
    %dma_start3A_60 = arith.constant 0 : i32
    %dma_start3A_61 = arith.constant 0 : i32
    %dma_start3A_62 = tpu.memref_slice %arg2[%dma_start3A_60, %dma_start3A_61] : memref<10000x64xf32, #tpu.memory_space<hbm>> -> memref<10000x64xf32, #tpu.memory_space<hbm>>
    tpu.enqueue_indirect_dma source(%dma_start3A_62 : memref<10000x64xf32, #tpu.memory_space<hbm>>) target(%dma_start3A_56 : memref<80x64xf32, #tpu.memory_space<vmem>>) offsets(%dma_start3A_59 : memref<80xi32, #tpu.memory_space<vmem>>) semaphore(%arg14 : memref<!tpu.dma_semaphore, #tpu.memory_space<semaphore_mem>>)
    "tpu.region"() ({
      %run_scoped3A_144 = tpu.sem_alloc : memref<!tpu.dma_semaphore, #tpu.memory_space<semaphore_mem>>
      %dma_start3A_145 = arith.constant 0 : i32
      %dma_start3A_146 = tpu.memref_slice %arg9[%multiple_of3A, %dma_start3A_145] : memref<10240x64xf32, #tpu.memory_space<vmem_shared>> -> memref<640x64xf32, #tpu.memory_space<vmem_shared>>
      %dma_start3A_147 = arith.constant 0 : i32
      %dma_start3A_148 = tpu.memref_slice %arg4[%multiple_of3A, %dma_start3A_147] : memref<10240x64xf32, #tpu.memory_space<hbm>> -> memref<640x64xf32, #tpu.memory_space<hbm>>
      tpu.enqueue_dma source(%dma_start3A_148 : memref<640x64xf32, #tpu.memory_space<hbm>>) target(%dma_start3A_146 : memref<640x64xf32, #tpu.memory_space<vmem_shared>>) target_semaphore(%run_scoped3A_144 : memref<!tpu.dma_semaphore, #tpu.memory_space<semaphore_mem>>)
      %dma_wait3A_149 = arith.constant 0 : i32
      %dma_wait3A_150 = tpu.memref_slice %arg9[%multiple_of3A, %dma_wait3A_149] : memref<10240x64xf32, #tpu.memory_space<vmem_shared>> -> memref<640x64xf32, #tpu.memory_space<vmem_shared>>
      %dma_wait3A_151 = arith.constant 0 : i32
      %dma_wait3A_152 = tpu.memref_slice %arg4[%multiple_of3A, %dma_wait3A_151] : memref<10240x64xf32, #tpu.memory_space<hbm>> -> memref<640x64xf32, #tpu.memory_space<hbm>>
      tpu.wait_dma2 semaphore(%run_scoped3A_144 : memref<!tpu.dma_semaphore, #tpu.memory_space<semaphore_mem>>) src(%dma_wait3A_152 : memref<640x64xf32, #tpu.memory_space<hbm>>) dst(%dma_wait3A_150 : memref<640x64xf32, #tpu.memory_space<vmem_shared>>)
      tpu.yield
    }) : () -> ()
    %barrier3A = arith.constant 0 : index
    tpu.barrier barrier_id(%barrier3A)
    %scan3A = arith.constant 0 : i32
    %scan3A_63 = arith.constant 0 : i32
    %scan3A_64 = arith.constant 20 : i32
    %scan3A_65 = arith.addi %scan3A_63, %scan3A_64 : i32
    %scan3A_66 = arith.constant 1 : i32
    scf.for %scan3A_144 = %scan3A_63 to %scan3A_65 step %scan3A_66  : i32 {
      %mul3A_145 = arith.constant 6 : i32
      %mul3A_146 = arith.muli %mul3A_145, %scan3A_144 : i32
      %add3A_147 = arith.constant 5 : i32
      %add3A_148 = arith.addi %mul3A_146, %add3A_147 : i32
      %add3A_149 = arith.constant 0 : i32
      %add3A_150 = arith.addi %add3A_148, %add3A_149 : i32
      %dma_start3A_151 = arith.constant 5 : i32
      %dma_start3A_152 = arith.constant 0 : i32
      %dma_start3A_153 = arith.constant 0 : i32
      %dma_start3A_154 = tpu.memref_slice %arg8[%dma_start3A_151, %dma_start3A_152, %dma_start3A_153] : memref<6x80x64xf32, #tpu.memory_space<vmem>> -> memref<1x80x64xf32, #tpu.memory_space<vmem>>
      %dma_start3A_155 = tpu.memref_squeeze %dma_start3A_154 : memref<1x80x64xf32, #tpu.memory_space<vmem>> -> memref<80x64xf32, #tpu.memory_space<vmem>>
      %dma_start3A_156 = arith.constant 0 : i32
      %dma_start3A_157 = tpu.memref_slice %arg6[%add3A_150, %dma_start3A_156] : memref<125x80xi32, #tpu.memory_space<vmem>> -> memref<1x80xi32, #tpu.memory_space<vmem>>
      %dma_start3A_158 = tpu.memref_squeeze %dma_start3A_157 : memref<1x80xi32, #tpu.memory_space<vmem>> -> memref<80xi32, #tpu.memory_space<vmem>>
      %dma_start3A_159 = arith.constant 0 : i32
      %dma_start3A_160 = arith.constant 0 : i32
      %dma_start3A_161 = tpu.memref_slice %arg2[%dma_start3A_159, %dma_start3A_160] : memref<10000x64xf32, #tpu.memory_space<hbm>> -> memref<10000x64xf32, #tpu.memory_space<hbm>>
      tpu.enqueue_indirect_dma source(%dma_start3A_161 : memref<10000x64xf32, #tpu.memory_space<hbm>>) target(%dma_start3A_155 : memref<80x64xf32, #tpu.memory_space<vmem>>) offsets(%dma_start3A_158 : memref<80xi32, #tpu.memory_space<vmem>>) semaphore(%arg15 : memref<!tpu.dma_semaphore, #tpu.memory_space<semaphore_mem>>)
      %add3A_162 = arith.constant 0 : i32
      %add3A_163 = arith.addi %mul3A_146, %add3A_162 : i32
      %dma_wait3A_164 = arith.constant 0 : i32
      %dma_wait3A_165 = arith.constant 0 : i32
      %dma_wait3A_166 = arith.constant 0 : i32
      %dma_wait3A_167 = tpu.memref_slice %arg8[%dma_wait3A_164, %dma_wait3A_165, %dma_wait3A_166] : memref<6x80x64xf32, #tpu.memory_space<vmem>> -> memref<1x80x64xf32, #tpu.memory_space<vmem>>
      %dma_wait3A_168 = tpu.memref_squeeze %dma_wait3A_167 : memref<1x80x64xf32, #tpu.memory_space<vmem>> -> memref<80x64xf32, #tpu.memory_space<vmem>>
      %dma_wait3A_169 = arith.constant 0 : i32
      %dma_wait3A_170 = tpu.memref_slice %arg6[%add3A_163, %dma_wait3A_169] : memref<125x80xi32, #tpu.memory_space<vmem>> -> memref<1x80xi32, #tpu.memory_space<vmem>>
      %dma_wait3A_171 = tpu.memref_squeeze %dma_wait3A_170 : memref<1x80xi32, #tpu.memory_space<vmem>> -> memref<80xi32, #tpu.memory_space<vmem>>
      %dma_wait3A_172 = arith.constant 0 : i32
      %dma_wait3A_173 = arith.constant 0 : i32
      %dma_wait3A_174 = tpu.memref_slice %arg2[%dma_wait3A_172, %dma_wait3A_173] : memref<10000x64xf32, #tpu.memory_space<hbm>> -> memref<10000x64xf32, #tpu.memory_space<hbm>>
      tpu.wait_indirect_dma semaphore(%arg10 : memref<!tpu.dma_semaphore, #tpu.memory_space<semaphore_mem>>) src(%dma_wait3A_174 : memref<10000x64xf32, #tpu.memory_space<hbm>>) dst(%dma_wait3A_168 : memref<80x64xf32, #tpu.memory_space<vmem>>)
      %add3A_175 = arith.constant 0 : i32
      %add3A_176 = arith.addi %mul3A_146, %add3A_175 : i32
      %run_scoped3A_177 = arith.constant 0 : i32
      "tpu.region"() ({
        %run_scoped3A_333 = tpu.sem_alloc : memref<!tpu.dma_semaphore, #tpu.memory_space<semaphore_mem>>
        %dma_start3A_334 = arith.constant 0 : i32
        %dma_start3A_335 = arith.constant 0 : i32
        %dma_start3A_336 = tpu.memref_slice %arg8[%run_scoped3A_177, %dma_start3A_334, %dma_start3A_335] : memref<6x80x64xf32, #tpu.memory_space<vmem>> -> memref<1x80x64xf32, #tpu.memory_space<vmem>>
        %dma_start3A_337 = tpu.memref_squeeze %dma_start3A_336 : memref<1x80x64xf32, #tpu.memory_space<vmem>> -> memref<80x64xf32, #tpu.memory_space<vmem>>
        %dma_start3A_338 = arith.constant 0 : i32
        %dma_start3A_339 = tpu.memref_slice %arg7[%add3A_176, %dma_start3A_338] : memref<125x80xi32, #tpu.memory_space<vmem>> -> memref<1x80xi32, #tpu.memory_space<vmem>>
        %dma_start3A_340 = tpu.memref_squeeze %dma_start3A_339 : memref<1x80xi32, #tpu.memory_space<vmem>> -> memref<80xi32, #tpu.memory_space<vmem>>
        %dma_start3A_341 = arith.constant 0 : i32
        %dma_start3A_342 = arith.constant 0 : i32
        %dma_start3A_343 = tpu.memref_slice %arg9[%dma_start3A_341, %dma_start3A_342] : memref<10240x64xf32, #tpu.memory_space<vmem_shared>> -> memref<10240x64xf32, #tpu.memory_space<vmem_shared>>
        tpu.enqueue_indirect_dma source(%dma_start3A_337 : memref<80x64xf32, #tpu.memory_space<vmem>>) target(%dma_start3A_343 : memref<10240x64xf32, #tpu.memory_space<vmem_shared>>) offsets(%dma_start3A_340 : memref<80xi32, #tpu.memory_space<vmem>>) semaphore(%run_scoped3A_333 : memref<!tpu.dma_semaphore, #tpu.memory_space<semaphore_mem>>) {add = true}
        %dma_wait3A_344 = arith.constant 0 : i32
        %dma_wait3A_345 = arith.constant 0 : i32
        %dma_wait3A_346 = tpu.memref_slice %arg8[%run_scoped3A_177, %dma_wait3A_344, %dma_wait3A_345] : memref<6x80x64xf32, #tpu.memory_space<vmem>> -> memref<1x80x64xf32, #tpu.memory_space<vmem>>
        %dma_wait3A_347 = tpu.memref_squeeze %dma_wait3A_346 : memref<1x80x64xf32, #tpu.memory_space<vmem>> -> memref<80x64xf32, #tpu.memory_space<vmem>>
        %dma_wait3A_348 = arith.constant 0 : i32
        %dma_wait3A_349 = tpu.memref_slice %arg7[%add3A_176, %dma_wait3A_348] : memref<125x80xi32, #tpu.memory_space<vmem>> -> memref<1x80xi32, #tpu.memory_space<vmem>>
        %dma_wait3A_350 = tpu.memref_squeeze %dma_wait3A_349 : memref<1x80xi32, #tpu.memory_space<vmem>> -> memref<80xi32, #tpu.memory_space<vmem>>
        %dma_wait3A_351 = arith.constant 0 : i32
        %dma_wait3A_352 = arith.constant 0 : i32
        %dma_wait3A_353 = tpu.memref_slice %arg9[%dma_wait3A_351, %dma_wait3A_352] : memref<10240x64xf32, #tpu.memory_space<vmem_shared>> -> memref<10240x64xf32, #tpu.memory_space<vmem_shared>>
        tpu.wait_indirect_dma semaphore(%run_scoped3A_333 : memref<!tpu.dma_semaphore, #tpu.memory_space<semaphore_mem>>) src(%dma_wait3A_347 : memref<80x64xf32, #tpu.memory_space<vmem>>) dst(%dma_wait3A_353 : memref<10240x64xf32, #tpu.memory_space<vmem_shared>>)
        tpu.yield
      }) : () -> ()
      %add3A_178 = arith.constant 5 : i32
      %add3A_179 = arith.addi %mul3A_146, %add3A_178 : i32
      %add3A_180 = arith.constant 1 : i32
      %add3A_181 = arith.addi %add3A_179, %add3A_180 : i32
      %dma_start3A_182 = arith.constant 0 : i32
      %dma_start3A_183 = arith.constant 0 : i32
      %dma_start3A_184 = arith.constant 0 : i32
      %dma_start3A_185 = tpu.memref_slice %arg8[%dma_start3A_182, %dma_start3A_183, %dma_start3A_184] : memref<6x80x64xf32, #tpu.memory_space<vmem>> -> memref<1x80x64xf32, #tpu.memory_space<vmem>>
      %dma_start3A_186 = tpu.memref_squeeze %dma_start3A_185 : memref<1x80x64xf32, #tpu.memory_space<vmem>> -> memref<80x64xf32, #tpu.memory_space<vmem>>
      %dma_start3A_187 = arith.constant 0 : i32
      %dma_start3A_188 = tpu.memref_slice %arg6[%add3A_181, %dma_start3A_187] : memref<125x80xi32, #tpu.memory_space<vmem>> -> memref<1x80xi32, #tpu.memory_space<vmem>>
      %dma_start3A_189 = tpu.memref_squeeze %dma_start3A_188 : memref<1x80xi32, #tpu.memory_space<vmem>> -> memref<80xi32, #tpu.memory_space<vmem>>
      %dma_start3A_190 = arith.constant 0 : i32
      %dma_start3A_191 = arith.constant 0 : i32
      %dma_start3A_192 = tpu.memref_slice %arg2[%dma_start3A_190, %dma_start3A_191] : memref<10000x64xf32, #tpu.memory_space<hbm>> -> memref<10000x64xf32, #tpu.memory_space<hbm>>
      tpu.enqueue_indirect_dma source(%dma_start3A_192 : memref<10000x64xf32, #tpu.memory_space<hbm>>) target(%dma_start3A_186 : memref<80x64xf32, #tpu.memory_space<vmem>>) offsets(%dma_start3A_189 : memref<80xi32, #tpu.memory_space<vmem>>) semaphore(%arg10 : memref<!tpu.dma_semaphore, #tpu.memory_space<semaphore_mem>>)
      %add3A_193 = arith.constant 1 : i32
      %add3A_194 = arith.addi %mul3A_146, %add3A_193 : i32
      %dma_wait3A_195 = arith.constant 1 : i32
      %dma_wait3A_196 = arith.constant 0 : i32
      %dma_wait3A_197 = arith.constant 0 : i32
      %dma_wait3A_198 = tpu.memref_slice %arg8[%dma_wait3A_195, %dma_wait3A_196, %dma_wait3A_197] : memref<6x80x64xf32, #tpu.memory_space<vmem>> -> memref<1x80x64xf32, #tpu.memory_space<vmem>>
      %dma_wait3A_199 = tpu.memref_squeeze %dma_wait3A_198 : memref<1x80x64xf32, #tpu.memory_space<vmem>> -> memref<80x64xf32, #tpu.memory_space<vmem>>
      %dma_wait3A_200 = arith.constant 0 : i32
      %dma_wait3A_201 = tpu.memref_slice %arg6[%add3A_194, %dma_wait3A_200] : memref<125x80xi32, #tpu.memory_space<vmem>> -> memref<1x80xi32, #tpu.memory_space<vmem>>
      %dma_wait3A_202 = tpu.memref_squeeze %dma_wait3A_201 : memref<1x80xi32, #tpu.memory_space<vmem>> -> memref<80xi32, #tpu.memory_space<vmem>>
      %dma_wait3A_203 = arith.constant 0 : i32
      %dma_wait3A_204 = arith.constant 0 : i32
      %dma_wait3A_205 = tpu.memref_slice %arg2[%dma_wait3A_203, %dma_wait3A_204] : memref<10000x64xf32, #tpu.memory_space<hbm>> -> memref<10000x64xf32, #tpu.memory_space<hbm>>
      tpu.wait_indirect_dma semaphore(%arg11 : memref<!tpu.dma_semaphore, #tpu.memory_space<semaphore_mem>>) src(%dma_wait3A_205 : memref<10000x64xf32, #tpu.memory_space<hbm>>) dst(%dma_wait3A_199 : memref<80x64xf32, #tpu.memory_space<vmem>>)
      %add3A_206 = arith.constant 1 : i32
      %add3A_207 = arith.addi %mul3A_146, %add3A_206 : i32
      %run_scoped3A_208 = arith.constant 1 : i32
      "tpu.region"() ({
        %run_scoped3A_333 = tpu.sem_alloc : memref<!tpu.dma_semaphore, #tpu.memory_space<semaphore_mem>>
        %dma_start3A_334 = arith.constant 0 : i32
        %dma_start3A_335 = arith.constant 0 : i32
        %dma_start3A_336 = tpu.memref_slice %arg8[%run_scoped3A_208, %dma_start3A_334, %dma_start3A_335] : memref<6x80x64xf32, #tpu.memory_space<vmem>> -> memref<1x80x64xf32, #tpu.memory_space<vmem>>
        %dma_start3A_337 = tpu.memref_squeeze %dma_start3A_336 : memref<1x80x64xf32, #tpu.memory_space<vmem>> -> memref<80x64xf32, #tpu.memory_space<vmem>>
        %dma_start3A_338 = arith.constant 0 : i32
        %dma_start3A_339 = tpu.memref_slice %arg7[%add3A_207, %dma_start3A_338] : memref<125x80xi32, #tpu.memory_space<vmem>> -> memref<1x80xi32, #tpu.memory_space<vmem>>
        %dma_start3A_340 = tpu.memref_squeeze %dma_start3A_339 : memref<1x80xi32, #tpu.memory_space<vmem>> -> memref<80xi32, #tpu.memory_space<vmem>>
        %dma_start3A_341 = arith.constant 0 : i32
        %dma_start3A_342 = arith.constant 0 : i32
        %dma_start3A_343 = tpu.memref_slice %arg9[%dma_start3A_341, %dma_start3A_342] : memref<10240x64xf32, #tpu.memory_space<vmem_shared>> -> memref<10240x64xf32, #tpu.memory_space<vmem_shared>>
        tpu.enqueue_indirect_dma source(%dma_start3A_337 : memref<80x64xf32, #tpu.memory_space<vmem>>) target(%dma_start3A_343 : memref<10240x64xf32, #tpu.memory_space<vmem_shared>>) offsets(%dma_start3A_340 : memref<80xi32, #tpu.memory_space<vmem>>) semaphore(%run_scoped3A_333 : memref<!tpu.dma_semaphore, #tpu.memory_space<semaphore_mem>>) {add = true}
        %dma_wait3A_344 = arith.constant 0 : i32
        %dma_wait3A_345 = arith.constant 0 : i32
        %dma_wait3A_346 = tpu.memref_slice %arg8[%run_scoped3A_208, %dma_wait3A_344, %dma_wait3A_345] : memref<6x80x64xf32, #tpu.memory_space<vmem>> -> memref<1x80x64xf32, #tpu.memory_space<vmem>>
        %dma_wait3A_347 = tpu.memref_squeeze %dma_wait3A_346 : memref<1x80x64xf32, #tpu.memory_space<vmem>> -> memref<80x64xf32, #tpu.memory_space<vmem>>
        %dma_wait3A_348 = arith.constant 0 : i32
        %dma_wait3A_349 = tpu.memref_slice %arg7[%add3A_207, %dma_wait3A_348] : memref<125x80xi32, #tpu.memory_space<vmem>> -> memref<1x80xi32, #tpu.memory_space<vmem>>
        %dma_wait3A_350 = tpu.memref_squeeze %dma_wait3A_349 : memref<1x80xi32, #tpu.memory_space<vmem>> -> memref<80xi32, #tpu.memory_space<vmem>>
        %dma_wait3A_351 = arith.constant 0 : i32
        %dma_wait3A_352 = arith.constant 0 : i32
        %dma_wait3A_353 = tpu.memref_slice %arg9[%dma_wait3A_351, %dma_wait3A_352] : memref<10240x64xf32, #tpu.memory_space<vmem_shared>> -> memref<10240x64xf32, #tpu.memory_space<vmem_shared>>
        tpu.wait_indirect_dma semaphore(%run_scoped3A_333 : memref<!tpu.dma_semaphore, #tpu.memory_space<semaphore_mem>>) src(%dma_wait3A_347 : memref<80x64xf32, #tpu.memory_space<vmem>>) dst(%dma_wait3A_353 : memref<10240x64xf32, #tpu.memory_space<vmem_shared>>)
        tpu.yield
      }) : () -> ()
      %add3A_209 = arith.constant 5 : i32
      %add3A_210 = arith.addi %mul3A_146, %add3A_209 : i32
      %add3A_211 = arith.constant 2 : i32
      %add3A_212 = arith.addi %add3A_210, %add3A_211 : i32
      %dma_start3A_213 = arith.constant 1 : i32
      %dma_start3A_214 = arith.constant 0 : i32
      %dma_start3A_215 = arith.constant 0 : i32
      %dma_start3A_216 = tpu.memref_slice %arg8[%dma_start3A_213, %dma_start3A_214, %dma_start3A_215] : memref<6x80x64xf32, #tpu.memory_space<vmem>> -> memref<1x80x64xf32, #tpu.memory_space<vmem>>
      %dma_start3A_217 = tpu.memref_squeeze %dma_start3A_216 : memref<1x80x64xf32, #tpu.memory_space<vmem>> -> memref<80x64xf32, #tpu.memory_space<vmem>>
      %dma_start3A_218 = arith.constant 0 : i32
      %dma_start3A_219 = tpu.memref_slice %arg6[%add3A_212, %dma_start3A_218] : memref<125x80xi32, #tpu.memory_space<vmem>> -> memref<1x80xi32, #tpu.memory_space<vmem>>
      %dma_start3A_220 = tpu.memref_squeeze %dma_start3A_219 : memref<1x80xi32, #tpu.memory_space<vmem>> -> memref<80xi32, #tpu.memory_space<vmem>>
      %dma_start3A_221 = arith.constant 0 : i32
      %dma_start3A_222 = arith.constant 0 : i32
      %dma_start3A_223 = tpu.memref_slice %arg2[%dma_start3A_221, %dma_start3A_222] : memref<10000x64xf32, #tpu.memory_space<hbm>> -> memref<10000x64xf32, #tpu.memory_space<hbm>>
      tpu.enqueue_indirect_dma source(%dma_start3A_223 : memref<10000x64xf32, #tpu.memory_space<hbm>>) target(%dma_start3A_217 : memref<80x64xf32, #tpu.memory_space<vmem>>) offsets(%dma_start3A_220 : memref<80xi32, #tpu.memory_space<vmem>>) semaphore(%arg11 : memref<!tpu.dma_semaphore, #tpu.memory_space<semaphore_mem>>)
      %add3A_224 = arith.constant 2 : i32
      %add3A_225 = arith.addi %mul3A_146, %add3A_224 : i32
      %dma_wait3A_226 = arith.constant 2 : i32
      %dma_wait3A_227 = arith.constant 0 : i32
      %dma_wait3A_228 = arith.constant 0 : i32
      %dma_wait3A_229 = tpu.memref_slice %arg8[%dma_wait3A_226, %dma_wait3A_227, %dma_wait3A_228] : memref<6x80x64xf32, #tpu.memory_space<vmem>> -> memref<1x80x64xf32, #tpu.memory_space<vmem>>
      %dma_wait3A_230 = tpu.memref_squeeze %dma_wait3A_229 : memref<1x80x64xf32, #tpu.memory_space<vmem>> -> memref<80x64xf32, #tpu.memory_space<vmem>>
      %dma_wait3A_231 = arith.constant 0 : i32
      %dma_wait3A_232 = tpu.memref_slice %arg6[%add3A_225, %dma_wait3A_231] : memref<125x80xi32, #tpu.memory_space<vmem>> -> memref<1x80xi32, #tpu.memory_space<vmem>>
      %dma_wait3A_233 = tpu.memref_squeeze %dma_wait3A_232 : memref<1x80xi32, #tpu.memory_space<vmem>> -> memref<80xi32, #tpu.memory_space<vmem>>
      %dma_wait3A_234 = arith.constant 0 : i32
      %dma_wait3A_235 = arith.constant 0 : i32
      %dma_wait3A_236 = tpu.memref_slice %arg2[%dma_wait3A_234, %dma_wait3A_235] : memref<10000x64xf32, #tpu.memory_space<hbm>> -> memref<10000x64xf32, #tpu.memory_space<hbm>>
      tpu.wait_indirect_dma semaphore(%arg12 : memref<!tpu.dma_semaphore, #tpu.memory_space<semaphore_mem>>) src(%dma_wait3A_236 : memref<10000x64xf32, #tpu.memory_space<hbm>>) dst(%dma_wait3A_230 : memref<80x64xf32, #tpu.memory_space<vmem>>)
      %add3A_237 = arith.constant 2 : i32
      %add3A_238 = arith.addi %mul3A_146, %add3A_237 : i32
      %run_scoped3A_239 = arith.constant 2 : i32
      "tpu.region"() ({
        %run_scoped3A_333 = tpu.sem_alloc : memref<!tpu.dma_semaphore, #tpu.memory_space<semaphore_mem>>
        %dma_start3A_334 = arith.constant 0 : i32
        %dma_start3A_335 = arith.constant 0 : i32
        %dma_start3A_336 = tpu.memref_slice %arg8[%run_scoped3A_239, %dma_start3A_334, %dma_start3A_335] : memref<6x80x64xf32, #tpu.memory_space<vmem>> -> memref<1x80x64xf32, #tpu.memory_space<vmem>>
        %dma_start3A_337 = tpu.memref_squeeze %dma_start3A_336 : memref<1x80x64xf32, #tpu.memory_space<vmem>> -> memref<80x64xf32, #tpu.memory_space<vmem>>
        %dma_start3A_338 = arith.constant 0 : i32
        %dma_start3A_339 = tpu.memref_slice %arg7[%add3A_238, %dma_start3A_338] : memref<125x80xi32, #tpu.memory_space<vmem>> -> memref<1x80xi32, #tpu.memory_space<vmem>>
        %dma_start3A_340 = tpu.memref_squeeze %dma_start3A_339 : memref<1x80xi32, #tpu.memory_space<vmem>> -> memref<80xi32, #tpu.memory_space<vmem>>
        %dma_start3A_341 = arith.constant 0 : i32
        %dma_start3A_342 = arith.constant 0 : i32
        %dma_start3A_343 = tpu.memref_slice %arg9[%dma_start3A_341, %dma_start3A_342] : memref<10240x64xf32, #tpu.memory_space<vmem_shared>> -> memref<10240x64xf32, #tpu.memory_space<vmem_shared>>
        tpu.enqueue_indirect_dma source(%dma_start3A_337 : memref<80x64xf32, #tpu.memory_space<vmem>>) target(%dma_start3A_343 : memref<10240x64xf32, #tpu.memory_space<vmem_shared>>) offsets(%dma_start3A_340 : memref<80xi32, #tpu.memory_space<vmem>>) semaphore(%run_scoped3A_333 : memref<!tpu.dma_semaphore, #tpu.memory_space<semaphore_mem>>) {add = true}
        %dma_wait3A_344 = arith.constant 0 : i32
        %dma_wait3A_345 = arith.constant 0 : i32
        %dma_wait3A_346 = tpu.memref_slice %arg8[%run_scoped3A_239, %dma_wait3A_344, %dma_wait3A_345] : memref<6x80x64xf32, #tpu.memory_space<vmem>> -> memref<1x80x64xf32, #tpu.memory_space<vmem>>
        %dma_wait3A_347 = tpu.memref_squeeze %dma_wait3A_346 : memref<1x80x64xf32, #tpu.memory_space<vmem>> -> memref<80x64xf32, #tpu.memory_space<vmem>>
        %dma_wait3A_348 = arith.constant 0 : i32
        %dma_wait3A_349 = tpu.memref_slice %arg7[%add3A_238, %dma_wait3A_348] : memref<125x80xi32, #tpu.memory_space<vmem>> -> memref<1x80xi32, #tpu.memory_space<vmem>>
        %dma_wait3A_350 = tpu.memref_squeeze %dma_wait3A_349 : memref<1x80xi32, #tpu.memory_space<vmem>> -> memref<80xi32, #tpu.memory_space<vmem>>
        %dma_wait3A_351 = arith.constant 0 : i32
        %dma_wait3A_352 = arith.constant 0 : i32
        %dma_wait3A_353 = tpu.memref_slice %arg9[%dma_wait3A_351, %dma_wait3A_352] : memref<10240x64xf32, #tpu.memory_space<vmem_shared>> -> memref<10240x64xf32, #tpu.memory_space<vmem_shared>>
        tpu.wait_indirect_dma semaphore(%run_scoped3A_333 : memref<!tpu.dma_semaphore, #tpu.memory_space<semaphore_mem>>) src(%dma_wait3A_347 : memref<80x64xf32, #tpu.memory_space<vmem>>) dst(%dma_wait3A_353 : memref<10240x64xf32, #tpu.memory_space<vmem_shared>>)
        tpu.yield
      }) : () -> ()
      %add3A_240 = arith.constant 5 : i32
      %add3A_241 = arith.addi %mul3A_146, %add3A_240 : i32
      %add3A_242 = arith.constant 3 : i32
      %add3A_243 = arith.addi %add3A_241, %add3A_242 : i32
      %dma_start3A_244 = arith.constant 2 : i32
      %dma_start3A_245 = arith.constant 0 : i32
      %dma_start3A_246 = arith.constant 0 : i32
      %dma_start3A_247 = tpu.memref_slice %arg8[%dma_start3A_244, %dma_start3A_245, %dma_start3A_246] : memref<6x80x64xf32, #tpu.memory_space<vmem>> -> memref<1x80x64xf32, #tpu.memory_space<vmem>>
      %dma_start3A_248 = tpu.memref_squeeze %dma_start3A_247 : memref<1x80x64xf32, #tpu.memory_space<vmem>> -> memref<80x64xf32, #tpu.memory_space<vmem>>
      %dma_start3A_249 = arith.constant 0 : i32
      %dma_start3A_250 = tpu.memref_slice %arg6[%add3A_243, %dma_start3A_249] : memref<125x80xi32, #tpu.memory_space<vmem>> -> memref<1x80xi32, #tpu.memory_space<vmem>>
      %dma_start3A_251 = tpu.memref_squeeze %dma_start3A_250 : memref<1x80xi32, #tpu.memory_space<vmem>> -> memref<80xi32, #tpu.memory_space<vmem>>
      %dma_start3A_252 = arith.constant 0 : i32
      %dma_start3A_253 = arith.constant 0 : i32
      %dma_start3A_254 = tpu.memref_slice %arg2[%dma_start3A_252, %dma_start3A_253] : memref<10000x64xf32, #tpu.memory_space<hbm>> -> memref<10000x64xf32, #tpu.memory_space<hbm>>
      tpu.enqueue_indirect_dma source(%dma_start3A_254 : memref<10000x64xf32, #tpu.memory_space<hbm>>) target(%dma_start3A_248 : memref<80x64xf32, #tpu.memory_space<vmem>>) offsets(%dma_start3A_251 : memref<80xi32, #tpu.memory_space<vmem>>) semaphore(%arg12 : memref<!tpu.dma_semaphore, #tpu.memory_space<semaphore_mem>>)
      %add3A_255 = arith.constant 3 : i32
      %add3A_256 = arith.addi %mul3A_146, %add3A_255 : i32
      %dma_wait3A_257 = arith.constant 3 : i32
      %dma_wait3A_258 = arith.constant 0 : i32
      %dma_wait3A_259 = arith.constant 0 : i32
      %dma_wait3A_260 = tpu.memref_slice %arg8[%dma_wait3A_257, %dma_wait3A_258, %dma_wait3A_259] : memref<6x80x64xf32, #tpu.memory_space<vmem>> -> memref<1x80x64xf32, #tpu.memory_space<vmem>>
      %dma_wait3A_261 = tpu.memref_squeeze %dma_wait3A_260 : memref<1x80x64xf32, #tpu.memory_space<vmem>> -> memref<80x64xf32, #tpu.memory_space<vmem>>
      %dma_wait3A_262 = arith.constant 0 : i32
      %dma_wait3A_263 = tpu.memref_slice %arg6[%add3A_256, %dma_wait3A_262] : memref<125x80xi32, #tpu.memory_space<vmem>> -> memref<1x80xi32, #tpu.memory_space<vmem>>
      %dma_wait3A_264 = tpu.memref_squeeze %dma_wait3A_263 : memref<1x80xi32, #tpu.memory_space<vmem>> -> memref<80xi32, #tpu.memory_space<vmem>>
      %dma_wait3A_265 = arith.constant 0 : i32
      %dma_wait3A_266 = arith.constant 0 : i32
      %dma_wait3A_267 = tpu.memref_slice %arg2[%dma_wait3A_265, %dma_wait3A_266] : memref<10000x64xf32, #tpu.memory_space<hbm>> -> memref<10000x64xf32, #tpu.memory_space<hbm>>
      tpu.wait_indirect_dma semaphore(%arg13 : memref<!tpu.dma_semaphore, #tpu.memory_space<semaphore_mem>>) src(%dma_wait3A_267 : memref<10000x64xf32, #tpu.memory_space<hbm>>) dst(%dma_wait3A_261 : memref<80x64xf32, #tpu.memory_space<vmem>>)
      %add3A_268 = arith.constant 3 : i32
      %add3A_269 = arith.addi %mul3A_146, %add3A_268 : i32
      %run_scoped3A_270 = arith.constant 3 : i32
      "tpu.region"() ({
        %run_scoped3A_333 = tpu.sem_alloc : memref<!tpu.dma_semaphore, #tpu.memory_space<semaphore_mem>>
        %dma_start3A_334 = arith.constant 0 : i32
        %dma_start3A_335 = arith.constant 0 : i32
        %dma_start3A_336 = tpu.memref_slice %arg8[%run_scoped3A_270, %dma_start3A_334, %dma_start3A_335] : memref<6x80x64xf32, #tpu.memory_space<vmem>> -> memref<1x80x64xf32, #tpu.memory_space<vmem>>
        %dma_start3A_337 = tpu.memref_squeeze %dma_start3A_336 : memref<1x80x64xf32, #tpu.memory_space<vmem>> -> memref<80x64xf32, #tpu.memory_space<vmem>>
        %dma_start3A_338 = arith.constant 0 : i32
        %dma_start3A_339 = tpu.memref_slice %arg7[%add3A_269, %dma_start3A_338] : memref<125x80xi32, #tpu.memory_space<vmem>> -> memref<1x80xi32, #tpu.memory_space<vmem>>
        %dma_start3A_340 = tpu.memref_squeeze %dma_start3A_339 : memref<1x80xi32, #tpu.memory_space<vmem>> -> memref<80xi32, #tpu.memory_space<vmem>>
        %dma_start3A_341 = arith.constant 0 : i32
        %dma_start3A_342 = arith.constant 0 : i32
        %dma_start3A_343 = tpu.memref_slice %arg9[%dma_start3A_341, %dma_start3A_342] : memref<10240x64xf32, #tpu.memory_space<vmem_shared>> -> memref<10240x64xf32, #tpu.memory_space<vmem_shared>>
        tpu.enqueue_indirect_dma source(%dma_start3A_337 : memref<80x64xf32, #tpu.memory_space<vmem>>) target(%dma_start3A_343 : memref<10240x64xf32, #tpu.memory_space<vmem_shared>>) offsets(%dma_start3A_340 : memref<80xi32, #tpu.memory_space<vmem>>) semaphore(%run_scoped3A_333 : memref<!tpu.dma_semaphore, #tpu.memory_space<semaphore_mem>>) {add = true}
        %dma_wait3A_344 = arith.constant 0 : i32
        %dma_wait3A_345 = arith.constant 0 : i32
        %dma_wait3A_346 = tpu.memref_slice %arg8[%run_scoped3A_270, %dma_wait3A_344, %dma_wait3A_345] : memref<6x80x64xf32, #tpu.memory_space<vmem>> -> memref<1x80x64xf32, #tpu.memory_space<vmem>>
        %dma_wait3A_347 = tpu.memref_squeeze %dma_wait3A_346 : memref<1x80x64xf32, #tpu.memory_space<vmem>> -> memref<80x64xf32, #tpu.memory_space<vmem>>
        %dma_wait3A_348 = arith.constant 0 : i32
        %dma_wait3A_349 = tpu.memref_slice %arg7[%add3A_269, %dma_wait3A_348] : memref<125x80xi32, #tpu.memory_space<vmem>> -> memref<1x80xi32, #tpu.memory_space<vmem>>
        %dma_wait3A_350 = tpu.memref_squeeze %dma_wait3A_349 : memref<1x80xi32, #tpu.memory_space<vmem>> -> memref<80xi32, #tpu.memory_space<vmem>>
        %dma_wait3A_351 = arith.constant 0 : i32
        %dma_wait3A_352 = arith.constant 0 : i32
        %dma_wait3A_353 = tpu.memref_slice %arg9[%dma_wait3A_351, %dma_wait3A_352] : memref<10240x64xf32, #tpu.memory_space<vmem_shared>> -> memref<10240x64xf32, #tpu.memory_space<vmem_shared>>
        tpu.wait_indirect_dma semaphore(%run_scoped3A_333 : memref<!tpu.dma_semaphore, #tpu.memory_space<semaphore_mem>>) src(%dma_wait3A_347 : memref<80x64xf32, #tpu.memory_space<vmem>>) dst(%dma_wait3A_353 : memref<10240x64xf32, #tpu.memory_space<vmem_shared>>)
        tpu.yield
      }) : () -> ()
      %add3A_271 = arith.constant 5 : i32
      %add3A_272 = arith.addi %mul3A_146, %add3A_271 : i32
      %add3A_273 = arith.constant 4 : i32
      %add3A_274 = arith.addi %add3A_272, %add3A_273 : i32
      %dma_start3A_275 = arith.constant 3 : i32
      %dma_start3A_276 = arith.constant 0 : i32
      %dma_start3A_277 = arith.constant 0 : i32
      %dma_start3A_278 = tpu.memref_slice %arg8[%dma_start3A_275, %dma_start3A_276, %dma_start3A_277] : memref<6x80x64xf32, #tpu.memory_space<vmem>> -> memref<1x80x64xf32, #tpu.memory_space<vmem>>
      %dma_start3A_279 = tpu.memref_squeeze %dma_start3A_278 : memref<1x80x64xf32, #tpu.memory_space<vmem>> -> memref<80x64xf32, #tpu.memory_space<vmem>>
      %dma_start3A_280 = arith.constant 0 : i32
      %dma_start3A_281 = tpu.memref_slice %arg6[%add3A_274, %dma_start3A_280] : memref<125x80xi32, #tpu.memory_space<vmem>> -> memref<1x80xi32, #tpu.memory_space<vmem>>
      %dma_start3A_282 = tpu.memref_squeeze %dma_start3A_281 : memref<1x80xi32, #tpu.memory_space<vmem>> -> memref<80xi32, #tpu.memory_space<vmem>>
      %dma_start3A_283 = arith.constant 0 : i32
      %dma_start3A_284 = arith.constant 0 : i32
      %dma_start3A_285 = tpu.memref_slice %arg2[%dma_start3A_283, %dma_start3A_284] : memref<10000x64xf32, #tpu.memory_space<hbm>> -> memref<10000x64xf32, #tpu.memory_space<hbm>>
      tpu.enqueue_indirect_dma source(%dma_start3A_285 : memref<10000x64xf32, #tpu.memory_space<hbm>>) target(%dma_start3A_279 : memref<80x64xf32, #tpu.memory_space<vmem>>) offsets(%dma_start3A_282 : memref<80xi32, #tpu.memory_space<vmem>>) semaphore(%arg13 : memref<!tpu.dma_semaphore, #tpu.memory_space<semaphore_mem>>)
      %add3A_286 = arith.constant 4 : i32
      %add3A_287 = arith.addi %mul3A_146, %add3A_286 : i32
      %dma_wait3A_288 = arith.constant 4 : i32
      %dma_wait3A_289 = arith.constant 0 : i32
      %dma_wait3A_290 = arith.constant 0 : i32
      %dma_wait3A_291 = tpu.memref_slice %arg8[%dma_wait3A_288, %dma_wait3A_289, %dma_wait3A_290] : memref<6x80x64xf32, #tpu.memory_space<vmem>> -> memref<1x80x64xf32, #tpu.memory_space<vmem>>
      %dma_wait3A_292 = tpu.memref_squeeze %dma_wait3A_291 : memref<1x80x64xf32, #tpu.memory_space<vmem>> -> memref<80x64xf32, #tpu.memory_space<vmem>>
      %dma_wait3A_293 = arith.constant 0 : i32
      %dma_wait3A_294 = tpu.memref_slice %arg6[%add3A_287, %dma_wait3A_293] : memref<125x80xi32, #tpu.memory_space<vmem>> -> memref<1x80xi32, #tpu.memory_space<vmem>>
      %dma_wait3A_295 = tpu.memref_squeeze %dma_wait3A_294 : memref<1x80xi32, #tpu.memory_space<vmem>> -> memref<80xi32, #tpu.memory_space<vmem>>
      %dma_wait3A_296 = arith.constant 0 : i32
      %dma_wait3A_297 = arith.constant 0 : i32
      %dma_wait3A_298 = tpu.memref_slice %arg2[%dma_wait3A_296, %dma_wait3A_297] : memref<10000x64xf32, #tpu.memory_space<hbm>> -> memref<10000x64xf32, #tpu.memory_space<hbm>>
      tpu.wait_indirect_dma semaphore(%arg14 : memref<!tpu.dma_semaphore, #tpu.memory_space<semaphore_mem>>) src(%dma_wait3A_298 : memref<10000x64xf32, #tpu.memory_space<hbm>>) dst(%dma_wait3A_292 : memref<80x64xf32, #tpu.memory_space<vmem>>)
      %add3A_299 = arith.constant 4 : i32
      %add3A_300 = arith.addi %mul3A_146, %add3A_299 : i32
      %run_scoped3A_301 = arith.constant 4 : i32
      "tpu.region"() ({
        %run_scoped3A_333 = tpu.sem_alloc : memref<!tpu.dma_semaphore, #tpu.memory_space<semaphore_mem>>
        %dma_start3A_334 = arith.constant 0 : i32
        %dma_start3A_335 = arith.constant 0 : i32
        %dma_start3A_336 = tpu.memref_slice %arg8[%run_scoped3A_301, %dma_start3A_334, %dma_start3A_335] : memref<6x80x64xf32, #tpu.memory_space<vmem>> -> memref<1x80x64xf32, #tpu.memory_space<vmem>>
        %dma_start3A_337 = tpu.memref_squeeze %dma_start3A_336 : memref<1x80x64xf32, #tpu.memory_space<vmem>> -> memref<80x64xf32, #tpu.memory_space<vmem>>
        %dma_start3A_338 = arith.constant 0 : i32
        %dma_start3A_339 = tpu.memref_slice %arg7[%add3A_300, %dma_start3A_338] : memref<125x80xi32, #tpu.memory_space<vmem>> -> memref<1x80xi32, #tpu.memory_space<vmem>>
        %dma_start3A_340 = tpu.memref_squeeze %dma_start3A_339 : memref<1x80xi32, #tpu.memory_space<vmem>> -> memref<80xi32, #tpu.memory_space<vmem>>
        %dma_start3A_341 = arith.constant 0 : i32
        %dma_start3A_342 = arith.constant 0 : i32
        %dma_start3A_343 = tpu.memref_slice %arg9[%dma_start3A_341, %dma_start3A_342] : memref<10240x64xf32, #tpu.memory_space<vmem_shared>> -> memref<10240x64xf32, #tpu.memory_space<vmem_shared>>
        tpu.enqueue_indirect_dma source(%dma_start3A_337 : memref<80x64xf32, #tpu.memory_space<vmem>>) target(%dma_start3A_343 : memref<10240x64xf32, #tpu.memory_space<vmem_shared>>) offsets(%dma_start3A_340 : memref<80xi32, #tpu.memory_space<vmem>>) semaphore(%run_scoped3A_333 : memref<!tpu.dma_semaphore, #tpu.memory_space<semaphore_mem>>) {add = true}
        %dma_wait3A_344 = arith.constant 0 : i32
        %dma_wait3A_345 = arith.constant 0 : i32
        %dma_wait3A_346 = tpu.memref_slice %arg8[%run_scoped3A_301, %dma_wait3A_344, %dma_wait3A_345] : memref<6x80x64xf32, #tpu.memory_space<vmem>> -> memref<1x80x64xf32, #tpu.memory_space<vmem>>
        %dma_wait3A_347 = tpu.memref_squeeze %dma_wait3A_346 : memref<1x80x64xf32, #tpu.memory_space<vmem>> -> memref<80x64xf32, #tpu.memory_space<vmem>>
        %dma_wait3A_348 = arith.constant 0 : i32
        %dma_wait3A_349 = tpu.memref_slice %arg7[%add3A_300, %dma_wait3A_348] : memref<125x80xi32, #tpu.memory_space<vmem>> -> memref<1x80xi32, #tpu.memory_space<vmem>>
        %dma_wait3A_350 = tpu.memref_squeeze %dma_wait3A_349 : memref<1x80xi32, #tpu.memory_space<vmem>> -> memref<80xi32, #tpu.memory_space<vmem>>
        %dma_wait3A_351 = arith.constant 0 : i32
        %dma_wait3A_352 = arith.constant 0 : i32
        %dma_wait3A_353 = tpu.memref_slice %arg9[%dma_wait3A_351, %dma_wait3A_352] : memref<10240x64xf32, #tpu.memory_space<vmem_shared>> -> memref<10240x64xf32, #tpu.memory_space<vmem_shared>>
        tpu.wait_indirect_dma semaphore(%run_scoped3A_333 : memref<!tpu.dma_semaphore, #tpu.memory_space<semaphore_mem>>) src(%dma_wait3A_347 : memref<80x64xf32, #tpu.memory_space<vmem>>) dst(%dma_wait3A_353 : memref<10240x64xf32, #tpu.memory_space<vmem_shared>>)
        tpu.yield
      }) : () -> ()
      %add3A_302 = arith.constant 5 : i32
      %add3A_303 = arith.addi %mul3A_146, %add3A_302 : i32
      %add3A_304 = arith.constant 5 : i32
      %add3A_305 = arith.addi %add3A_303, %add3A_304 : i32
      %dma_start3A_306 = arith.constant 4 : i32
      %dma_start3A_307 = arith.constant 0 : i32
      %dma_start3A_308 = arith.constant 0 : i32
      %dma_start3A_309 = tpu.memref_slice %arg8[%dma_start3A_306, %dma_start3A_307, %dma_start3A_308] : memref<6x80x64xf32, #tpu.memory_space<vmem>> -> memref<1x80x64xf32, #tpu.memory_space<vmem>>
      %dma_start3A_310 = tpu.memref_squeeze %dma_start3A_309 : memref<1x80x64xf32, #tpu.memory_space<vmem>> -> memref<80x64xf32, #tpu.memory_space<vmem>>
      %dma_start3A_311 = arith.constant 0 : i32
      %dma_start3A_312 = tpu.memref_slice %arg6[%add3A_305, %dma_start3A_311] : memref<125x80xi32, #tpu.memory_space<vmem>> -> memref<1x80xi32, #tpu.memory_space<vmem>>
      %dma_start3A_313 = tpu.memref_squeeze %dma_start3A_312 : memref<1x80xi32, #tpu.memory_space<vmem>> -> memref<80xi32, #tpu.memory_space<vmem>>
      %dma_start3A_314 = arith.constant 0 : i32
      %dma_start3A_315 = arith.constant 0 : i32
      %dma_start3A_316 = tpu.memref_slice %arg2[%dma_start3A_314, %dma_start3A_315] : memref<10000x64xf32, #tpu.memory_space<hbm>> -> memref<10000x64xf32, #tpu.memory_space<hbm>>
      tpu.enqueue_indirect_dma source(%dma_start3A_316 : memref<10000x64xf32, #tpu.memory_space<hbm>>) target(%dma_start3A_310 : memref<80x64xf32, #tpu.memory_space<vmem>>) offsets(%dma_start3A_313 : memref<80xi32, #tpu.memory_space<vmem>>) semaphore(%arg14 : memref<!tpu.dma_semaphore, #tpu.memory_space<semaphore_mem>>)
      %add3A_317 = arith.constant 5 : i32
      %add3A_318 = arith.addi %mul3A_146, %add3A_317 : i32
      %dma_wait3A_319 = arith.constant 5 : i32
      %dma_wait3A_320 = arith.constant 0 : i32
      %dma_wait3A_321 = arith.constant 0 : i32
      %dma_wait3A_322 = tpu.memref_slice %arg8[%dma_wait3A_319, %dma_wait3A_320, %dma_wait3A_321] : memref<6x80x64xf32, #tpu.memory_space<vmem>> -> memref<1x80x64xf32, #tpu.memory_space<vmem>>
      %dma_wait3A_323 = tpu.memref_squeeze %dma_wait3A_322 : memref<1x80x64xf32, #tpu.memory_space<vmem>> -> memref<80x64xf32, #tpu.memory_space<vmem>>
      %dma_wait3A_324 = arith.constant 0 : i32
      %dma_wait3A_325 = tpu.memref_slice %arg6[%add3A_318, %dma_wait3A_324] : memref<125x80xi32, #tpu.memory_space<vmem>> -> memref<1x80xi32, #tpu.memory_space<vmem>>
      %dma_wait3A_326 = tpu.memref_squeeze %dma_wait3A_325 : memref<1x80xi32, #tpu.memory_space<vmem>> -> memref<80xi32, #tpu.memory_space<vmem>>
      %dma_wait3A_327 = arith.constant 0 : i32
      %dma_wait3A_328 = arith.constant 0 : i32
      %dma_wait3A_329 = tpu.memref_slice %arg2[%dma_wait3A_327, %dma_wait3A_328] : memref<10000x64xf32, #tpu.memory_space<hbm>> -> memref<10000x64xf32, #tpu.memory_space<hbm>>
      tpu.wait_indirect_dma semaphore(%arg15 : memref<!tpu.dma_semaphore, #tpu.memory_space<semaphore_mem>>) src(%dma_wait3A_329 : memref<10000x64xf32, #tpu.memory_space<hbm>>) dst(%dma_wait3A_323 : memref<80x64xf32, #tpu.memory_space<vmem>>)
      %add3A_330 = arith.constant 5 : i32
      %add3A_331 = arith.addi %mul3A_146, %add3A_330 : i32
      %run_scoped3A_332 = arith.constant 5 : i32
      "tpu.region"() ({
        %run_scoped3A_333 = tpu.sem_alloc : memref<!tpu.dma_semaphore, #tpu.memory_space<semaphore_mem>>
        %dma_start3A_334 = arith.constant 0 : i32
        %dma_start3A_335 = arith.constant 0 : i32
        %dma_start3A_336 = tpu.memref_slice %arg8[%run_scoped3A_332, %dma_start3A_334, %dma_start3A_335] : memref<6x80x64xf32, #tpu.memory_space<vmem>> -> memref<1x80x64xf32, #tpu.memory_space<vmem>>
        %dma_start3A_337 = tpu.memref_squeeze %dma_start3A_336 : memref<1x80x64xf32, #tpu.memory_space<vmem>> -> memref<80x64xf32, #tpu.memory_space<vmem>>
        %dma_start3A_338 = arith.constant 0 : i32
        %dma_start3A_339 = tpu.memref_slice %arg7[%add3A_331, %dma_start3A_338] : memref<125x80xi32, #tpu.memory_space<vmem>> -> memref<1x80xi32, #tpu.memory_space<vmem>>
        %dma_start3A_340 = tpu.memref_squeeze %dma_start3A_339 : memref<1x80xi32, #tpu.memory_space<vmem>> -> memref<80xi32, #tpu.memory_space<vmem>>
        %dma_start3A_341 = arith.constant 0 : i32
        %dma_start3A_342 = arith.constant 0 : i32
        %dma_start3A_343 = tpu.memref_slice %arg9[%dma_start3A_341, %dma_start3A_342] : memref<10240x64xf32, #tpu.memory_space<vmem_shared>> -> memref<10240x64xf32, #tpu.memory_space<vmem_shared>>
        tpu.enqueue_indirect_dma source(%dma_start3A_337 : memref<80x64xf32, #tpu.memory_space<vmem>>) target(%dma_start3A_343 : memref<10240x64xf32, #tpu.memory_space<vmem_shared>>) offsets(%dma_start3A_340 : memref<80xi32, #tpu.memory_space<vmem>>) semaphore(%run_scoped3A_333 : memref<!tpu.dma_semaphore, #tpu.memory_space<semaphore_mem>>) {add = true}
        %dma_wait3A_344 = arith.constant 0 : i32
        %dma_wait3A_345 = arith.constant 0 : i32
        %dma_wait3A_346 = tpu.memref_slice %arg8[%run_scoped3A_332, %dma_wait3A_344, %dma_wait3A_345] : memref<6x80x64xf32, #tpu.memory_space<vmem>> -> memref<1x80x64xf32, #tpu.memory_space<vmem>>
        %dma_wait3A_347 = tpu.memref_squeeze %dma_wait3A_346 : memref<1x80x64xf32, #tpu.memory_space<vmem>> -> memref<80x64xf32, #tpu.memory_space<vmem>>
        %dma_wait3A_348 = arith.constant 0 : i32
        %dma_wait3A_349 = tpu.memref_slice %arg7[%add3A_331, %dma_wait3A_348] : memref<125x80xi32, #tpu.memory_space<vmem>> -> memref<1x80xi32, #tpu.memory_space<vmem>>
        %dma_wait3A_350 = tpu.memref_squeeze %dma_wait3A_349 : memref<1x80xi32, #tpu.memory_space<vmem>> -> memref<80xi32, #tpu.memory_space<vmem>>
        %dma_wait3A_351 = arith.constant 0 : i32
        %dma_wait3A_352 = arith.constant 0 : i32
        %dma_wait3A_353 = tpu.memref_slice %arg9[%dma_wait3A_351, %dma_wait3A_352] : memref<10240x64xf32, #tpu.memory_space<vmem_shared>> -> memref<10240x64xf32, #tpu.memory_space<vmem_shared>>
        tpu.wait_indirect_dma semaphore(%run_scoped3A_333 : memref<!tpu.dma_semaphore, #tpu.memory_space<semaphore_mem>>) src(%dma_wait3A_347 : memref<80x64xf32, #tpu.memory_space<vmem>>) dst(%dma_wait3A_353 : memref<10240x64xf32, #tpu.memory_space<vmem_shared>>)
        tpu.yield
      }) : () -> ()
    }
    %scan3A_67 = arith.constant 20 : i32
    %dma_wait3A = arith.constant 120 : i32
    %dma_wait3A_68 = arith.constant 0 : i32
    %dma_wait3A_69 = arith.constant 0 : i32
    %dma_wait3A_70 = arith.constant 0 : i32
    %dma_wait3A_71 = tpu.memref_slice %arg8[%dma_wait3A_68, %dma_wait3A_69, %dma_wait3A_70] : memref<6x80x64xf32, #tpu.memory_space<vmem>> -> memref<1x80x64xf32, #tpu.memory_space<vmem>>
    %dma_wait3A_72 = tpu.memref_squeeze %dma_wait3A_71 : memref<1x80x64xf32, #tpu.memory_space<vmem>> -> memref<80x64xf32, #tpu.memory_space<vmem>>
    %dma_wait3A_73 = arith.constant 0 : i32
    %dma_wait3A_74 = tpu.memref_slice %arg6[%dma_wait3A, %dma_wait3A_73] : memref<125x80xi32, #tpu.memory_space<vmem>> -> memref<1x80xi32, #tpu.memory_space<vmem>>
    %dma_wait3A_75 = tpu.memref_squeeze %dma_wait3A_74 : memref<1x80xi32, #tpu.memory_space<vmem>> -> memref<80xi32, #tpu.memory_space<vmem>>
    %dma_wait3A_76 = arith.constant 0 : i32
    %dma_wait3A_77 = arith.constant 0 : i32
    %dma_wait3A_78 = tpu.memref_slice %arg2[%dma_wait3A_76, %dma_wait3A_77] : memref<10000x64xf32, #tpu.memory_space<hbm>> -> memref<10000x64xf32, #tpu.memory_space<hbm>>
    tpu.wait_indirect_dma semaphore(%arg10 : memref<!tpu.dma_semaphore, #tpu.memory_space<semaphore_mem>>) src(%dma_wait3A_78 : memref<10000x64xf32, #tpu.memory_space<hbm>>) dst(%dma_wait3A_72 : memref<80x64xf32, #tpu.memory_space<vmem>>)
    %run_scoped3A_79 = arith.constant 0 : i32
    %run_scoped3A_80 = arith.constant 120 : i32
    "tpu.region"() ({
      %run_scoped3A_144 = tpu.sem_alloc : memref<!tpu.dma_semaphore, #tpu.memory_space<semaphore_mem>>
      %dma_start3A_145 = arith.constant 0 : i32
      %dma_start3A_146 = arith.constant 0 : i32
      %dma_start3A_147 = tpu.memref_slice %arg8[%run_scoped3A_79, %dma_start3A_145, %dma_start3A_146] : memref<6x80x64xf32, #tpu.memory_space<vmem>> -> memref<1x80x64xf32, #tpu.memory_space<vmem>>
      %dma_start3A_148 = tpu.memref_squeeze %dma_start3A_147 : memref<1x80x64xf32, #tpu.memory_space<vmem>> -> memref<80x64xf32, #tpu.memory_space<vmem>>
      %dma_start3A_149 = arith.constant 0 : i32
      %dma_start3A_150 = tpu.memref_slice %arg7[%run_scoped3A_80, %dma_start3A_149] : memref<125x80xi32, #tpu.memory_space<vmem>> -> memref<1x80xi32, #tpu.memory_space<vmem>>
      %dma_start3A_151 = tpu.memref_squeeze %dma_start3A_150 : memref<1x80xi32, #tpu.memory_space<vmem>> -> memref<80xi32, #tpu.memory_space<vmem>>
      %dma_start3A_152 = arith.constant 0 : i32
      %dma_start3A_153 = arith.constant 0 : i32
      %dma_start3A_154 = tpu.memref_slice %arg9[%dma_start3A_152, %dma_start3A_153] : memref<10240x64xf32, #tpu.memory_space<vmem_shared>> -> memref<10240x64xf32, #tpu.memory_space<vmem_shared>>
      tpu.enqueue_indirect_dma source(%dma_start3A_148 : memref<80x64xf32, #tpu.memory_space<vmem>>) target(%dma_start3A_154 : memref<10240x64xf32, #tpu.memory_space<vmem_shared>>) offsets(%dma_start3A_151 : memref<80xi32, #tpu.memory_space<vmem>>) semaphore(%run_scoped3A_144 : memref<!tpu.dma_semaphore, #tpu.memory_space<semaphore_mem>>) {add = true}
      %dma_wait3A_155 = arith.constant 0 : i32
      %dma_wait3A_156 = arith.constant 0 : i32
      %dma_wait3A_157 = tpu.memref_slice %arg8[%run_scoped3A_79, %dma_wait3A_155, %dma_wait3A_156] : memref<6x80x64xf32, #tpu.memory_space<vmem>> -> memref<1x80x64xf32, #tpu.memory_space<vmem>>
      %dma_wait3A_158 = tpu.memref_squeeze %dma_wait3A_157 : memref<1x80x64xf32, #tpu.memory_space<vmem>> -> memref<80x64xf32, #tpu.memory_space<vmem>>
      %dma_wait3A_159 = arith.constant 0 : i32
      %dma_wait3A_160 = tpu.memref_slice %arg7[%run_scoped3A_80, %dma_wait3A_159] : memref<125x80xi32, #tpu.memory_space<vmem>> -> memref<1x80xi32, #tpu.memory_space<vmem>>
      %dma_wait3A_161 = tpu.memref_squeeze %dma_wait3A_160 : memref<1x80xi32, #tpu.memory_space<vmem>> -> memref<80xi32, #tpu.memory_space<vmem>>
      %dma_wait3A_162 = arith.constant 0 : i32
      %dma_wait3A_163 = arith.constant 0 : i32
      %dma_wait3A_164 = tpu.memref_slice %arg9[%dma_wait3A_162, %dma_wait3A_163] : memref<10240x64xf32, #tpu.memory_space<vmem_shared>> -> memref<10240x64xf32, #tpu.memory_space<vmem_shared>>
      tpu.wait_indirect_dma semaphore(%run_scoped3A_144 : memref<!tpu.dma_semaphore, #tpu.memory_space<semaphore_mem>>) src(%dma_wait3A_158 : memref<80x64xf32, #tpu.memory_space<vmem>>) dst(%dma_wait3A_164 : memref<10240x64xf32, #tpu.memory_space<vmem_shared>>)
      tpu.yield
    }) : () -> ()
    %dma_wait3A_81 = arith.constant 121 : i32
    %dma_wait3A_82 = arith.constant 1 : i32
    %dma_wait3A_83 = arith.constant 0 : i32
    %dma_wait3A_84 = arith.constant 0 : i32
    %dma_wait3A_85 = tpu.memref_slice %arg8[%dma_wait3A_82, %dma_wait3A_83, %dma_wait3A_84] : memref<6x80x64xf32, #tpu.memory_space<vmem>> -> memref<1x80x64xf32, #tpu.memory_space<vmem>>
    %dma_wait3A_86 = tpu.memref_squeeze %dma_wait3A_85 : memref<1x80x64xf32, #tpu.memory_space<vmem>> -> memref<80x64xf32, #tpu.memory_space<vmem>>
    %dma_wait3A_87 = arith.constant 0 : i32
    %dma_wait3A_88 = tpu.memref_slice %arg6[%dma_wait3A_81, %dma_wait3A_87] : memref<125x80xi32, #tpu.memory_space<vmem>> -> memref<1x80xi32, #tpu.memory_space<vmem>>
    %dma_wait3A_89 = tpu.memref_squeeze %dma_wait3A_88 : memref<1x80xi32, #tpu.memory_space<vmem>> -> memref<80xi32, #tpu.memory_space<vmem>>
    %dma_wait3A_90 = arith.constant 0 : i32
    %dma_wait3A_91 = arith.constant 0 : i32
    %dma_wait3A_92 = tpu.memref_slice %arg2[%dma_wait3A_90, %dma_wait3A_91] : memref<10000x64xf32, #tpu.memory_space<hbm>> -> memref<10000x64xf32, #tpu.memory_space<hbm>>
    tpu.wait_indirect_dma semaphore(%arg11 : memref<!tpu.dma_semaphore, #tpu.memory_space<semaphore_mem>>) src(%dma_wait3A_92 : memref<10000x64xf32, #tpu.memory_space<hbm>>) dst(%dma_wait3A_86 : memref<80x64xf32, #tpu.memory_space<vmem>>)
    %run_scoped3A_93 = arith.constant 1 : i32
    %run_scoped3A_94 = arith.constant 121 : i32
    "tpu.region"() ({
      %run_scoped3A_144 = tpu.sem_alloc : memref<!tpu.dma_semaphore, #tpu.memory_space<semaphore_mem>>
      %dma_start3A_145 = arith.constant 0 : i32
      %dma_start3A_146 = arith.constant 0 : i32
      %dma_start3A_147 = tpu.memref_slice %arg8[%run_scoped3A_93, %dma_start3A_145, %dma_start3A_146] : memref<6x80x64xf32, #tpu.memory_space<vmem>> -> memref<1x80x64xf32, #tpu.memory_space<vmem>>
      %dma_start3A_148 = tpu.memref_squeeze %dma_start3A_147 : memref<1x80x64xf32, #tpu.memory_space<vmem>> -> memref<80x64xf32, #tpu.memory_space<vmem>>
      %dma_start3A_149 = arith.constant 0 : i32
      %dma_start3A_150 = tpu.memref_slice %arg7[%run_scoped3A_94, %dma_start3A_149] : memref<125x80xi32, #tpu.memory_space<vmem>> -> memref<1x80xi32, #tpu.memory_space<vmem>>
      %dma_start3A_151 = tpu.memref_squeeze %dma_start3A_150 : memref<1x80xi32, #tpu.memory_space<vmem>> -> memref<80xi32, #tpu.memory_space<vmem>>
      %dma_start3A_152 = arith.constant 0 : i32
      %dma_start3A_153 = arith.constant 0 : i32
      %dma_start3A_154 = tpu.memref_slice %arg9[%dma_start3A_152, %dma_start3A_153] : memref<10240x64xf32, #tpu.memory_space<vmem_shared>> -> memref<10240x64xf32, #tpu.memory_space<vmem_shared>>
      tpu.enqueue_indirect_dma source(%dma_start3A_148 : memref<80x64xf32, #tpu.memory_space<vmem>>) target(%dma_start3A_154 : memref<10240x64xf32, #tpu.memory_space<vmem_shared>>) offsets(%dma_start3A_151 : memref<80xi32, #tpu.memory_space<vmem>>) semaphore(%run_scoped3A_144 : memref<!tpu.dma_semaphore, #tpu.memory_space<semaphore_mem>>) {add = true}
      %dma_wait3A_155 = arith.constant 0 : i32
      %dma_wait3A_156 = arith.constant 0 : i32
      %dma_wait3A_157 = tpu.memref_slice %arg8[%run_scoped3A_93, %dma_wait3A_155, %dma_wait3A_156] : memref<6x80x64xf32, #tpu.memory_space<vmem>> -> memref<1x80x64xf32, #tpu.memory_space<vmem>>
      %dma_wait3A_158 = tpu.memref_squeeze %dma_wait3A_157 : memref<1x80x64xf32, #tpu.memory_space<vmem>> -> memref<80x64xf32, #tpu.memory_space<vmem>>
      %dma_wait3A_159 = arith.constant 0 : i32
      %dma_wait3A_160 = tpu.memref_slice %arg7[%run_scoped3A_94, %dma_wait3A_159] : memref<125x80xi32, #tpu.memory_space<vmem>> -> memref<1x80xi32, #tpu.memory_space<vmem>>
      %dma_wait3A_161 = tpu.memref_squeeze %dma_wait3A_160 : memref<1x80xi32, #tpu.memory_space<vmem>> -> memref<80xi32, #tpu.memory_space<vmem>>
      %dma_wait3A_162 = arith.constant 0 : i32
      %dma_wait3A_163 = arith.constant 0 : i32
      %dma_wait3A_164 = tpu.memref_slice %arg9[%dma_wait3A_162, %dma_wait3A_163] : memref<10240x64xf32, #tpu.memory_space<vmem_shared>> -> memref<10240x64xf32, #tpu.memory_space<vmem_shared>>
      tpu.wait_indirect_dma semaphore(%run_scoped3A_144 : memref<!tpu.dma_semaphore, #tpu.memory_space<semaphore_mem>>) src(%dma_wait3A_158 : memref<80x64xf32, #tpu.memory_space<vmem>>) dst(%dma_wait3A_164 : memref<10240x64xf32, #tpu.memory_space<vmem_shared>>)
      tpu.yield
    }) : () -> ()
    %dma_wait3A_95 = arith.constant 122 : i32
    %dma_wait3A_96 = arith.constant 2 : i32
    %dma_wait3A_97 = arith.constant 0 : i32
    %dma_wait3A_98 = arith.constant 0 : i32
    %dma_wait3A_99 = tpu.memref_slice %arg8[%dma_wait3A_96, %dma_wait3A_97, %dma_wait3A_98] : memref<6x80x64xf32, #tpu.memory_space<vmem>> -> memref<1x80x64xf32, #tpu.memory_space<vmem>>
    %dma_wait3A_100 = tpu.memref_squeeze %dma_wait3A_99 : memref<1x80x64xf32, #tpu.memory_space<vmem>> -> memref<80x64xf32, #tpu.memory_space<vmem>>
    %dma_wait3A_101 = arith.constant 0 : i32
    %dma_wait3A_102 = tpu.memref_slice %arg6[%dma_wait3A_95, %dma_wait3A_101] : memref<125x80xi32, #tpu.memory_space<vmem>> -> memref<1x80xi32, #tpu.memory_space<vmem>>
    %dma_wait3A_103 = tpu.memref_squeeze %dma_wait3A_102 : memref<1x80xi32, #tpu.memory_space<vmem>> -> memref<80xi32, #tpu.memory_space<vmem>>
    %dma_wait3A_104 = arith.constant 0 : i32
    %dma_wait3A_105 = arith.constant 0 : i32
    %dma_wait3A_106 = tpu.memref_slice %arg2[%dma_wait3A_104, %dma_wait3A_105] : memref<10000x64xf32, #tpu.memory_space<hbm>> -> memref<10000x64xf32, #tpu.memory_space<hbm>>
    tpu.wait_indirect_dma semaphore(%arg12 : memref<!tpu.dma_semaphore, #tpu.memory_space<semaphore_mem>>) src(%dma_wait3A_106 : memref<10000x64xf32, #tpu.memory_space<hbm>>) dst(%dma_wait3A_100 : memref<80x64xf32, #tpu.memory_space<vmem>>)
    %run_scoped3A_107 = arith.constant 2 : i32
    %run_scoped3A_108 = arith.constant 122 : i32
    "tpu.region"() ({
      %run_scoped3A_144 = tpu.sem_alloc : memref<!tpu.dma_semaphore, #tpu.memory_space<semaphore_mem>>
      %dma_start3A_145 = arith.constant 0 : i32
      %dma_start3A_146 = arith.constant 0 : i32
      %dma_start3A_147 = tpu.memref_slice %arg8[%run_scoped3A_107, %dma_start3A_145, %dma_start3A_146] : memref<6x80x64xf32, #tpu.memory_space<vmem>> -> memref<1x80x64xf32, #tpu.memory_space<vmem>>
      %dma_start3A_148 = tpu.memref_squeeze %dma_start3A_147 : memref<1x80x64xf32, #tpu.memory_space<vmem>> -> memref<80x64xf32, #tpu.memory_space<vmem>>
      %dma_start3A_149 = arith.constant 0 : i32
      %dma_start3A_150 = tpu.memref_slice %arg7[%run_scoped3A_108, %dma_start3A_149] : memref<125x80xi32, #tpu.memory_space<vmem>> -> memref<1x80xi32, #tpu.memory_space<vmem>>
      %dma_start3A_151 = tpu.memref_squeeze %dma_start3A_150 : memref<1x80xi32, #tpu.memory_space<vmem>> -> memref<80xi32, #tpu.memory_space<vmem>>
      %dma_start3A_152 = arith.constant 0 : i32
      %dma_start3A_153 = arith.constant 0 : i32
      %dma_start3A_154 = tpu.memref_slice %arg9[%dma_start3A_152, %dma_start3A_153] : memref<10240x64xf32, #tpu.memory_space<vmem_shared>> -> memref<10240x64xf32, #tpu.memory_space<vmem_shared>>
      tpu.enqueue_indirect_dma source(%dma_start3A_148 : memref<80x64xf32, #tpu.memory_space<vmem>>) target(%dma_start3A_154 : memref<10240x64xf32, #tpu.memory_space<vmem_shared>>) offsets(%dma_start3A_151 : memref<80xi32, #tpu.memory_space<vmem>>) semaphore(%run_scoped3A_144 : memref<!tpu.dma_semaphore, #tpu.memory_space<semaphore_mem>>) {add = true}
      %dma_wait3A_155 = arith.constant 0 : i32
      %dma_wait3A_156 = arith.constant 0 : i32
      %dma_wait3A_157 = tpu.memref_slice %arg8[%run_scoped3A_107, %dma_wait3A_155, %dma_wait3A_156] : memref<6x80x64xf32, #tpu.memory_space<vmem>> -> memref<1x80x64xf32, #tpu.memory_space<vmem>>
      %dma_wait3A_158 = tpu.memref_squeeze %dma_wait3A_157 : memref<1x80x64xf32, #tpu.memory_space<vmem>> -> memref<80x64xf32, #tpu.memory_space<vmem>>
      %dma_wait3A_159 = arith.constant 0 : i32
      %dma_wait3A_160 = tpu.memref_slice %arg7[%run_scoped3A_108, %dma_wait3A_159] : memref<125x80xi32, #tpu.memory_space<vmem>> -> memref<1x80xi32, #tpu.memory_space<vmem>>
      %dma_wait3A_161 = tpu.memref_squeeze %dma_wait3A_160 : memref<1x80xi32, #tpu.memory_space<vmem>> -> memref<80xi32, #tpu.memory_space<vmem>>
      %dma_wait3A_162 = arith.constant 0 : i32
      %dma_wait3A_163 = arith.constant 0 : i32
      %dma_wait3A_164 = tpu.memref_slice %arg9[%dma_wait3A_162, %dma_wait3A_163] : memref<10240x64xf32, #tpu.memory_space<vmem_shared>> -> memref<10240x64xf32, #tpu.memory_space<vmem_shared>>
      tpu.wait_indirect_dma semaphore(%run_scoped3A_144 : memref<!tpu.dma_semaphore, #tpu.memory_space<semaphore_mem>>) src(%dma_wait3A_158 : memref<80x64xf32, #tpu.memory_space<vmem>>) dst(%dma_wait3A_164 : memref<10240x64xf32, #tpu.memory_space<vmem_shared>>)
      tpu.yield
    }) : () -> ()
    %dma_wait3A_109 = arith.constant 123 : i32
    %dma_wait3A_110 = arith.constant 3 : i32
    %dma_wait3A_111 = arith.constant 0 : i32
    %dma_wait3A_112 = arith.constant 0 : i32
    %dma_wait3A_113 = tpu.memref_slice %arg8[%dma_wait3A_110, %dma_wait3A_111, %dma_wait3A_112] : memref<6x80x64xf32, #tpu.memory_space<vmem>> -> memref<1x80x64xf32, #tpu.memory_space<vmem>>
    %dma_wait3A_114 = tpu.memref_squeeze %dma_wait3A_113 : memref<1x80x64xf32, #tpu.memory_space<vmem>> -> memref<80x64xf32, #tpu.memory_space<vmem>>
    %dma_wait3A_115 = arith.constant 0 : i32
    %dma_wait3A_116 = tpu.memref_slice %arg6[%dma_wait3A_109, %dma_wait3A_115] : memref<125x80xi32, #tpu.memory_space<vmem>> -> memref<1x80xi32, #tpu.memory_space<vmem>>
    %dma_wait3A_117 = tpu.memref_squeeze %dma_wait3A_116 : memref<1x80xi32, #tpu.memory_space<vmem>> -> memref<80xi32, #tpu.memory_space<vmem>>
    %dma_wait3A_118 = arith.constant 0 : i32
    %dma_wait3A_119 = arith.constant 0 : i32
    %dma_wait3A_120 = tpu.memref_slice %arg2[%dma_wait3A_118, %dma_wait3A_119] : memref<10000x64xf32, #tpu.memory_space<hbm>> -> memref<10000x64xf32, #tpu.memory_space<hbm>>
    tpu.wait_indirect_dma semaphore(%arg13 : memref<!tpu.dma_semaphore, #tpu.memory_space<semaphore_mem>>) src(%dma_wait3A_120 : memref<10000x64xf32, #tpu.memory_space<hbm>>) dst(%dma_wait3A_114 : memref<80x64xf32, #tpu.memory_space<vmem>>)
    %run_scoped3A_121 = arith.constant 3 : i32
    %run_scoped3A_122 = arith.constant 123 : i32
    "tpu.region"() ({
      %run_scoped3A_144 = tpu.sem_alloc : memref<!tpu.dma_semaphore, #tpu.memory_space<semaphore_mem>>
      %dma_start3A_145 = arith.constant 0 : i32
      %dma_start3A_146 = arith.constant 0 : i32
      %dma_start3A_147 = tpu.memref_slice %arg8[%run_scoped3A_121, %dma_start3A_145, %dma_start3A_146] : memref<6x80x64xf32, #tpu.memory_space<vmem>> -> memref<1x80x64xf32, #tpu.memory_space<vmem>>
      %dma_start3A_148 = tpu.memref_squeeze %dma_start3A_147 : memref<1x80x64xf32, #tpu.memory_space<vmem>> -> memref<80x64xf32, #tpu.memory_space<vmem>>
      %dma_start3A_149 = arith.constant 0 : i32
      %dma_start3A_150 = tpu.memref_slice %arg7[%run_scoped3A_122, %dma_start3A_149] : memref<125x80xi32, #tpu.memory_space<vmem>> -> memref<1x80xi32, #tpu.memory_space<vmem>>
      %dma_start3A_151 = tpu.memref_squeeze %dma_start3A_150 : memref<1x80xi32, #tpu.memory_space<vmem>> -> memref<80xi32, #tpu.memory_space<vmem>>
      %dma_start3A_152 = arith.constant 0 : i32
      %dma_start3A_153 = arith.constant 0 : i32
      %dma_start3A_154 = tpu.memref_slice %arg9[%dma_start3A_152, %dma_start3A_153] : memref<10240x64xf32, #tpu.memory_space<vmem_shared>> -> memref<10240x64xf32, #tpu.memory_space<vmem_shared>>
      tpu.enqueue_indirect_dma source(%dma_start3A_148 : memref<80x64xf32, #tpu.memory_space<vmem>>) target(%dma_start3A_154 : memref<10240x64xf32, #tpu.memory_space<vmem_shared>>) offsets(%dma_start3A_151 : memref<80xi32, #tpu.memory_space<vmem>>) semaphore(%run_scoped3A_144 : memref<!tpu.dma_semaphore, #tpu.memory_space<semaphore_mem>>) {add = true}
      %dma_wait3A_155 = arith.constant 0 : i32
      %dma_wait3A_156 = arith.constant 0 : i32
      %dma_wait3A_157 = tpu.memref_slice %arg8[%run_scoped3A_121, %dma_wait3A_155, %dma_wait3A_156] : memref<6x80x64xf32, #tpu.memory_space<vmem>> -> memref<1x80x64xf32, #tpu.memory_space<vmem>>
      %dma_wait3A_158 = tpu.memref_squeeze %dma_wait3A_157 : memref<1x80x64xf32, #tpu.memory_space<vmem>> -> memref<80x64xf32, #tpu.memory_space<vmem>>
      %dma_wait3A_159 = arith.constant 0 : i32
      %dma_wait3A_160 = tpu.memref_slice %arg7[%run_scoped3A_122, %dma_wait3A_159] : memref<125x80xi32, #tpu.memory_space<vmem>> -> memref<1x80xi32, #tpu.memory_space<vmem>>
      %dma_wait3A_161 = tpu.memref_squeeze %dma_wait3A_160 : memref<1x80xi32, #tpu.memory_space<vmem>> -> memref<80xi32, #tpu.memory_space<vmem>>
      %dma_wait3A_162 = arith.constant 0 : i32
      %dma_wait3A_163 = arith.constant 0 : i32
      %dma_wait3A_164 = tpu.memref_slice %arg9[%dma_wait3A_162, %dma_wait3A_163] : memref<10240x64xf32, #tpu.memory_space<vmem_shared>> -> memref<10240x64xf32, #tpu.memory_space<vmem_shared>>
      tpu.wait_indirect_dma semaphore(%run_scoped3A_144 : memref<!tpu.dma_semaphore, #tpu.memory_space<semaphore_mem>>) src(%dma_wait3A_158 : memref<80x64xf32, #tpu.memory_space<vmem>>) dst(%dma_wait3A_164 : memref<10240x64xf32, #tpu.memory_space<vmem_shared>>)
      tpu.yield
    }) : () -> ()
    %dma_wait3A_123 = arith.constant 124 : i32
    %dma_wait3A_124 = arith.constant 4 : i32
    %dma_wait3A_125 = arith.constant 0 : i32
    %dma_wait3A_126 = arith.constant 0 : i32
    %dma_wait3A_127 = tpu.memref_slice %arg8[%dma_wait3A_124, %dma_wait3A_125, %dma_wait3A_126] : memref<6x80x64xf32, #tpu.memory_space<vmem>> -> memref<1x80x64xf32, #tpu.memory_space<vmem>>
    %dma_wait3A_128 = tpu.memref_squeeze %dma_wait3A_127 : memref<1x80x64xf32, #tpu.memory_space<vmem>> -> memref<80x64xf32, #tpu.memory_space<vmem>>
    %dma_wait3A_129 = arith.constant 0 : i32
    %dma_wait3A_130 = tpu.memref_slice %arg6[%dma_wait3A_123, %dma_wait3A_129] : memref<125x80xi32, #tpu.memory_space<vmem>> -> memref<1x80xi32, #tpu.memory_space<vmem>>
    %dma_wait3A_131 = tpu.memref_squeeze %dma_wait3A_130 : memref<1x80xi32, #tpu.memory_space<vmem>> -> memref<80xi32, #tpu.memory_space<vmem>>
    %dma_wait3A_132 = arith.constant 0 : i32
    %dma_wait3A_133 = arith.constant 0 : i32
    %dma_wait3A_134 = tpu.memref_slice %arg2[%dma_wait3A_132, %dma_wait3A_133] : memref<10000x64xf32, #tpu.memory_space<hbm>> -> memref<10000x64xf32, #tpu.memory_space<hbm>>
    tpu.wait_indirect_dma semaphore(%arg14 : memref<!tpu.dma_semaphore, #tpu.memory_space<semaphore_mem>>) src(%dma_wait3A_134 : memref<10000x64xf32, #tpu.memory_space<hbm>>) dst(%dma_wait3A_128 : memref<80x64xf32, #tpu.memory_space<vmem>>)
    %run_scoped3A_135 = arith.constant 4 : i32
    %run_scoped3A_136 = arith.constant 124 : i32
    "tpu.region"() ({
      %run_scoped3A_144 = tpu.sem_alloc : memref<!tpu.dma_semaphore, #tpu.memory_space<semaphore_mem>>
      %dma_start3A_145 = arith.constant 0 : i32
      %dma_start3A_146 = arith.constant 0 : i32
      %dma_start3A_147 = tpu.memref_slice %arg8[%run_scoped3A_135, %dma_start3A_145, %dma_start3A_146] : memref<6x80x64xf32, #tpu.memory_space<vmem>> -> memref<1x80x64xf32, #tpu.memory_space<vmem>>
      %dma_start3A_148 = tpu.memref_squeeze %dma_start3A_147 : memref<1x80x64xf32, #tpu.memory_space<vmem>> -> memref<80x64xf32, #tpu.memory_space<vmem>>
      %dma_start3A_149 = arith.constant 0 : i32
      %dma_start3A_150 = tpu.memref_slice %arg7[%run_scoped3A_136, %dma_start3A_149] : memref<125x80xi32, #tpu.memory_space<vmem>> -> memref<1x80xi32, #tpu.memory_space<vmem>>
      %dma_start3A_151 = tpu.memref_squeeze %dma_start3A_150 : memref<1x80xi32, #tpu.memory_space<vmem>> -> memref<80xi32, #tpu.memory_space<vmem>>
      %dma_start3A_152 = arith.constant 0 : i32
      %dma_start3A_153 = arith.constant 0 : i32
      %dma_start3A_154 = tpu.memref_slice %arg9[%dma_start3A_152, %dma_start3A_153] : memref<10240x64xf32, #tpu.memory_space<vmem_shared>> -> memref<10240x64xf32, #tpu.memory_space<vmem_shared>>
      tpu.enqueue_indirect_dma source(%dma_start3A_148 : memref<80x64xf32, #tpu.memory_space<vmem>>) target(%dma_start3A_154 : memref<10240x64xf32, #tpu.memory_space<vmem_shared>>) offsets(%dma_start3A_151 : memref<80xi32, #tpu.memory_space<vmem>>) semaphore(%run_scoped3A_144 : memref<!tpu.dma_semaphore, #tpu.memory_space<semaphore_mem>>) {add = true}
      %dma_wait3A_155 = arith.constant 0 : i32
      %dma_wait3A_156 = arith.constant 0 : i32
      %dma_wait3A_157 = tpu.memref_slice %arg8[%run_scoped3A_135, %dma_wait3A_155, %dma_wait3A_156] : memref<6x80x64xf32, #tpu.memory_space<vmem>> -> memref<1x80x64xf32, #tpu.memory_space<vmem>>
      %dma_wait3A_158 = tpu.memref_squeeze %dma_wait3A_157 : memref<1x80x64xf32, #tpu.memory_space<vmem>> -> memref<80x64xf32, #tpu.memory_space<vmem>>
      %dma_wait3A_159 = arith.constant 0 : i32
      %dma_wait3A_160 = tpu.memref_slice %arg7[%run_scoped3A_136, %dma_wait3A_159] : memref<125x80xi32, #tpu.memory_space<vmem>> -> memref<1x80xi32, #tpu.memory_space<vmem>>
      %dma_wait3A_161 = tpu.memref_squeeze %dma_wait3A_160 : memref<1x80xi32, #tpu.memory_space<vmem>> -> memref<80xi32, #tpu.memory_space<vmem>>
      %dma_wait3A_162 = arith.constant 0 : i32
      %dma_wait3A_163 = arith.constant 0 : i32
      %dma_wait3A_164 = tpu.memref_slice %arg9[%dma_wait3A_162, %dma_wait3A_163] : memref<10240x64xf32, #tpu.memory_space<vmem_shared>> -> memref<10240x64xf32, #tpu.memory_space<vmem_shared>>
      tpu.wait_indirect_dma semaphore(%run_scoped3A_144 : memref<!tpu.dma_semaphore, #tpu.memory_space<semaphore_mem>>) src(%dma_wait3A_158 : memref<80x64xf32, #tpu.memory_space<vmem>>) dst(%dma_wait3A_164 : memref<10240x64xf32, #tpu.memory_space<vmem_shared>>)
      tpu.yield
    }) : () -> ()
    %barrier3A_137 = arith.constant 0 : index
    tpu.barrier barrier_id(%barrier3A_137)
    %mul3A_138 = arith.constant 10240 : i32
    %mul3A_139 = arith.muli %arg0, %mul3A_138 : i32
    %mul3A_140 = arith.constant 640 : i32
    %mul3A_141 = arith.muli %arg1, %mul3A_140 : i32
    %add3A_142 = arith.addi %mul3A_139, %mul3A_141 : i32
    %multiple_of3A_143 = tpu.assume_multiple %add3A_142, 8 : i32
    "tpu.region"() ({
      %run_scoped3A_144 = tpu.sem_alloc : memref<!tpu.dma_semaphore, #tpu.memory_space<semaphore_mem>>
      %dma_start3A_145 = arith.constant 0 : i32
      %dma_start3A_146 = tpu.memref_slice %arg5[%multiple_of3A_143, %dma_start3A_145] : memref<20480x128xf32, #tpu.memory_space<hbm>> -> memref<640x64xf32, #tpu.memory_space<hbm>>
      %dma_start3A_147 = arith.constant 0 : i32
      %dma_start3A_148 = tpu.memref_slice %arg9[%multiple_of3A, %dma_start3A_147] : memref<10240x64xf32, #tpu.memory_space<vmem_shared>> -> memref<640x64xf32, #tpu.memory_space<vmem_shared>>
      tpu.enqueue_dma source(%dma_start3A_148 : memref<640x64xf32, #tpu.memory_space<vmem_shared>>) target(%dma_start3A_146 : memref<640x64xf32, #tpu.memory_space<hbm>>) target_semaphore(%run_scoped3A_144 : memref<!tpu.dma_semaphore, #tpu.memory_space<semaphore_mem>>)
      %dma_wait3A_149 = arith.constant 0 : i32
      %dma_wait3A_150 = tpu.memref_slice %arg5[%multiple_of3A_143, %dma_wait3A_149] : memref<20480x128xf32, #tpu.memory_space<hbm>> -> memref<640x64xf32, #tpu.memory_space<hbm>>
      %dma_wait3A_151 = arith.constant 0 : i32
      %dma_wait3A_152 = tpu.memref_slice %arg9[%multiple_of3A, %dma_wait3A_151] : memref<10240x64xf32, #tpu.memory_space<vmem_shared>> -> memref<640x64xf32, #tpu.memory_space<vmem_shared>>
      tpu.wait_dma2 semaphore(%run_scoped3A_144 : memref<!tpu.dma_semaphore, #tpu.memory_space<semaphore_mem>>) src(%dma_wait3A_152 : memref<640x64xf32, #tpu.memory_space<vmem_shared>>) dst(%dma_wait3A_150 : memref<640x64xf32, #tpu.memory_space<hbm>>)
      tpu.yield
    }) : () -> ()
    return
  }
}

#map = affine_map<(d0, d1) -> (0, 0)>
#map1 = affine_map<(d0, d1) -> (0, 0, 0, 0)>
module attributes {stable_mosaic.version = 14 : i64} {
  func.func @_sc_agg_deg(%arg0: i32, %arg1: i32, %arg2: memref<10000x64xf32, #tpu.memory_space<hbm>>, %arg3: memref<2x32x125x80xi32, #tpu.memory_space<hbm>>, %arg4: memref<10240x64xf32, #tpu.memory_space<hbm>>, %arg5: memref<10240x8xf32, #tpu.memory_space<hbm>>, %arg6: memref<80x8xf32, #tpu.memory_space<hbm>>, %arg7: memref<20480x128xf32, #tpu.memory_space<hbm>>, %arg8: memref<125x80xi32, #tpu.memory_space<vmem>>, %arg9: memref<125x80xi32, #tpu.memory_space<vmem>>, %arg10: memref<6x80x64xf32, #tpu.memory_space<vmem>>, %arg11: memref<80x8xf32, #tpu.memory_space<vmem>>, %arg12: memref<10240x64xf32, #tpu.memory_space<vmem_shared>>, %arg13: memref<10240x8xf32, #tpu.memory_space<vmem_shared>>, %arg14: memref<!tpu.dma_semaphore, #tpu.memory_space<semaphore_mem>>, %arg15: memref<!tpu.dma_semaphore, #tpu.memory_space<semaphore_mem>>, %arg16: memref<!tpu.dma_semaphore, #tpu.memory_space<semaphore_mem>>, %arg17: memref<!tpu.dma_semaphore, #tpu.memory_space<semaphore_mem>>, %arg18: memref<!tpu.dma_semaphore, #tpu.memory_space<semaphore_mem>>, %arg19: memref<!tpu.dma_semaphore, #tpu.memory_space<semaphore_mem>>) attributes {dimension_semantics = [#tpu.dimension_semantics<core_parallel>, #tpu.dimension_semantics<subcore_parallel>], iteration_bounds = array<i64: 2, 16>, scalar_prefetch = 0 : i64, scratch_operands = 12 : i64, tpu.core_type = #tpu.core_type<sc_vector_subcore>, window_params = [{transform_indices = #map}, {transform_indices = #map1}, {transform_indices = #map}, {transform_indices = #map}, {transform_indices = #map}, {transform_indices = #map}]} {
    %mul3A = arith.constant 16 : i32
    %mul3A_0 = arith.muli %arg0, %mul3A : i32
    %add3A = arith.addi %mul3A_0, %arg1 : i32
    %mul3A_1 = arith.constant 640 : i32
    %mul3A_2 = arith.muli %arg1, %mul3A_1 : i32
    %multiple_of3A = tpu.assume_multiple %mul3A_2, 8 : i32
    %run_scoped3A = arith.constant 0 : i32
    "tpu.region"() ({
      %run_scoped3A_149 = tpu.sem_alloc : memref<!tpu.dma_semaphore, #tpu.memory_space<semaphore_mem>>
      %dma_start3A_150 = arith.constant 0 : i32
      %dma_start3A_151 = arith.constant 0 : i32
      %dma_start3A_152 = arith.constant 0 : i32
      %dma_start3A_153 = tpu.memref_slice %arg3[%run_scoped3A, %dma_start3A_150, %dma_start3A_151, %dma_start3A_152] : memref<2x32x125x80xi32, #tpu.memory_space<hbm>> -> memref<1x32x125x80xi32, #tpu.memory_space<hbm>>
      %dma_start3A_154 = tpu.memref_squeeze %dma_start3A_153 : memref<1x32x125x80xi32, #tpu.memory_space<hbm>> -> memref<32x125x80xi32, #tpu.memory_space<hbm>>
      %dma_start3A_155 = arith.constant 0 : i32
      %dma_start3A_156 = arith.constant 0 : i32
      %dma_start3A_157 = tpu.memref_slice %dma_start3A_154[%add3A, %dma_start3A_155, %dma_start3A_156] : memref<32x125x80xi32, #tpu.memory_space<hbm>> -> memref<1x125x80xi32, #tpu.memory_space<hbm>>
      %dma_start3A_158 = tpu.memref_squeeze %dma_start3A_157 : memref<1x125x80xi32, #tpu.memory_space<hbm>> -> memref<125x80xi32, #tpu.memory_space<hbm>>
      %dma_start3A_159 = arith.constant 0 : i32
      %dma_start3A_160 = arith.constant 0 : i32
      %dma_start3A_161 = arith.constant 0 : i32
      %dma_start3A_162 = tpu.memref_slice %arg3[%run_scoped3A, %dma_start3A_159, %dma_start3A_160, %dma_start3A_161] : memref<2x32x125x80xi32, #tpu.memory_space<hbm>> -> memref<1x32x125x80xi32, #tpu.memory_space<hbm>>
      %dma_start3A_163 = tpu.memref_squeeze %dma_start3A_162 : memref<1x32x125x80xi32, #tpu.memory_space<hbm>> -> memref<32x125x80xi32, #tpu.memory_space<hbm>>
      %dma_start3A_164 = arith.constant 0 : i32
      %dma_start3A_165 = arith.constant 0 : i32
      %dma_start3A_166 = tpu.memref_slice %dma_start3A_163[%add3A, %dma_start3A_164, %dma_start3A_165] : memref<32x125x80xi32, #tpu.memory_space<hbm>> -> memref<1x125x80xi32, #tpu.memory_space<hbm>>
      %dma_start3A_167 = tpu.memref_squeeze %dma_start3A_166 : memref<1x125x80xi32, #tpu.memory_space<hbm>> -> memref<125x80xi32, #tpu.memory_space<hbm>>
      tpu.enqueue_dma source(%dma_start3A_167 : memref<125x80xi32, #tpu.memory_space<hbm>>) target(%arg8 : memref<125x80xi32, #tpu.memory_space<vmem>>) target_semaphore(%run_scoped3A_149 : memref<!tpu.dma_semaphore, #tpu.memory_space<semaphore_mem>>)
      %dma_wait3A_168 = arith.constant 0 : i32
      %dma_wait3A_169 = arith.constant 0 : i32
      %dma_wait3A_170 = arith.constant 0 : i32
      %dma_wait3A_171 = tpu.memref_slice %arg3[%run_scoped3A, %dma_wait3A_168, %dma_wait3A_169, %dma_wait3A_170] : memref<2x32x125x80xi32, #tpu.memory_space<hbm>> -> memref<1x32x125x80xi32, #tpu.memory_space<hbm>>
      %dma_wait3A_172 = tpu.memref_squeeze %dma_wait3A_171 : memref<1x32x125x80xi32, #tpu.memory_space<hbm>> -> memref<32x125x80xi32, #tpu.memory_space<hbm>>
      %dma_wait3A_173 = arith.constant 0 : i32
      %dma_wait3A_174 = arith.constant 0 : i32
      %dma_wait3A_175 = tpu.memref_slice %dma_wait3A_172[%add3A, %dma_wait3A_173, %dma_wait3A_174] : memref<32x125x80xi32, #tpu.memory_space<hbm>> -> memref<1x125x80xi32, #tpu.memory_space<hbm>>
      %dma_wait3A_176 = tpu.memref_squeeze %dma_wait3A_175 : memref<1x125x80xi32, #tpu.memory_space<hbm>> -> memref<125x80xi32, #tpu.memory_space<hbm>>
      %dma_wait3A_177 = arith.constant 0 : i32
      %dma_wait3A_178 = arith.constant 0 : i32
      %dma_wait3A_179 = arith.constant 0 : i32
      %dma_wait3A_180 = tpu.memref_slice %arg3[%run_scoped3A, %dma_wait3A_177, %dma_wait3A_178, %dma_wait3A_179] : memref<2x32x125x80xi32, #tpu.memory_space<hbm>> -> memref<1x32x125x80xi32, #tpu.memory_space<hbm>>
      %dma_wait3A_181 = tpu.memref_squeeze %dma_wait3A_180 : memref<1x32x125x80xi32, #tpu.memory_space<hbm>> -> memref<32x125x80xi32, #tpu.memory_space<hbm>>
      %dma_wait3A_182 = arith.constant 0 : i32
      %dma_wait3A_183 = arith.constant 0 : i32
      %dma_wait3A_184 = tpu.memref_slice %dma_wait3A_181[%add3A, %dma_wait3A_182, %dma_wait3A_183] : memref<32x125x80xi32, #tpu.memory_space<hbm>> -> memref<1x125x80xi32, #tpu.memory_space<hbm>>
      %dma_wait3A_185 = tpu.memref_squeeze %dma_wait3A_184 : memref<1x125x80xi32, #tpu.memory_space<hbm>> -> memref<125x80xi32, #tpu.memory_space<hbm>>
      tpu.wait_dma2 semaphore(%run_scoped3A_149 : memref<!tpu.dma_semaphore, #tpu.memory_space<semaphore_mem>>) src(%dma_wait3A_185 : memref<125x80xi32, #tpu.memory_space<hbm>>) dst(%arg8 : memref<125x80xi32, #tpu.memory_space<vmem>>)
      tpu.yield
    }) : () -> ()
    %run_scoped3A_3 = arith.constant 1 : i32
    "tpu.region"() ({
      %run_scoped3A_149 = tpu.sem_alloc : memref<!tpu.dma_semaphore, #tpu.memory_space<semaphore_mem>>
      %dma_start3A_150 = arith.constant 0 : i32
      %dma_start3A_151 = arith.constant 0 : i32
      %dma_start3A_152 = arith.constant 0 : i32
      %dma_start3A_153 = tpu.memref_slice %arg3[%run_scoped3A_3, %dma_start3A_150, %dma_start3A_151, %dma_start3A_152] : memref<2x32x125x80xi32, #tpu.memory_space<hbm>> -> memref<1x32x125x80xi32, #tpu.memory_space<hbm>>
      %dma_start3A_154 = tpu.memref_squeeze %dma_start3A_153 : memref<1x32x125x80xi32, #tpu.memory_space<hbm>> -> memref<32x125x80xi32, #tpu.memory_space<hbm>>
      %dma_start3A_155 = arith.constant 0 : i32
      %dma_start3A_156 = arith.constant 0 : i32
      %dma_start3A_157 = tpu.memref_slice %dma_start3A_154[%add3A, %dma_start3A_155, %dma_start3A_156] : memref<32x125x80xi32, #tpu.memory_space<hbm>> -> memref<1x125x80xi32, #tpu.memory_space<hbm>>
      %dma_start3A_158 = tpu.memref_squeeze %dma_start3A_157 : memref<1x125x80xi32, #tpu.memory_space<hbm>> -> memref<125x80xi32, #tpu.memory_space<hbm>>
      %dma_start3A_159 = arith.constant 0 : i32
      %dma_start3A_160 = arith.constant 0 : i32
      %dma_start3A_161 = arith.constant 0 : i32
      %dma_start3A_162 = tpu.memref_slice %arg3[%run_scoped3A_3, %dma_start3A_159, %dma_start3A_160, %dma_start3A_161] : memref<2x32x125x80xi32, #tpu.memory_space<hbm>> -> memref<1x32x125x80xi32, #tpu.memory_space<hbm>>
      %dma_start3A_163 = tpu.memref_squeeze %dma_start3A_162 : memref<1x32x125x80xi32, #tpu.memory_space<hbm>> -> memref<32x125x80xi32, #tpu.memory_space<hbm>>
      %dma_start3A_164 = arith.constant 0 : i32
      %dma_start3A_165 = arith.constant 0 : i32
      %dma_start3A_166 = tpu.memref_slice %dma_start3A_163[%add3A, %dma_start3A_164, %dma_start3A_165] : memref<32x125x80xi32, #tpu.memory_space<hbm>> -> memref<1x125x80xi32, #tpu.memory_space<hbm>>
      %dma_start3A_167 = tpu.memref_squeeze %dma_start3A_166 : memref<1x125x80xi32, #tpu.memory_space<hbm>> -> memref<125x80xi32, #tpu.memory_space<hbm>>
      tpu.enqueue_dma source(%dma_start3A_167 : memref<125x80xi32, #tpu.memory_space<hbm>>) target(%arg9 : memref<125x80xi32, #tpu.memory_space<vmem>>) target_semaphore(%run_scoped3A_149 : memref<!tpu.dma_semaphore, #tpu.memory_space<semaphore_mem>>)
      %dma_wait3A_168 = arith.constant 0 : i32
      %dma_wait3A_169 = arith.constant 0 : i32
      %dma_wait3A_170 = arith.constant 0 : i32
      %dma_wait3A_171 = tpu.memref_slice %arg3[%run_scoped3A_3, %dma_wait3A_168, %dma_wait3A_169, %dma_wait3A_170] : memref<2x32x125x80xi32, #tpu.memory_space<hbm>> -> memref<1x32x125x80xi32, #tpu.memory_space<hbm>>
      %dma_wait3A_172 = tpu.memref_squeeze %dma_wait3A_171 : memref<1x32x125x80xi32, #tpu.memory_space<hbm>> -> memref<32x125x80xi32, #tpu.memory_space<hbm>>
      %dma_wait3A_173 = arith.constant 0 : i32
      %dma_wait3A_174 = arith.constant 0 : i32
      %dma_wait3A_175 = tpu.memref_slice %dma_wait3A_172[%add3A, %dma_wait3A_173, %dma_wait3A_174] : memref<32x125x80xi32, #tpu.memory_space<hbm>> -> memref<1x125x80xi32, #tpu.memory_space<hbm>>
      %dma_wait3A_176 = tpu.memref_squeeze %dma_wait3A_175 : memref<1x125x80xi32, #tpu.memory_space<hbm>> -> memref<125x80xi32, #tpu.memory_space<hbm>>
      %dma_wait3A_177 = arith.constant 0 : i32
      %dma_wait3A_178 = arith.constant 0 : i32
      %dma_wait3A_179 = arith.constant 0 : i32
      %dma_wait3A_180 = tpu.memref_slice %arg3[%run_scoped3A_3, %dma_wait3A_177, %dma_wait3A_178, %dma_wait3A_179] : memref<2x32x125x80xi32, #tpu.memory_space<hbm>> -> memref<1x32x125x80xi32, #tpu.memory_space<hbm>>
      %dma_wait3A_181 = tpu.memref_squeeze %dma_wait3A_180 : memref<1x32x125x80xi32, #tpu.memory_space<hbm>> -> memref<32x125x80xi32, #tpu.memory_space<hbm>>
      %dma_wait3A_182 = arith.constant 0 : i32
      %dma_wait3A_183 = arith.constant 0 : i32
      %dma_wait3A_184 = tpu.memref_slice %dma_wait3A_181[%add3A, %dma_wait3A_182, %dma_wait3A_183] : memref<32x125x80xi32, #tpu.memory_space<hbm>> -> memref<1x125x80xi32, #tpu.memory_space<hbm>>
      %dma_wait3A_185 = tpu.memref_squeeze %dma_wait3A_184 : memref<1x125x80xi32, #tpu.memory_space<hbm>> -> memref<125x80xi32, #tpu.memory_space<hbm>>
      tpu.wait_dma2 semaphore(%run_scoped3A_149 : memref<!tpu.dma_semaphore, #tpu.memory_space<semaphore_mem>>) src(%dma_wait3A_185 : memref<125x80xi32, #tpu.memory_space<hbm>>) dst(%arg9 : memref<125x80xi32, #tpu.memory_space<vmem>>)
      tpu.yield
    }) : () -> ()
    %dma_start3A = arith.constant 0 : i32
    %dma_start3A_4 = arith.constant 0 : i32
    %dma_start3A_5 = arith.constant 0 : i32
    %dma_start3A_6 = arith.constant 0 : i32
    %dma_start3A_7 = tpu.memref_slice %arg10[%dma_start3A_4, %dma_start3A_5, %dma_start3A_6] : memref<6x80x64xf32, #tpu.memory_space<vmem>> -> memref<1x80x64xf32, #tpu.memory_space<vmem>>
    %dma_start3A_8 = tpu.memref_squeeze %dma_start3A_7 : memref<1x80x64xf32, #tpu.memory_space<vmem>> -> memref<80x64xf32, #tpu.memory_space<vmem>>
    %dma_start3A_9 = arith.constant 0 : i32
    %dma_start3A_10 = tpu.memref_slice %arg8[%dma_start3A, %dma_start3A_9] : memref<125x80xi32, #tpu.memory_space<vmem>> -> memref<1x80xi32, #tpu.memory_space<vmem>>
    %dma_start3A_11 = tpu.memref_squeeze %dma_start3A_10 : memref<1x80xi32, #tpu.memory_space<vmem>> -> memref<80xi32, #tpu.memory_space<vmem>>
    %dma_start3A_12 = arith.constant 0 : i32
    %dma_start3A_13 = arith.constant 0 : i32
    %dma_start3A_14 = tpu.memref_slice %arg2[%dma_start3A_12, %dma_start3A_13] : memref<10000x64xf32, #tpu.memory_space<hbm>> -> memref<10000x64xf32, #tpu.memory_space<hbm>>
    tpu.enqueue_indirect_dma source(%dma_start3A_14 : memref<10000x64xf32, #tpu.memory_space<hbm>>) target(%dma_start3A_8 : memref<80x64xf32, #tpu.memory_space<vmem>>) offsets(%dma_start3A_11 : memref<80xi32, #tpu.memory_space<vmem>>) semaphore(%arg14 : memref<!tpu.dma_semaphore, #tpu.memory_space<semaphore_mem>>)
    %dma_start3A_15 = arith.constant 1 : i32
    %dma_start3A_16 = arith.constant 1 : i32
    %dma_start3A_17 = arith.constant 0 : i32
    %dma_start3A_18 = arith.constant 0 : i32
    %dma_start3A_19 = tpu.memref_slice %arg10[%dma_start3A_16, %dma_start3A_17, %dma_start3A_18] : memref<6x80x64xf32, #tpu.memory_space<vmem>> -> memref<1x80x64xf32, #tpu.memory_space<vmem>>
    %dma_start3A_20 = tpu.memref_squeeze %dma_start3A_19 : memref<1x80x64xf32, #tpu.memory_space<vmem>> -> memref<80x64xf32, #tpu.memory_space<vmem>>
    %dma_start3A_21 = arith.constant 0 : i32
    %dma_start3A_22 = tpu.memref_slice %arg8[%dma_start3A_15, %dma_start3A_21] : memref<125x80xi32, #tpu.memory_space<vmem>> -> memref<1x80xi32, #tpu.memory_space<vmem>>
    %dma_start3A_23 = tpu.memref_squeeze %dma_start3A_22 : memref<1x80xi32, #tpu.memory_space<vmem>> -> memref<80xi32, #tpu.memory_space<vmem>>
    %dma_start3A_24 = arith.constant 0 : i32
    %dma_start3A_25 = arith.constant 0 : i32
    %dma_start3A_26 = tpu.memref_slice %arg2[%dma_start3A_24, %dma_start3A_25] : memref<10000x64xf32, #tpu.memory_space<hbm>> -> memref<10000x64xf32, #tpu.memory_space<hbm>>
    tpu.enqueue_indirect_dma source(%dma_start3A_26 : memref<10000x64xf32, #tpu.memory_space<hbm>>) target(%dma_start3A_20 : memref<80x64xf32, #tpu.memory_space<vmem>>) offsets(%dma_start3A_23 : memref<80xi32, #tpu.memory_space<vmem>>) semaphore(%arg15 : memref<!tpu.dma_semaphore, #tpu.memory_space<semaphore_mem>>)
    %dma_start3A_27 = arith.constant 2 : i32
    %dma_start3A_28 = arith.constant 2 : i32
    %dma_start3A_29 = arith.constant 0 : i32
    %dma_start3A_30 = arith.constant 0 : i32
    %dma_start3A_31 = tpu.memref_slice %arg10[%dma_start3A_28, %dma_start3A_29, %dma_start3A_30] : memref<6x80x64xf32, #tpu.memory_space<vmem>> -> memref<1x80x64xf32, #tpu.memory_space<vmem>>
    %dma_start3A_32 = tpu.memref_squeeze %dma_start3A_31 : memref<1x80x64xf32, #tpu.memory_space<vmem>> -> memref<80x64xf32, #tpu.memory_space<vmem>>
    %dma_start3A_33 = arith.constant 0 : i32
    %dma_start3A_34 = tpu.memref_slice %arg8[%dma_start3A_27, %dma_start3A_33] : memref<125x80xi32, #tpu.memory_space<vmem>> -> memref<1x80xi32, #tpu.memory_space<vmem>>
    %dma_start3A_35 = tpu.memref_squeeze %dma_start3A_34 : memref<1x80xi32, #tpu.memory_space<vmem>> -> memref<80xi32, #tpu.memory_space<vmem>>
    %dma_start3A_36 = arith.constant 0 : i32
    %dma_start3A_37 = arith.constant 0 : i32
    %dma_start3A_38 = tpu.memref_slice %arg2[%dma_start3A_36, %dma_start3A_37] : memref<10000x64xf32, #tpu.memory_space<hbm>> -> memref<10000x64xf32, #tpu.memory_space<hbm>>
    tpu.enqueue_indirect_dma source(%dma_start3A_38 : memref<10000x64xf32, #tpu.memory_space<hbm>>) target(%dma_start3A_32 : memref<80x64xf32, #tpu.memory_space<vmem>>) offsets(%dma_start3A_35 : memref<80xi32, #tpu.memory_space<vmem>>) semaphore(%arg16 : memref<!tpu.dma_semaphore, #tpu.memory_space<semaphore_mem>>)
    %dma_start3A_39 = arith.constant 3 : i32
    %dma_start3A_40 = arith.constant 3 : i32
    %dma_start3A_41 = arith.constant 0 : i32
    %dma_start3A_42 = arith.constant 0 : i32
    %dma_start3A_43 = tpu.memref_slice %arg10[%dma_start3A_40, %dma_start3A_41, %dma_start3A_42] : memref<6x80x64xf32, #tpu.memory_space<vmem>> -> memref<1x80x64xf32, #tpu.memory_space<vmem>>
    %dma_start3A_44 = tpu.memref_squeeze %dma_start3A_43 : memref<1x80x64xf32, #tpu.memory_space<vmem>> -> memref<80x64xf32, #tpu.memory_space<vmem>>
    %dma_start3A_45 = arith.constant 0 : i32
    %dma_start3A_46 = tpu.memref_slice %arg8[%dma_start3A_39, %dma_start3A_45] : memref<125x80xi32, #tpu.memory_space<vmem>> -> memref<1x80xi32, #tpu.memory_space<vmem>>
    %dma_start3A_47 = tpu.memref_squeeze %dma_start3A_46 : memref<1x80xi32, #tpu.memory_space<vmem>> -> memref<80xi32, #tpu.memory_space<vmem>>
    %dma_start3A_48 = arith.constant 0 : i32
    %dma_start3A_49 = arith.constant 0 : i32
    %dma_start3A_50 = tpu.memref_slice %arg2[%dma_start3A_48, %dma_start3A_49] : memref<10000x64xf32, #tpu.memory_space<hbm>> -> memref<10000x64xf32, #tpu.memory_space<hbm>>
    tpu.enqueue_indirect_dma source(%dma_start3A_50 : memref<10000x64xf32, #tpu.memory_space<hbm>>) target(%dma_start3A_44 : memref<80x64xf32, #tpu.memory_space<vmem>>) offsets(%dma_start3A_47 : memref<80xi32, #tpu.memory_space<vmem>>) semaphore(%arg17 : memref<!tpu.dma_semaphore, #tpu.memory_space<semaphore_mem>>)
    %dma_start3A_51 = arith.constant 4 : i32
    %dma_start3A_52 = arith.constant 4 : i32
    %dma_start3A_53 = arith.constant 0 : i32
    %dma_start3A_54 = arith.constant 0 : i32
    %dma_start3A_55 = tpu.memref_slice %arg10[%dma_start3A_52, %dma_start3A_53, %dma_start3A_54] : memref<6x80x64xf32, #tpu.memory_space<vmem>> -> memref<1x80x64xf32, #tpu.memory_space<vmem>>
    %dma_start3A_56 = tpu.memref_squeeze %dma_start3A_55 : memref<1x80x64xf32, #tpu.memory_space<vmem>> -> memref<80x64xf32, #tpu.memory_space<vmem>>
    %dma_start3A_57 = arith.constant 0 : i32
    %dma_start3A_58 = tpu.memref_slice %arg8[%dma_start3A_51, %dma_start3A_57] : memref<125x80xi32, #tpu.memory_space<vmem>> -> memref<1x80xi32, #tpu.memory_space<vmem>>
    %dma_start3A_59 = tpu.memref_squeeze %dma_start3A_58 : memref<1x80xi32, #tpu.memory_space<vmem>> -> memref<80xi32, #tpu.memory_space<vmem>>
    %dma_start3A_60 = arith.constant 0 : i32
    %dma_start3A_61 = arith.constant 0 : i32
    %dma_start3A_62 = tpu.memref_slice %arg2[%dma_start3A_60, %dma_start3A_61] : memref<10000x64xf32, #tpu.memory_space<hbm>> -> memref<10000x64xf32, #tpu.memory_space<hbm>>
    tpu.enqueue_indirect_dma source(%dma_start3A_62 : memref<10000x64xf32, #tpu.memory_space<hbm>>) target(%dma_start3A_56 : memref<80x64xf32, #tpu.memory_space<vmem>>) offsets(%dma_start3A_59 : memref<80xi32, #tpu.memory_space<vmem>>) semaphore(%arg18 : memref<!tpu.dma_semaphore, #tpu.memory_space<semaphore_mem>>)
    "tpu.region"() ({
      %run_scoped3A_149 = tpu.sem_alloc : memref<!tpu.dma_semaphore, #tpu.memory_space<semaphore_mem>>
      %dma_start3A_150 = arith.constant 0 : i32
      %dma_start3A_151 = tpu.memref_slice %arg12[%multiple_of3A, %dma_start3A_150] : memref<10240x64xf32, #tpu.memory_space<vmem_shared>> -> memref<640x64xf32, #tpu.memory_space<vmem_shared>>
      %dma_start3A_152 = arith.constant 0 : i32
      %dma_start3A_153 = tpu.memref_slice %arg4[%multiple_of3A, %dma_start3A_152] : memref<10240x64xf32, #tpu.memory_space<hbm>> -> memref<640x64xf32, #tpu.memory_space<hbm>>
      tpu.enqueue_dma source(%dma_start3A_153 : memref<640x64xf32, #tpu.memory_space<hbm>>) target(%dma_start3A_151 : memref<640x64xf32, #tpu.memory_space<vmem_shared>>) target_semaphore(%run_scoped3A_149 : memref<!tpu.dma_semaphore, #tpu.memory_space<semaphore_mem>>)
      %dma_wait3A_154 = arith.constant 0 : i32
      %dma_wait3A_155 = tpu.memref_slice %arg12[%multiple_of3A, %dma_wait3A_154] : memref<10240x64xf32, #tpu.memory_space<vmem_shared>> -> memref<640x64xf32, #tpu.memory_space<vmem_shared>>
      %dma_wait3A_156 = arith.constant 0 : i32
      %dma_wait3A_157 = tpu.memref_slice %arg4[%multiple_of3A, %dma_wait3A_156] : memref<10240x64xf32, #tpu.memory_space<hbm>> -> memref<640x64xf32, #tpu.memory_space<hbm>>
      tpu.wait_dma2 semaphore(%run_scoped3A_149 : memref<!tpu.dma_semaphore, #tpu.memory_space<semaphore_mem>>) src(%dma_wait3A_157 : memref<640x64xf32, #tpu.memory_space<hbm>>) dst(%dma_wait3A_155 : memref<640x64xf32, #tpu.memory_space<vmem_shared>>)
      tpu.yield
    }) : () -> ()
    "tpu.region"() ({
      %run_scoped3A_149 = tpu.sem_alloc : memref<!tpu.dma_semaphore, #tpu.memory_space<semaphore_mem>>
      %dma_start3A_150 = arith.constant 0 : i32
      %dma_start3A_151 = tpu.memref_slice %arg13[%multiple_of3A, %dma_start3A_150] : memref<10240x8xf32, #tpu.memory_space<vmem_shared>> -> memref<640x8xf32, #tpu.memory_space<vmem_shared>>
      %dma_start3A_152 = arith.constant 0 : i32
      %dma_start3A_153 = tpu.memref_slice %arg5[%multiple_of3A, %dma_start3A_152] : memref<10240x8xf32, #tpu.memory_space<hbm>> -> memref<640x8xf32, #tpu.memory_space<hbm>>
      tpu.enqueue_dma source(%dma_start3A_153 : memref<640x8xf32, #tpu.memory_space<hbm>>) target(%dma_start3A_151 : memref<640x8xf32, #tpu.memory_space<vmem_shared>>) target_semaphore(%run_scoped3A_149 : memref<!tpu.dma_semaphore, #tpu.memory_space<semaphore_mem>>)
      %dma_wait3A_154 = arith.constant 0 : i32
      %dma_wait3A_155 = tpu.memref_slice %arg13[%multiple_of3A, %dma_wait3A_154] : memref<10240x8xf32, #tpu.memory_space<vmem_shared>> -> memref<640x8xf32, #tpu.memory_space<vmem_shared>>
      %dma_wait3A_156 = arith.constant 0 : i32
      %dma_wait3A_157 = tpu.memref_slice %arg5[%multiple_of3A, %dma_wait3A_156] : memref<10240x8xf32, #tpu.memory_space<hbm>> -> memref<640x8xf32, #tpu.memory_space<hbm>>
      tpu.wait_dma2 semaphore(%run_scoped3A_149 : memref<!tpu.dma_semaphore, #tpu.memory_space<semaphore_mem>>) src(%dma_wait3A_157 : memref<640x8xf32, #tpu.memory_space<hbm>>) dst(%dma_wait3A_155 : memref<640x8xf32, #tpu.memory_space<vmem_shared>>)
      tpu.yield
    }) : () -> ()
    "tpu.region"() ({
      %run_scoped3A_149 = tpu.sem_alloc : memref<!tpu.dma_semaphore, #tpu.memory_space<semaphore_mem>>
      tpu.enqueue_dma source(%arg6 : memref<80x8xf32, #tpu.memory_space<hbm>>) target(%arg11 : memref<80x8xf32, #tpu.memory_space<vmem>>) target_semaphore(%run_scoped3A_149 : memref<!tpu.dma_semaphore, #tpu.memory_space<semaphore_mem>>)
      tpu.wait_dma2 semaphore(%run_scoped3A_149 : memref<!tpu.dma_semaphore, #tpu.memory_space<semaphore_mem>>) src(%arg6 : memref<80x8xf32, #tpu.memory_space<hbm>>) dst(%arg11 : memref<80x8xf32, #tpu.memory_space<vmem>>)
      tpu.yield
    }) : () -> ()
    %barrier3A = arith.constant 0 : index
    tpu.barrier barrier_id(%barrier3A)
    %scan3A = arith.constant 0 : i32
    %scan3A_63 = arith.constant 0 : i32
    %scan3A_64 = arith.constant 20 : i32
    %scan3A_65 = arith.addi %scan3A_63, %scan3A_64 : i32
    %scan3A_66 = arith.constant 1 : i32
    scf.for %scan3A_149 = %scan3A_63 to %scan3A_65 step %scan3A_66  : i32 {
      %mul3A_150 = arith.constant 6 : i32
      %mul3A_151 = arith.muli %mul3A_150, %scan3A_149 : i32
      %add3A_152 = arith.constant 5 : i32
      %add3A_153 = arith.addi %mul3A_151, %add3A_152 : i32
      %add3A_154 = arith.constant 0 : i32
      %add3A_155 = arith.addi %add3A_153, %add3A_154 : i32
      %dma_start3A_156 = arith.constant 5 : i32
      %dma_start3A_157 = arith.constant 0 : i32
      %dma_start3A_158 = arith.constant 0 : i32
      %dma_start3A_159 = tpu.memref_slice %arg10[%dma_start3A_156, %dma_start3A_157, %dma_start3A_158] : memref<6x80x64xf32, #tpu.memory_space<vmem>> -> memref<1x80x64xf32, #tpu.memory_space<vmem>>
      %dma_start3A_160 = tpu.memref_squeeze %dma_start3A_159 : memref<1x80x64xf32, #tpu.memory_space<vmem>> -> memref<80x64xf32, #tpu.memory_space<vmem>>
      %dma_start3A_161 = arith.constant 0 : i32
      %dma_start3A_162 = tpu.memref_slice %arg8[%add3A_155, %dma_start3A_161] : memref<125x80xi32, #tpu.memory_space<vmem>> -> memref<1x80xi32, #tpu.memory_space<vmem>>
      %dma_start3A_163 = tpu.memref_squeeze %dma_start3A_162 : memref<1x80xi32, #tpu.memory_space<vmem>> -> memref<80xi32, #tpu.memory_space<vmem>>
      %dma_start3A_164 = arith.constant 0 : i32
      %dma_start3A_165 = arith.constant 0 : i32
      %dma_start3A_166 = tpu.memref_slice %arg2[%dma_start3A_164, %dma_start3A_165] : memref<10000x64xf32, #tpu.memory_space<hbm>> -> memref<10000x64xf32, #tpu.memory_space<hbm>>
      tpu.enqueue_indirect_dma source(%dma_start3A_166 : memref<10000x64xf32, #tpu.memory_space<hbm>>) target(%dma_start3A_160 : memref<80x64xf32, #tpu.memory_space<vmem>>) offsets(%dma_start3A_163 : memref<80xi32, #tpu.memory_space<vmem>>) semaphore(%arg19 : memref<!tpu.dma_semaphore, #tpu.memory_space<semaphore_mem>>)
      %add3A_167 = arith.constant 0 : i32
      %add3A_168 = arith.addi %mul3A_151, %add3A_167 : i32
      %dma_wait3A_169 = arith.constant 0 : i32
      %dma_wait3A_170 = arith.constant 0 : i32
      %dma_wait3A_171 = arith.constant 0 : i32
      %dma_wait3A_172 = tpu.memref_slice %arg10[%dma_wait3A_169, %dma_wait3A_170, %dma_wait3A_171] : memref<6x80x64xf32, #tpu.memory_space<vmem>> -> memref<1x80x64xf32, #tpu.memory_space<vmem>>
      %dma_wait3A_173 = tpu.memref_squeeze %dma_wait3A_172 : memref<1x80x64xf32, #tpu.memory_space<vmem>> -> memref<80x64xf32, #tpu.memory_space<vmem>>
      %dma_wait3A_174 = arith.constant 0 : i32
      %dma_wait3A_175 = tpu.memref_slice %arg8[%add3A_168, %dma_wait3A_174] : memref<125x80xi32, #tpu.memory_space<vmem>> -> memref<1x80xi32, #tpu.memory_space<vmem>>
      %dma_wait3A_176 = tpu.memref_squeeze %dma_wait3A_175 : memref<1x80xi32, #tpu.memory_space<vmem>> -> memref<80xi32, #tpu.memory_space<vmem>>
      %dma_wait3A_177 = arith.constant 0 : i32
      %dma_wait3A_178 = arith.constant 0 : i32
      %dma_wait3A_179 = tpu.memref_slice %arg2[%dma_wait3A_177, %dma_wait3A_178] : memref<10000x64xf32, #tpu.memory_space<hbm>> -> memref<10000x64xf32, #tpu.memory_space<hbm>>
      tpu.wait_indirect_dma semaphore(%arg14 : memref<!tpu.dma_semaphore, #tpu.memory_space<semaphore_mem>>) src(%dma_wait3A_179 : memref<10000x64xf32, #tpu.memory_space<hbm>>) dst(%dma_wait3A_173 : memref<80x64xf32, #tpu.memory_space<vmem>>)
      %add3A_180 = arith.constant 0 : i32
      %add3A_181 = arith.addi %mul3A_151, %add3A_180 : i32
      %run_scoped3A_182 = arith.constant 0 : i32
      "tpu.region"() ({
        %run_scoped3A_338 = tpu.sem_alloc : memref<!tpu.dma_semaphore, #tpu.memory_space<semaphore_mem>>
        %dma_start3A_339 = arith.constant 0 : i32
        %dma_start3A_340 = arith.constant 0 : i32
        %dma_start3A_341 = tpu.memref_slice %arg10[%run_scoped3A_182, %dma_start3A_339, %dma_start3A_340] : memref<6x80x64xf32, #tpu.memory_space<vmem>> -> memref<1x80x64xf32, #tpu.memory_space<vmem>>
        %dma_start3A_342 = tpu.memref_squeeze %dma_start3A_341 : memref<1x80x64xf32, #tpu.memory_space<vmem>> -> memref<80x64xf32, #tpu.memory_space<vmem>>
        %dma_start3A_343 = arith.constant 0 : i32
        %dma_start3A_344 = tpu.memref_slice %arg9[%add3A_181, %dma_start3A_343] : memref<125x80xi32, #tpu.memory_space<vmem>> -> memref<1x80xi32, #tpu.memory_space<vmem>>
        %dma_start3A_345 = tpu.memref_squeeze %dma_start3A_344 : memref<1x80xi32, #tpu.memory_space<vmem>> -> memref<80xi32, #tpu.memory_space<vmem>>
        %dma_start3A_346 = arith.constant 0 : i32
        %dma_start3A_347 = arith.constant 0 : i32
        %dma_start3A_348 = tpu.memref_slice %arg12[%dma_start3A_346, %dma_start3A_347] : memref<10240x64xf32, #tpu.memory_space<vmem_shared>> -> memref<10240x64xf32, #tpu.memory_space<vmem_shared>>
        tpu.enqueue_indirect_dma source(%dma_start3A_342 : memref<80x64xf32, #tpu.memory_space<vmem>>) target(%dma_start3A_348 : memref<10240x64xf32, #tpu.memory_space<vmem_shared>>) offsets(%dma_start3A_345 : memref<80xi32, #tpu.memory_space<vmem>>) semaphore(%run_scoped3A_338 : memref<!tpu.dma_semaphore, #tpu.memory_space<semaphore_mem>>) {add = true}
        %dma_wait3A_349 = arith.constant 0 : i32
        %dma_wait3A_350 = arith.constant 0 : i32
        %dma_wait3A_351 = tpu.memref_slice %arg10[%run_scoped3A_182, %dma_wait3A_349, %dma_wait3A_350] : memref<6x80x64xf32, #tpu.memory_space<vmem>> -> memref<1x80x64xf32, #tpu.memory_space<vmem>>
        %dma_wait3A_352 = tpu.memref_squeeze %dma_wait3A_351 : memref<1x80x64xf32, #tpu.memory_space<vmem>> -> memref<80x64xf32, #tpu.memory_space<vmem>>
        %dma_wait3A_353 = arith.constant 0 : i32
        %dma_wait3A_354 = tpu.memref_slice %arg9[%add3A_181, %dma_wait3A_353] : memref<125x80xi32, #tpu.memory_space<vmem>> -> memref<1x80xi32, #tpu.memory_space<vmem>>
        %dma_wait3A_355 = tpu.memref_squeeze %dma_wait3A_354 : memref<1x80xi32, #tpu.memory_space<vmem>> -> memref<80xi32, #tpu.memory_space<vmem>>
        %dma_wait3A_356 = arith.constant 0 : i32
        %dma_wait3A_357 = arith.constant 0 : i32
        %dma_wait3A_358 = tpu.memref_slice %arg12[%dma_wait3A_356, %dma_wait3A_357] : memref<10240x64xf32, #tpu.memory_space<vmem_shared>> -> memref<10240x64xf32, #tpu.memory_space<vmem_shared>>
        tpu.wait_indirect_dma semaphore(%run_scoped3A_338 : memref<!tpu.dma_semaphore, #tpu.memory_space<semaphore_mem>>) src(%dma_wait3A_352 : memref<80x64xf32, #tpu.memory_space<vmem>>) dst(%dma_wait3A_358 : memref<10240x64xf32, #tpu.memory_space<vmem_shared>>)
        tpu.yield
      }) : () -> ()
      "tpu.region"() ({
        %run_scoped3A_338 = tpu.sem_alloc : memref<!tpu.dma_semaphore, #tpu.memory_space<semaphore_mem>>
        %dma_start3A_339 = arith.constant 0 : i32
        %dma_start3A_340 = tpu.memref_slice %arg9[%add3A_181, %dma_start3A_339] : memref<125x80xi32, #tpu.memory_space<vmem>> -> memref<1x80xi32, #tpu.memory_space<vmem>>
        %dma_start3A_341 = tpu.memref_squeeze %dma_start3A_340 : memref<1x80xi32, #tpu.memory_space<vmem>> -> memref<80xi32, #tpu.memory_space<vmem>>
        %dma_start3A_342 = arith.constant 0 : i32
        %dma_start3A_343 = arith.constant 0 : i32
        %dma_start3A_344 = tpu.memref_slice %arg13[%dma_start3A_342, %dma_start3A_343] : memref<10240x8xf32, #tpu.memory_space<vmem_shared>> -> memref<10240x8xf32, #tpu.memory_space<vmem_shared>>
        tpu.enqueue_indirect_dma source(%arg11 : memref<80x8xf32, #tpu.memory_space<vmem>>) target(%dma_start3A_344 : memref<10240x8xf32, #tpu.memory_space<vmem_shared>>) offsets(%dma_start3A_341 : memref<80xi32, #tpu.memory_space<vmem>>) semaphore(%run_scoped3A_338 : memref<!tpu.dma_semaphore, #tpu.memory_space<semaphore_mem>>) {add = true}
        %dma_wait3A_345 = arith.constant 0 : i32
        %dma_wait3A_346 = tpu.memref_slice %arg9[%add3A_181, %dma_wait3A_345] : memref<125x80xi32, #tpu.memory_space<vmem>> -> memref<1x80xi32, #tpu.memory_space<vmem>>
        %dma_wait3A_347 = tpu.memref_squeeze %dma_wait3A_346 : memref<1x80xi32, #tpu.memory_space<vmem>> -> memref<80xi32, #tpu.memory_space<vmem>>
        %dma_wait3A_348 = arith.constant 0 : i32
        %dma_wait3A_349 = arith.constant 0 : i32
        %dma_wait3A_350 = tpu.memref_slice %arg13[%dma_wait3A_348, %dma_wait3A_349] : memref<10240x8xf32, #tpu.memory_space<vmem_shared>> -> memref<10240x8xf32, #tpu.memory_space<vmem_shared>>
        tpu.wait_indirect_dma semaphore(%run_scoped3A_338 : memref<!tpu.dma_semaphore, #tpu.memory_space<semaphore_mem>>) src(%arg11 : memref<80x8xf32, #tpu.memory_space<vmem>>) dst(%dma_wait3A_350 : memref<10240x8xf32, #tpu.memory_space<vmem_shared>>)
        tpu.yield
      }) : () -> ()
      %add3A_183 = arith.constant 5 : i32
      %add3A_184 = arith.addi %mul3A_151, %add3A_183 : i32
      %add3A_185 = arith.constant 1 : i32
      %add3A_186 = arith.addi %add3A_184, %add3A_185 : i32
      %dma_start3A_187 = arith.constant 0 : i32
      %dma_start3A_188 = arith.constant 0 : i32
      %dma_start3A_189 = arith.constant 0 : i32
      %dma_start3A_190 = tpu.memref_slice %arg10[%dma_start3A_187, %dma_start3A_188, %dma_start3A_189] : memref<6x80x64xf32, #tpu.memory_space<vmem>> -> memref<1x80x64xf32, #tpu.memory_space<vmem>>
      %dma_start3A_191 = tpu.memref_squeeze %dma_start3A_190 : memref<1x80x64xf32, #tpu.memory_space<vmem>> -> memref<80x64xf32, #tpu.memory_space<vmem>>
      %dma_start3A_192 = arith.constant 0 : i32
      %dma_start3A_193 = tpu.memref_slice %arg8[%add3A_186, %dma_start3A_192] : memref<125x80xi32, #tpu.memory_space<vmem>> -> memref<1x80xi32, #tpu.memory_space<vmem>>
      %dma_start3A_194 = tpu.memref_squeeze %dma_start3A_193 : memref<1x80xi32, #tpu.memory_space<vmem>> -> memref<80xi32, #tpu.memory_space<vmem>>
      %dma_start3A_195 = arith.constant 0 : i32
      %dma_start3A_196 = arith.constant 0 : i32
      %dma_start3A_197 = tpu.memref_slice %arg2[%dma_start3A_195, %dma_start3A_196] : memref<10000x64xf32, #tpu.memory_space<hbm>> -> memref<10000x64xf32, #tpu.memory_space<hbm>>
      tpu.enqueue_indirect_dma source(%dma_start3A_197 : memref<10000x64xf32, #tpu.memory_space<hbm>>) target(%dma_start3A_191 : memref<80x64xf32, #tpu.memory_space<vmem>>) offsets(%dma_start3A_194 : memref<80xi32, #tpu.memory_space<vmem>>) semaphore(%arg14 : memref<!tpu.dma_semaphore, #tpu.memory_space<semaphore_mem>>)
      %add3A_198 = arith.constant 1 : i32
      %add3A_199 = arith.addi %mul3A_151, %add3A_198 : i32
      %dma_wait3A_200 = arith.constant 1 : i32
      %dma_wait3A_201 = arith.constant 0 : i32
      %dma_wait3A_202 = arith.constant 0 : i32
      %dma_wait3A_203 = tpu.memref_slice %arg10[%dma_wait3A_200, %dma_wait3A_201, %dma_wait3A_202] : memref<6x80x64xf32, #tpu.memory_space<vmem>> -> memref<1x80x64xf32, #tpu.memory_space<vmem>>
      %dma_wait3A_204 = tpu.memref_squeeze %dma_wait3A_203 : memref<1x80x64xf32, #tpu.memory_space<vmem>> -> memref<80x64xf32, #tpu.memory_space<vmem>>
      %dma_wait3A_205 = arith.constant 0 : i32
      %dma_wait3A_206 = tpu.memref_slice %arg8[%add3A_199, %dma_wait3A_205] : memref<125x80xi32, #tpu.memory_space<vmem>> -> memref<1x80xi32, #tpu.memory_space<vmem>>
      %dma_wait3A_207 = tpu.memref_squeeze %dma_wait3A_206 : memref<1x80xi32, #tpu.memory_space<vmem>> -> memref<80xi32, #tpu.memory_space<vmem>>
      %dma_wait3A_208 = arith.constant 0 : i32
      %dma_wait3A_209 = arith.constant 0 : i32
      %dma_wait3A_210 = tpu.memref_slice %arg2[%dma_wait3A_208, %dma_wait3A_209] : memref<10000x64xf32, #tpu.memory_space<hbm>> -> memref<10000x64xf32, #tpu.memory_space<hbm>>
      tpu.wait_indirect_dma semaphore(%arg15 : memref<!tpu.dma_semaphore, #tpu.memory_space<semaphore_mem>>) src(%dma_wait3A_210 : memref<10000x64xf32, #tpu.memory_space<hbm>>) dst(%dma_wait3A_204 : memref<80x64xf32, #tpu.memory_space<vmem>>)
      %add3A_211 = arith.constant 1 : i32
      %add3A_212 = arith.addi %mul3A_151, %add3A_211 : i32
      %run_scoped3A_213 = arith.constant 1 : i32
      "tpu.region"() ({
        %run_scoped3A_338 = tpu.sem_alloc : memref<!tpu.dma_semaphore, #tpu.memory_space<semaphore_mem>>
        %dma_start3A_339 = arith.constant 0 : i32
        %dma_start3A_340 = arith.constant 0 : i32
        %dma_start3A_341 = tpu.memref_slice %arg10[%run_scoped3A_213, %dma_start3A_339, %dma_start3A_340] : memref<6x80x64xf32, #tpu.memory_space<vmem>> -> memref<1x80x64xf32, #tpu.memory_space<vmem>>
        %dma_start3A_342 = tpu.memref_squeeze %dma_start3A_341 : memref<1x80x64xf32, #tpu.memory_space<vmem>> -> memref<80x64xf32, #tpu.memory_space<vmem>>
        %dma_start3A_343 = arith.constant 0 : i32
        %dma_start3A_344 = tpu.memref_slice %arg9[%add3A_212, %dma_start3A_343] : memref<125x80xi32, #tpu.memory_space<vmem>> -> memref<1x80xi32, #tpu.memory_space<vmem>>
        %dma_start3A_345 = tpu.memref_squeeze %dma_start3A_344 : memref<1x80xi32, #tpu.memory_space<vmem>> -> memref<80xi32, #tpu.memory_space<vmem>>
        %dma_start3A_346 = arith.constant 0 : i32
        %dma_start3A_347 = arith.constant 0 : i32
        %dma_start3A_348 = tpu.memref_slice %arg12[%dma_start3A_346, %dma_start3A_347] : memref<10240x64xf32, #tpu.memory_space<vmem_shared>> -> memref<10240x64xf32, #tpu.memory_space<vmem_shared>>
        tpu.enqueue_indirect_dma source(%dma_start3A_342 : memref<80x64xf32, #tpu.memory_space<vmem>>) target(%dma_start3A_348 : memref<10240x64xf32, #tpu.memory_space<vmem_shared>>) offsets(%dma_start3A_345 : memref<80xi32, #tpu.memory_space<vmem>>) semaphore(%run_scoped3A_338 : memref<!tpu.dma_semaphore, #tpu.memory_space<semaphore_mem>>) {add = true}
        %dma_wait3A_349 = arith.constant 0 : i32
        %dma_wait3A_350 = arith.constant 0 : i32
        %dma_wait3A_351 = tpu.memref_slice %arg10[%run_scoped3A_213, %dma_wait3A_349, %dma_wait3A_350] : memref<6x80x64xf32, #tpu.memory_space<vmem>> -> memref<1x80x64xf32, #tpu.memory_space<vmem>>
        %dma_wait3A_352 = tpu.memref_squeeze %dma_wait3A_351 : memref<1x80x64xf32, #tpu.memory_space<vmem>> -> memref<80x64xf32, #tpu.memory_space<vmem>>
        %dma_wait3A_353 = arith.constant 0 : i32
        %dma_wait3A_354 = tpu.memref_slice %arg9[%add3A_212, %dma_wait3A_353] : memref<125x80xi32, #tpu.memory_space<vmem>> -> memref<1x80xi32, #tpu.memory_space<vmem>>
        %dma_wait3A_355 = tpu.memref_squeeze %dma_wait3A_354 : memref<1x80xi32, #tpu.memory_space<vmem>> -> memref<80xi32, #tpu.memory_space<vmem>>
        %dma_wait3A_356 = arith.constant 0 : i32
        %dma_wait3A_357 = arith.constant 0 : i32
        %dma_wait3A_358 = tpu.memref_slice %arg12[%dma_wait3A_356, %dma_wait3A_357] : memref<10240x64xf32, #tpu.memory_space<vmem_shared>> -> memref<10240x64xf32, #tpu.memory_space<vmem_shared>>
        tpu.wait_indirect_dma semaphore(%run_scoped3A_338 : memref<!tpu.dma_semaphore, #tpu.memory_space<semaphore_mem>>) src(%dma_wait3A_352 : memref<80x64xf32, #tpu.memory_space<vmem>>) dst(%dma_wait3A_358 : memref<10240x64xf32, #tpu.memory_space<vmem_shared>>)
        tpu.yield
      }) : () -> ()
      "tpu.region"() ({
        %run_scoped3A_338 = tpu.sem_alloc : memref<!tpu.dma_semaphore, #tpu.memory_space<semaphore_mem>>
        %dma_start3A_339 = arith.constant 0 : i32
        %dma_start3A_340 = tpu.memref_slice %arg9[%add3A_212, %dma_start3A_339] : memref<125x80xi32, #tpu.memory_space<vmem>> -> memref<1x80xi32, #tpu.memory_space<vmem>>
        %dma_start3A_341 = tpu.memref_squeeze %dma_start3A_340 : memref<1x80xi32, #tpu.memory_space<vmem>> -> memref<80xi32, #tpu.memory_space<vmem>>
        %dma_start3A_342 = arith.constant 0 : i32
        %dma_start3A_343 = arith.constant 0 : i32
        %dma_start3A_344 = tpu.memref_slice %arg13[%dma_start3A_342, %dma_start3A_343] : memref<10240x8xf32, #tpu.memory_space<vmem_shared>> -> memref<10240x8xf32, #tpu.memory_space<vmem_shared>>
        tpu.enqueue_indirect_dma source(%arg11 : memref<80x8xf32, #tpu.memory_space<vmem>>) target(%dma_start3A_344 : memref<10240x8xf32, #tpu.memory_space<vmem_shared>>) offsets(%dma_start3A_341 : memref<80xi32, #tpu.memory_space<vmem>>) semaphore(%run_scoped3A_338 : memref<!tpu.dma_semaphore, #tpu.memory_space<semaphore_mem>>) {add = true}
        %dma_wait3A_345 = arith.constant 0 : i32
        %dma_wait3A_346 = tpu.memref_slice %arg9[%add3A_212, %dma_wait3A_345] : memref<125x80xi32, #tpu.memory_space<vmem>> -> memref<1x80xi32, #tpu.memory_space<vmem>>
        %dma_wait3A_347 = tpu.memref_squeeze %dma_wait3A_346 : memref<1x80xi32, #tpu.memory_space<vmem>> -> memref<80xi32, #tpu.memory_space<vmem>>
        %dma_wait3A_348 = arith.constant 0 : i32
        %dma_wait3A_349 = arith.constant 0 : i32
        %dma_wait3A_350 = tpu.memref_slice %arg13[%dma_wait3A_348, %dma_wait3A_349] : memref<10240x8xf32, #tpu.memory_space<vmem_shared>> -> memref<10240x8xf32, #tpu.memory_space<vmem_shared>>
        tpu.wait_indirect_dma semaphore(%run_scoped3A_338 : memref<!tpu.dma_semaphore, #tpu.memory_space<semaphore_mem>>) src(%arg11 : memref<80x8xf32, #tpu.memory_space<vmem>>) dst(%dma_wait3A_350 : memref<10240x8xf32, #tpu.memory_space<vmem_shared>>)
        tpu.yield
      }) : () -> ()
      %add3A_214 = arith.constant 5 : i32
      %add3A_215 = arith.addi %mul3A_151, %add3A_214 : i32
      %add3A_216 = arith.constant 2 : i32
      %add3A_217 = arith.addi %add3A_215, %add3A_216 : i32
      %dma_start3A_218 = arith.constant 1 : i32
      %dma_start3A_219 = arith.constant 0 : i32
      %dma_start3A_220 = arith.constant 0 : i32
      %dma_start3A_221 = tpu.memref_slice %arg10[%dma_start3A_218, %dma_start3A_219, %dma_start3A_220] : memref<6x80x64xf32, #tpu.memory_space<vmem>> -> memref<1x80x64xf32, #tpu.memory_space<vmem>>
      %dma_start3A_222 = tpu.memref_squeeze %dma_start3A_221 : memref<1x80x64xf32, #tpu.memory_space<vmem>> -> memref<80x64xf32, #tpu.memory_space<vmem>>
      %dma_start3A_223 = arith.constant 0 : i32
      %dma_start3A_224 = tpu.memref_slice %arg8[%add3A_217, %dma_start3A_223] : memref<125x80xi32, #tpu.memory_space<vmem>> -> memref<1x80xi32, #tpu.memory_space<vmem>>
      %dma_start3A_225 = tpu.memref_squeeze %dma_start3A_224 : memref<1x80xi32, #tpu.memory_space<vmem>> -> memref<80xi32, #tpu.memory_space<vmem>>
      %dma_start3A_226 = arith.constant 0 : i32
      %dma_start3A_227 = arith.constant 0 : i32
      %dma_start3A_228 = tpu.memref_slice %arg2[%dma_start3A_226, %dma_start3A_227] : memref<10000x64xf32, #tpu.memory_space<hbm>> -> memref<10000x64xf32, #tpu.memory_space<hbm>>
      tpu.enqueue_indirect_dma source(%dma_start3A_228 : memref<10000x64xf32, #tpu.memory_space<hbm>>) target(%dma_start3A_222 : memref<80x64xf32, #tpu.memory_space<vmem>>) offsets(%dma_start3A_225 : memref<80xi32, #tpu.memory_space<vmem>>) semaphore(%arg15 : memref<!tpu.dma_semaphore, #tpu.memory_space<semaphore_mem>>)
      %add3A_229 = arith.constant 2 : i32
      %add3A_230 = arith.addi %mul3A_151, %add3A_229 : i32
      %dma_wait3A_231 = arith.constant 2 : i32
      %dma_wait3A_232 = arith.constant 0 : i32
      %dma_wait3A_233 = arith.constant 0 : i32
      %dma_wait3A_234 = tpu.memref_slice %arg10[%dma_wait3A_231, %dma_wait3A_232, %dma_wait3A_233] : memref<6x80x64xf32, #tpu.memory_space<vmem>> -> memref<1x80x64xf32, #tpu.memory_space<vmem>>
      %dma_wait3A_235 = tpu.memref_squeeze %dma_wait3A_234 : memref<1x80x64xf32, #tpu.memory_space<vmem>> -> memref<80x64xf32, #tpu.memory_space<vmem>>
      %dma_wait3A_236 = arith.constant 0 : i32
      %dma_wait3A_237 = tpu.memref_slice %arg8[%add3A_230, %dma_wait3A_236] : memref<125x80xi32, #tpu.memory_space<vmem>> -> memref<1x80xi32, #tpu.memory_space<vmem>>
      %dma_wait3A_238 = tpu.memref_squeeze %dma_wait3A_237 : memref<1x80xi32, #tpu.memory_space<vmem>> -> memref<80xi32, #tpu.memory_space<vmem>>
      %dma_wait3A_239 = arith.constant 0 : i32
      %dma_wait3A_240 = arith.constant 0 : i32
      %dma_wait3A_241 = tpu.memref_slice %arg2[%dma_wait3A_239, %dma_wait3A_240] : memref<10000x64xf32, #tpu.memory_space<hbm>> -> memref<10000x64xf32, #tpu.memory_space<hbm>>
      tpu.wait_indirect_dma semaphore(%arg16 : memref<!tpu.dma_semaphore, #tpu.memory_space<semaphore_mem>>) src(%dma_wait3A_241 : memref<10000x64xf32, #tpu.memory_space<hbm>>) dst(%dma_wait3A_235 : memref<80x64xf32, #tpu.memory_space<vmem>>)
      %add3A_242 = arith.constant 2 : i32
      %add3A_243 = arith.addi %mul3A_151, %add3A_242 : i32
      %run_scoped3A_244 = arith.constant 2 : i32
      "tpu.region"() ({
        %run_scoped3A_338 = tpu.sem_alloc : memref<!tpu.dma_semaphore, #tpu.memory_space<semaphore_mem>>
        %dma_start3A_339 = arith.constant 0 : i32
        %dma_start3A_340 = arith.constant 0 : i32
        %dma_start3A_341 = tpu.memref_slice %arg10[%run_scoped3A_244, %dma_start3A_339, %dma_start3A_340] : memref<6x80x64xf32, #tpu.memory_space<vmem>> -> memref<1x80x64xf32, #tpu.memory_space<vmem>>
        %dma_start3A_342 = tpu.memref_squeeze %dma_start3A_341 : memref<1x80x64xf32, #tpu.memory_space<vmem>> -> memref<80x64xf32, #tpu.memory_space<vmem>>
        %dma_start3A_343 = arith.constant 0 : i32
        %dma_start3A_344 = tpu.memref_slice %arg9[%add3A_243, %dma_start3A_343] : memref<125x80xi32, #tpu.memory_space<vmem>> -> memref<1x80xi32, #tpu.memory_space<vmem>>
        %dma_start3A_345 = tpu.memref_squeeze %dma_start3A_344 : memref<1x80xi32, #tpu.memory_space<vmem>> -> memref<80xi32, #tpu.memory_space<vmem>>
        %dma_start3A_346 = arith.constant 0 : i32
        %dma_start3A_347 = arith.constant 0 : i32
        %dma_start3A_348 = tpu.memref_slice %arg12[%dma_start3A_346, %dma_start3A_347] : memref<10240x64xf32, #tpu.memory_space<vmem_shared>> -> memref<10240x64xf32, #tpu.memory_space<vmem_shared>>
        tpu.enqueue_indirect_dma source(%dma_start3A_342 : memref<80x64xf32, #tpu.memory_space<vmem>>) target(%dma_start3A_348 : memref<10240x64xf32, #tpu.memory_space<vmem_shared>>) offsets(%dma_start3A_345 : memref<80xi32, #tpu.memory_space<vmem>>) semaphore(%run_scoped3A_338 : memref<!tpu.dma_semaphore, #tpu.memory_space<semaphore_mem>>) {add = true}
        %dma_wait3A_349 = arith.constant 0 : i32
        %dma_wait3A_350 = arith.constant 0 : i32
        %dma_wait3A_351 = tpu.memref_slice %arg10[%run_scoped3A_244, %dma_wait3A_349, %dma_wait3A_350] : memref<6x80x64xf32, #tpu.memory_space<vmem>> -> memref<1x80x64xf32, #tpu.memory_space<vmem>>
        %dma_wait3A_352 = tpu.memref_squeeze %dma_wait3A_351 : memref<1x80x64xf32, #tpu.memory_space<vmem>> -> memref<80x64xf32, #tpu.memory_space<vmem>>
        %dma_wait3A_353 = arith.constant 0 : i32
        %dma_wait3A_354 = tpu.memref_slice %arg9[%add3A_243, %dma_wait3A_353] : memref<125x80xi32, #tpu.memory_space<vmem>> -> memref<1x80xi32, #tpu.memory_space<vmem>>
        %dma_wait3A_355 = tpu.memref_squeeze %dma_wait3A_354 : memref<1x80xi32, #tpu.memory_space<vmem>> -> memref<80xi32, #tpu.memory_space<vmem>>
        %dma_wait3A_356 = arith.constant 0 : i32
        %dma_wait3A_357 = arith.constant 0 : i32
        %dma_wait3A_358 = tpu.memref_slice %arg12[%dma_wait3A_356, %dma_wait3A_357] : memref<10240x64xf32, #tpu.memory_space<vmem_shared>> -> memref<10240x64xf32, #tpu.memory_space<vmem_shared>>
        tpu.wait_indirect_dma semaphore(%run_scoped3A_338 : memref<!tpu.dma_semaphore, #tpu.memory_space<semaphore_mem>>) src(%dma_wait3A_352 : memref<80x64xf32, #tpu.memory_space<vmem>>) dst(%dma_wait3A_358 : memref<10240x64xf32, #tpu.memory_space<vmem_shared>>)
        tpu.yield
      }) : () -> ()
      "tpu.region"() ({
        %run_scoped3A_338 = tpu.sem_alloc : memref<!tpu.dma_semaphore, #tpu.memory_space<semaphore_mem>>
        %dma_start3A_339 = arith.constant 0 : i32
        %dma_start3A_340 = tpu.memref_slice %arg9[%add3A_243, %dma_start3A_339] : memref<125x80xi32, #tpu.memory_space<vmem>> -> memref<1x80xi32, #tpu.memory_space<vmem>>
        %dma_start3A_341 = tpu.memref_squeeze %dma_start3A_340 : memref<1x80xi32, #tpu.memory_space<vmem>> -> memref<80xi32, #tpu.memory_space<vmem>>
        %dma_start3A_342 = arith.constant 0 : i32
        %dma_start3A_343 = arith.constant 0 : i32
        %dma_start3A_344 = tpu.memref_slice %arg13[%dma_start3A_342, %dma_start3A_343] : memref<10240x8xf32, #tpu.memory_space<vmem_shared>> -> memref<10240x8xf32, #tpu.memory_space<vmem_shared>>
        tpu.enqueue_indirect_dma source(%arg11 : memref<80x8xf32, #tpu.memory_space<vmem>>) target(%dma_start3A_344 : memref<10240x8xf32, #tpu.memory_space<vmem_shared>>) offsets(%dma_start3A_341 : memref<80xi32, #tpu.memory_space<vmem>>) semaphore(%run_scoped3A_338 : memref<!tpu.dma_semaphore, #tpu.memory_space<semaphore_mem>>) {add = true}
        %dma_wait3A_345 = arith.constant 0 : i32
        %dma_wait3A_346 = tpu.memref_slice %arg9[%add3A_243, %dma_wait3A_345] : memref<125x80xi32, #tpu.memory_space<vmem>> -> memref<1x80xi32, #tpu.memory_space<vmem>>
        %dma_wait3A_347 = tpu.memref_squeeze %dma_wait3A_346 : memref<1x80xi32, #tpu.memory_space<vmem>> -> memref<80xi32, #tpu.memory_space<vmem>>
        %dma_wait3A_348 = arith.constant 0 : i32
        %dma_wait3A_349 = arith.constant 0 : i32
        %dma_wait3A_350 = tpu.memref_slice %arg13[%dma_wait3A_348, %dma_wait3A_349] : memref<10240x8xf32, #tpu.memory_space<vmem_shared>> -> memref<10240x8xf32, #tpu.memory_space<vmem_shared>>
        tpu.wait_indirect_dma semaphore(%run_scoped3A_338 : memref<!tpu.dma_semaphore, #tpu.memory_space<semaphore_mem>>) src(%arg11 : memref<80x8xf32, #tpu.memory_space<vmem>>) dst(%dma_wait3A_350 : memref<10240x8xf32, #tpu.memory_space<vmem_shared>>)
        tpu.yield
      }) : () -> ()
      %add3A_245 = arith.constant 5 : i32
      %add3A_246 = arith.addi %mul3A_151, %add3A_245 : i32
      %add3A_247 = arith.constant 3 : i32
      %add3A_248 = arith.addi %add3A_246, %add3A_247 : i32
      %dma_start3A_249 = arith.constant 2 : i32
      %dma_start3A_250 = arith.constant 0 : i32
      %dma_start3A_251 = arith.constant 0 : i32
      %dma_start3A_252 = tpu.memref_slice %arg10[%dma_start3A_249, %dma_start3A_250, %dma_start3A_251] : memref<6x80x64xf32, #tpu.memory_space<vmem>> -> memref<1x80x64xf32, #tpu.memory_space<vmem>>
      %dma_start3A_253 = tpu.memref_squeeze %dma_start3A_252 : memref<1x80x64xf32, #tpu.memory_space<vmem>> -> memref<80x64xf32, #tpu.memory_space<vmem>>
      %dma_start3A_254 = arith.constant 0 : i32
      %dma_start3A_255 = tpu.memref_slice %arg8[%add3A_248, %dma_start3A_254] : memref<125x80xi32, #tpu.memory_space<vmem>> -> memref<1x80xi32, #tpu.memory_space<vmem>>
      %dma_start3A_256 = tpu.memref_squeeze %dma_start3A_255 : memref<1x80xi32, #tpu.memory_space<vmem>> -> memref<80xi32, #tpu.memory_space<vmem>>
      %dma_start3A_257 = arith.constant 0 : i32
      %dma_start3A_258 = arith.constant 0 : i32
      %dma_start3A_259 = tpu.memref_slice %arg2[%dma_start3A_257, %dma_start3A_258] : memref<10000x64xf32, #tpu.memory_space<hbm>> -> memref<10000x64xf32, #tpu.memory_space<hbm>>
      tpu.enqueue_indirect_dma source(%dma_start3A_259 : memref<10000x64xf32, #tpu.memory_space<hbm>>) target(%dma_start3A_253 : memref<80x64xf32, #tpu.memory_space<vmem>>) offsets(%dma_start3A_256 : memref<80xi32, #tpu.memory_space<vmem>>) semaphore(%arg16 : memref<!tpu.dma_semaphore, #tpu.memory_space<semaphore_mem>>)
      %add3A_260 = arith.constant 3 : i32
      %add3A_261 = arith.addi %mul3A_151, %add3A_260 : i32
      %dma_wait3A_262 = arith.constant 3 : i32
      %dma_wait3A_263 = arith.constant 0 : i32
      %dma_wait3A_264 = arith.constant 0 : i32
      %dma_wait3A_265 = tpu.memref_slice %arg10[%dma_wait3A_262, %dma_wait3A_263, %dma_wait3A_264] : memref<6x80x64xf32, #tpu.memory_space<vmem>> -> memref<1x80x64xf32, #tpu.memory_space<vmem>>
      %dma_wait3A_266 = tpu.memref_squeeze %dma_wait3A_265 : memref<1x80x64xf32, #tpu.memory_space<vmem>> -> memref<80x64xf32, #tpu.memory_space<vmem>>
      %dma_wait3A_267 = arith.constant 0 : i32
      %dma_wait3A_268 = tpu.memref_slice %arg8[%add3A_261, %dma_wait3A_267] : memref<125x80xi32, #tpu.memory_space<vmem>> -> memref<1x80xi32, #tpu.memory_space<vmem>>
      %dma_wait3A_269 = tpu.memref_squeeze %dma_wait3A_268 : memref<1x80xi32, #tpu.memory_space<vmem>> -> memref<80xi32, #tpu.memory_space<vmem>>
      %dma_wait3A_270 = arith.constant 0 : i32
      %dma_wait3A_271 = arith.constant 0 : i32
      %dma_wait3A_272 = tpu.memref_slice %arg2[%dma_wait3A_270, %dma_wait3A_271] : memref<10000x64xf32, #tpu.memory_space<hbm>> -> memref<10000x64xf32, #tpu.memory_space<hbm>>
      tpu.wait_indirect_dma semaphore(%arg17 : memref<!tpu.dma_semaphore, #tpu.memory_space<semaphore_mem>>) src(%dma_wait3A_272 : memref<10000x64xf32, #tpu.memory_space<hbm>>) dst(%dma_wait3A_266 : memref<80x64xf32, #tpu.memory_space<vmem>>)
      %add3A_273 = arith.constant 3 : i32
      %add3A_274 = arith.addi %mul3A_151, %add3A_273 : i32
      %run_scoped3A_275 = arith.constant 3 : i32
      "tpu.region"() ({
        %run_scoped3A_338 = tpu.sem_alloc : memref<!tpu.dma_semaphore, #tpu.memory_space<semaphore_mem>>
        %dma_start3A_339 = arith.constant 0 : i32
        %dma_start3A_340 = arith.constant 0 : i32
        %dma_start3A_341 = tpu.memref_slice %arg10[%run_scoped3A_275, %dma_start3A_339, %dma_start3A_340] : memref<6x80x64xf32, #tpu.memory_space<vmem>> -> memref<1x80x64xf32, #tpu.memory_space<vmem>>
        %dma_start3A_342 = tpu.memref_squeeze %dma_start3A_341 : memref<1x80x64xf32, #tpu.memory_space<vmem>> -> memref<80x64xf32, #tpu.memory_space<vmem>>
        %dma_start3A_343 = arith.constant 0 : i32
        %dma_start3A_344 = tpu.memref_slice %arg9[%add3A_274, %dma_start3A_343] : memref<125x80xi32, #tpu.memory_space<vmem>> -> memref<1x80xi32, #tpu.memory_space<vmem>>
        %dma_start3A_345 = tpu.memref_squeeze %dma_start3A_344 : memref<1x80xi32, #tpu.memory_space<vmem>> -> memref<80xi32, #tpu.memory_space<vmem>>
        %dma_start3A_346 = arith.constant 0 : i32
        %dma_start3A_347 = arith.constant 0 : i32
        %dma_start3A_348 = tpu.memref_slice %arg12[%dma_start3A_346, %dma_start3A_347] : memref<10240x64xf32, #tpu.memory_space<vmem_shared>> -> memref<10240x64xf32, #tpu.memory_space<vmem_shared>>
        tpu.enqueue_indirect_dma source(%dma_start3A_342 : memref<80x64xf32, #tpu.memory_space<vmem>>) target(%dma_start3A_348 : memref<10240x64xf32, #tpu.memory_space<vmem_shared>>) offsets(%dma_start3A_345 : memref<80xi32, #tpu.memory_space<vmem>>) semaphore(%run_scoped3A_338 : memref<!tpu.dma_semaphore, #tpu.memory_space<semaphore_mem>>) {add = true}
        %dma_wait3A_349 = arith.constant 0 : i32
        %dma_wait3A_350 = arith.constant 0 : i32
        %dma_wait3A_351 = tpu.memref_slice %arg10[%run_scoped3A_275, %dma_wait3A_349, %dma_wait3A_350] : memref<6x80x64xf32, #tpu.memory_space<vmem>> -> memref<1x80x64xf32, #tpu.memory_space<vmem>>
        %dma_wait3A_352 = tpu.memref_squeeze %dma_wait3A_351 : memref<1x80x64xf32, #tpu.memory_space<vmem>> -> memref<80x64xf32, #tpu.memory_space<vmem>>
        %dma_wait3A_353 = arith.constant 0 : i32
        %dma_wait3A_354 = tpu.memref_slice %arg9[%add3A_274, %dma_wait3A_353] : memref<125x80xi32, #tpu.memory_space<vmem>> -> memref<1x80xi32, #tpu.memory_space<vmem>>
        %dma_wait3A_355 = tpu.memref_squeeze %dma_wait3A_354 : memref<1x80xi32, #tpu.memory_space<vmem>> -> memref<80xi32, #tpu.memory_space<vmem>>
        %dma_wait3A_356 = arith.constant 0 : i32
        %dma_wait3A_357 = arith.constant 0 : i32
        %dma_wait3A_358 = tpu.memref_slice %arg12[%dma_wait3A_356, %dma_wait3A_357] : memref<10240x64xf32, #tpu.memory_space<vmem_shared>> -> memref<10240x64xf32, #tpu.memory_space<vmem_shared>>
        tpu.wait_indirect_dma semaphore(%run_scoped3A_338 : memref<!tpu.dma_semaphore, #tpu.memory_space<semaphore_mem>>) src(%dma_wait3A_352 : memref<80x64xf32, #tpu.memory_space<vmem>>) dst(%dma_wait3A_358 : memref<10240x64xf32, #tpu.memory_space<vmem_shared>>)
        tpu.yield
      }) : () -> ()
      "tpu.region"() ({
        %run_scoped3A_338 = tpu.sem_alloc : memref<!tpu.dma_semaphore, #tpu.memory_space<semaphore_mem>>
        %dma_start3A_339 = arith.constant 0 : i32
        %dma_start3A_340 = tpu.memref_slice %arg9[%add3A_274, %dma_start3A_339] : memref<125x80xi32, #tpu.memory_space<vmem>> -> memref<1x80xi32, #tpu.memory_space<vmem>>
        %dma_start3A_341 = tpu.memref_squeeze %dma_start3A_340 : memref<1x80xi32, #tpu.memory_space<vmem>> -> memref<80xi32, #tpu.memory_space<vmem>>
        %dma_start3A_342 = arith.constant 0 : i32
        %dma_start3A_343 = arith.constant 0 : i32
        %dma_start3A_344 = tpu.memref_slice %arg13[%dma_start3A_342, %dma_start3A_343] : memref<10240x8xf32, #tpu.memory_space<vmem_shared>> -> memref<10240x8xf32, #tpu.memory_space<vmem_shared>>
        tpu.enqueue_indirect_dma source(%arg11 : memref<80x8xf32, #tpu.memory_space<vmem>>) target(%dma_start3A_344 : memref<10240x8xf32, #tpu.memory_space<vmem_shared>>) offsets(%dma_start3A_341 : memref<80xi32, #tpu.memory_space<vmem>>) semaphore(%run_scoped3A_338 : memref<!tpu.dma_semaphore, #tpu.memory_space<semaphore_mem>>) {add = true}
        %dma_wait3A_345 = arith.constant 0 : i32
        %dma_wait3A_346 = tpu.memref_slice %arg9[%add3A_274, %dma_wait3A_345] : memref<125x80xi32, #tpu.memory_space<vmem>> -> memref<1x80xi32, #tpu.memory_space<vmem>>
        %dma_wait3A_347 = tpu.memref_squeeze %dma_wait3A_346 : memref<1x80xi32, #tpu.memory_space<vmem>> -> memref<80xi32, #tpu.memory_space<vmem>>
        %dma_wait3A_348 = arith.constant 0 : i32
        %dma_wait3A_349 = arith.constant 0 : i32
        %dma_wait3A_350 = tpu.memref_slice %arg13[%dma_wait3A_348, %dma_wait3A_349] : memref<10240x8xf32, #tpu.memory_space<vmem_shared>> -> memref<10240x8xf32, #tpu.memory_space<vmem_shared>>
        tpu.wait_indirect_dma semaphore(%run_scoped3A_338 : memref<!tpu.dma_semaphore, #tpu.memory_space<semaphore_mem>>) src(%arg11 : memref<80x8xf32, #tpu.memory_space<vmem>>) dst(%dma_wait3A_350 : memref<10240x8xf32, #tpu.memory_space<vmem_shared>>)
        tpu.yield
      }) : () -> ()
      %add3A_276 = arith.constant 5 : i32
      %add3A_277 = arith.addi %mul3A_151, %add3A_276 : i32
      %add3A_278 = arith.constant 4 : i32
      %add3A_279 = arith.addi %add3A_277, %add3A_278 : i32
      %dma_start3A_280 = arith.constant 3 : i32
      %dma_start3A_281 = arith.constant 0 : i32
      %dma_start3A_282 = arith.constant 0 : i32
      %dma_start3A_283 = tpu.memref_slice %arg10[%dma_start3A_280, %dma_start3A_281, %dma_start3A_282] : memref<6x80x64xf32, #tpu.memory_space<vmem>> -> memref<1x80x64xf32, #tpu.memory_space<vmem>>
      %dma_start3A_284 = tpu.memref_squeeze %dma_start3A_283 : memref<1x80x64xf32, #tpu.memory_space<vmem>> -> memref<80x64xf32, #tpu.memory_space<vmem>>
      %dma_start3A_285 = arith.constant 0 : i32
      %dma_start3A_286 = tpu.memref_slice %arg8[%add3A_279, %dma_start3A_285] : memref<125x80xi32, #tpu.memory_space<vmem>> -> memref<1x80xi32, #tpu.memory_space<vmem>>
      %dma_start3A_287 = tpu.memref_squeeze %dma_start3A_286 : memref<1x80xi32, #tpu.memory_space<vmem>> -> memref<80xi32, #tpu.memory_space<vmem>>
      %dma_start3A_288 = arith.constant 0 : i32
      %dma_start3A_289 = arith.constant 0 : i32
      %dma_start3A_290 = tpu.memref_slice %arg2[%dma_start3A_288, %dma_start3A_289] : memref<10000x64xf32, #tpu.memory_space<hbm>> -> memref<10000x64xf32, #tpu.memory_space<hbm>>
      tpu.enqueue_indirect_dma source(%dma_start3A_290 : memref<10000x64xf32, #tpu.memory_space<hbm>>) target(%dma_start3A_284 : memref<80x64xf32, #tpu.memory_space<vmem>>) offsets(%dma_start3A_287 : memref<80xi32, #tpu.memory_space<vmem>>) semaphore(%arg17 : memref<!tpu.dma_semaphore, #tpu.memory_space<semaphore_mem>>)
      %add3A_291 = arith.constant 4 : i32
      %add3A_292 = arith.addi %mul3A_151, %add3A_291 : i32
      %dma_wait3A_293 = arith.constant 4 : i32
      %dma_wait3A_294 = arith.constant 0 : i32
      %dma_wait3A_295 = arith.constant 0 : i32
      %dma_wait3A_296 = tpu.memref_slice %arg10[%dma_wait3A_293, %dma_wait3A_294, %dma_wait3A_295] : memref<6x80x64xf32, #tpu.memory_space<vmem>> -> memref<1x80x64xf32, #tpu.memory_space<vmem>>
      %dma_wait3A_297 = tpu.memref_squeeze %dma_wait3A_296 : memref<1x80x64xf32, #tpu.memory_space<vmem>> -> memref<80x64xf32, #tpu.memory_space<vmem>>
      %dma_wait3A_298 = arith.constant 0 : i32
      %dma_wait3A_299 = tpu.memref_slice %arg8[%add3A_292, %dma_wait3A_298] : memref<125x80xi32, #tpu.memory_space<vmem>> -> memref<1x80xi32, #tpu.memory_space<vmem>>
      %dma_wait3A_300 = tpu.memref_squeeze %dma_wait3A_299 : memref<1x80xi32, #tpu.memory_space<vmem>> -> memref<80xi32, #tpu.memory_space<vmem>>
      %dma_wait3A_301 = arith.constant 0 : i32
      %dma_wait3A_302 = arith.constant 0 : i32
      %dma_wait3A_303 = tpu.memref_slice %arg2[%dma_wait3A_301, %dma_wait3A_302] : memref<10000x64xf32, #tpu.memory_space<hbm>> -> memref<10000x64xf32, #tpu.memory_space<hbm>>
      tpu.wait_indirect_dma semaphore(%arg18 : memref<!tpu.dma_semaphore, #tpu.memory_space<semaphore_mem>>) src(%dma_wait3A_303 : memref<10000x64xf32, #tpu.memory_space<hbm>>) dst(%dma_wait3A_297 : memref<80x64xf32, #tpu.memory_space<vmem>>)
      %add3A_304 = arith.constant 4 : i32
      %add3A_305 = arith.addi %mul3A_151, %add3A_304 : i32
      %run_scoped3A_306 = arith.constant 4 : i32
      "tpu.region"() ({
        %run_scoped3A_338 = tpu.sem_alloc : memref<!tpu.dma_semaphore, #tpu.memory_space<semaphore_mem>>
        %dma_start3A_339 = arith.constant 0 : i32
        %dma_start3A_340 = arith.constant 0 : i32
        %dma_start3A_341 = tpu.memref_slice %arg10[%run_scoped3A_306, %dma_start3A_339, %dma_start3A_340] : memref<6x80x64xf32, #tpu.memory_space<vmem>> -> memref<1x80x64xf32, #tpu.memory_space<vmem>>
        %dma_start3A_342 = tpu.memref_squeeze %dma_start3A_341 : memref<1x80x64xf32, #tpu.memory_space<vmem>> -> memref<80x64xf32, #tpu.memory_space<vmem>>
        %dma_start3A_343 = arith.constant 0 : i32
        %dma_start3A_344 = tpu.memref_slice %arg9[%add3A_305, %dma_start3A_343] : memref<125x80xi32, #tpu.memory_space<vmem>> -> memref<1x80xi32, #tpu.memory_space<vmem>>
        %dma_start3A_345 = tpu.memref_squeeze %dma_start3A_344 : memref<1x80xi32, #tpu.memory_space<vmem>> -> memref<80xi32, #tpu.memory_space<vmem>>
        %dma_start3A_346 = arith.constant 0 : i32
        %dma_start3A_347 = arith.constant 0 : i32
        %dma_start3A_348 = tpu.memref_slice %arg12[%dma_start3A_346, %dma_start3A_347] : memref<10240x64xf32, #tpu.memory_space<vmem_shared>> -> memref<10240x64xf32, #tpu.memory_space<vmem_shared>>
        tpu.enqueue_indirect_dma source(%dma_start3A_342 : memref<80x64xf32, #tpu.memory_space<vmem>>) target(%dma_start3A_348 : memref<10240x64xf32, #tpu.memory_space<vmem_shared>>) offsets(%dma_start3A_345 : memref<80xi32, #tpu.memory_space<vmem>>) semaphore(%run_scoped3A_338 : memref<!tpu.dma_semaphore, #tpu.memory_space<semaphore_mem>>) {add = true}
        %dma_wait3A_349 = arith.constant 0 : i32
        %dma_wait3A_350 = arith.constant 0 : i32
        %dma_wait3A_351 = tpu.memref_slice %arg10[%run_scoped3A_306, %dma_wait3A_349, %dma_wait3A_350] : memref<6x80x64xf32, #tpu.memory_space<vmem>> -> memref<1x80x64xf32, #tpu.memory_space<vmem>>
        %dma_wait3A_352 = tpu.memref_squeeze %dma_wait3A_351 : memref<1x80x64xf32, #tpu.memory_space<vmem>> -> memref<80x64xf32, #tpu.memory_space<vmem>>
        %dma_wait3A_353 = arith.constant 0 : i32
        %dma_wait3A_354 = tpu.memref_slice %arg9[%add3A_305, %dma_wait3A_353] : memref<125x80xi32, #tpu.memory_space<vmem>> -> memref<1x80xi32, #tpu.memory_space<vmem>>
        %dma_wait3A_355 = tpu.memref_squeeze %dma_wait3A_354 : memref<1x80xi32, #tpu.memory_space<vmem>> -> memref<80xi32, #tpu.memory_space<vmem>>
        %dma_wait3A_356 = arith.constant 0 : i32
        %dma_wait3A_357 = arith.constant 0 : i32
        %dma_wait3A_358 = tpu.memref_slice %arg12[%dma_wait3A_356, %dma_wait3A_357] : memref<10240x64xf32, #tpu.memory_space<vmem_shared>> -> memref<10240x64xf32, #tpu.memory_space<vmem_shared>>
        tpu.wait_indirect_dma semaphore(%run_scoped3A_338 : memref<!tpu.dma_semaphore, #tpu.memory_space<semaphore_mem>>) src(%dma_wait3A_352 : memref<80x64xf32, #tpu.memory_space<vmem>>) dst(%dma_wait3A_358 : memref<10240x64xf32, #tpu.memory_space<vmem_shared>>)
        tpu.yield
      }) : () -> ()
      "tpu.region"() ({
        %run_scoped3A_338 = tpu.sem_alloc : memref<!tpu.dma_semaphore, #tpu.memory_space<semaphore_mem>>
        %dma_start3A_339 = arith.constant 0 : i32
        %dma_start3A_340 = tpu.memref_slice %arg9[%add3A_305, %dma_start3A_339] : memref<125x80xi32, #tpu.memory_space<vmem>> -> memref<1x80xi32, #tpu.memory_space<vmem>>
        %dma_start3A_341 = tpu.memref_squeeze %dma_start3A_340 : memref<1x80xi32, #tpu.memory_space<vmem>> -> memref<80xi32, #tpu.memory_space<vmem>>
        %dma_start3A_342 = arith.constant 0 : i32
        %dma_start3A_343 = arith.constant 0 : i32
        %dma_start3A_344 = tpu.memref_slice %arg13[%dma_start3A_342, %dma_start3A_343] : memref<10240x8xf32, #tpu.memory_space<vmem_shared>> -> memref<10240x8xf32, #tpu.memory_space<vmem_shared>>
        tpu.enqueue_indirect_dma source(%arg11 : memref<80x8xf32, #tpu.memory_space<vmem>>) target(%dma_start3A_344 : memref<10240x8xf32, #tpu.memory_space<vmem_shared>>) offsets(%dma_start3A_341 : memref<80xi32, #tpu.memory_space<vmem>>) semaphore(%run_scoped3A_338 : memref<!tpu.dma_semaphore, #tpu.memory_space<semaphore_mem>>) {add = true}
        %dma_wait3A_345 = arith.constant 0 : i32
        %dma_wait3A_346 = tpu.memref_slice %arg9[%add3A_305, %dma_wait3A_345] : memref<125x80xi32, #tpu.memory_space<vmem>> -> memref<1x80xi32, #tpu.memory_space<vmem>>
        %dma_wait3A_347 = tpu.memref_squeeze %dma_wait3A_346 : memref<1x80xi32, #tpu.memory_space<vmem>> -> memref<80xi32, #tpu.memory_space<vmem>>
        %dma_wait3A_348 = arith.constant 0 : i32
        %dma_wait3A_349 = arith.constant 0 : i32
        %dma_wait3A_350 = tpu.memref_slice %arg13[%dma_wait3A_348, %dma_wait3A_349] : memref<10240x8xf32, #tpu.memory_space<vmem_shared>> -> memref<10240x8xf32, #tpu.memory_space<vmem_shared>>
        tpu.wait_indirect_dma semaphore(%run_scoped3A_338 : memref<!tpu.dma_semaphore, #tpu.memory_space<semaphore_mem>>) src(%arg11 : memref<80x8xf32, #tpu.memory_space<vmem>>) dst(%dma_wait3A_350 : memref<10240x8xf32, #tpu.memory_space<vmem_shared>>)
        tpu.yield
      }) : () -> ()
      %add3A_307 = arith.constant 5 : i32
      %add3A_308 = arith.addi %mul3A_151, %add3A_307 : i32
      %add3A_309 = arith.constant 5 : i32
      %add3A_310 = arith.addi %add3A_308, %add3A_309 : i32
      %dma_start3A_311 = arith.constant 4 : i32
      %dma_start3A_312 = arith.constant 0 : i32
      %dma_start3A_313 = arith.constant 0 : i32
      %dma_start3A_314 = tpu.memref_slice %arg10[%dma_start3A_311, %dma_start3A_312, %dma_start3A_313] : memref<6x80x64xf32, #tpu.memory_space<vmem>> -> memref<1x80x64xf32, #tpu.memory_space<vmem>>
      %dma_start3A_315 = tpu.memref_squeeze %dma_start3A_314 : memref<1x80x64xf32, #tpu.memory_space<vmem>> -> memref<80x64xf32, #tpu.memory_space<vmem>>
      %dma_start3A_316 = arith.constant 0 : i32
      %dma_start3A_317 = tpu.memref_slice %arg8[%add3A_310, %dma_start3A_316] : memref<125x80xi32, #tpu.memory_space<vmem>> -> memref<1x80xi32, #tpu.memory_space<vmem>>
      %dma_start3A_318 = tpu.memref_squeeze %dma_start3A_317 : memref<1x80xi32, #tpu.memory_space<vmem>> -> memref<80xi32, #tpu.memory_space<vmem>>
      %dma_start3A_319 = arith.constant 0 : i32
      %dma_start3A_320 = arith.constant 0 : i32
      %dma_start3A_321 = tpu.memref_slice %arg2[%dma_start3A_319, %dma_start3A_320] : memref<10000x64xf32, #tpu.memory_space<hbm>> -> memref<10000x64xf32, #tpu.memory_space<hbm>>
      tpu.enqueue_indirect_dma source(%dma_start3A_321 : memref<10000x64xf32, #tpu.memory_space<hbm>>) target(%dma_start3A_315 : memref<80x64xf32, #tpu.memory_space<vmem>>) offsets(%dma_start3A_318 : memref<80xi32, #tpu.memory_space<vmem>>) semaphore(%arg18 : memref<!tpu.dma_semaphore, #tpu.memory_space<semaphore_mem>>)
      %add3A_322 = arith.constant 5 : i32
      %add3A_323 = arith.addi %mul3A_151, %add3A_322 : i32
      %dma_wait3A_324 = arith.constant 5 : i32
      %dma_wait3A_325 = arith.constant 0 : i32
      %dma_wait3A_326 = arith.constant 0 : i32
      %dma_wait3A_327 = tpu.memref_slice %arg10[%dma_wait3A_324, %dma_wait3A_325, %dma_wait3A_326] : memref<6x80x64xf32, #tpu.memory_space<vmem>> -> memref<1x80x64xf32, #tpu.memory_space<vmem>>
      %dma_wait3A_328 = tpu.memref_squeeze %dma_wait3A_327 : memref<1x80x64xf32, #tpu.memory_space<vmem>> -> memref<80x64xf32, #tpu.memory_space<vmem>>
      %dma_wait3A_329 = arith.constant 0 : i32
      %dma_wait3A_330 = tpu.memref_slice %arg8[%add3A_323, %dma_wait3A_329] : memref<125x80xi32, #tpu.memory_space<vmem>> -> memref<1x80xi32, #tpu.memory_space<vmem>>
      %dma_wait3A_331 = tpu.memref_squeeze %dma_wait3A_330 : memref<1x80xi32, #tpu.memory_space<vmem>> -> memref<80xi32, #tpu.memory_space<vmem>>
      %dma_wait3A_332 = arith.constant 0 : i32
      %dma_wait3A_333 = arith.constant 0 : i32
      %dma_wait3A_334 = tpu.memref_slice %arg2[%dma_wait3A_332, %dma_wait3A_333] : memref<10000x64xf32, #tpu.memory_space<hbm>> -> memref<10000x64xf32, #tpu.memory_space<hbm>>
      tpu.wait_indirect_dma semaphore(%arg19 : memref<!tpu.dma_semaphore, #tpu.memory_space<semaphore_mem>>) src(%dma_wait3A_334 : memref<10000x64xf32, #tpu.memory_space<hbm>>) dst(%dma_wait3A_328 : memref<80x64xf32, #tpu.memory_space<vmem>>)
      %add3A_335 = arith.constant 5 : i32
      %add3A_336 = arith.addi %mul3A_151, %add3A_335 : i32
      %run_scoped3A_337 = arith.constant 5 : i32
      "tpu.region"() ({
        %run_scoped3A_338 = tpu.sem_alloc : memref<!tpu.dma_semaphore, #tpu.memory_space<semaphore_mem>>
        %dma_start3A_339 = arith.constant 0 : i32
        %dma_start3A_340 = arith.constant 0 : i32
        %dma_start3A_341 = tpu.memref_slice %arg10[%run_scoped3A_337, %dma_start3A_339, %dma_start3A_340] : memref<6x80x64xf32, #tpu.memory_space<vmem>> -> memref<1x80x64xf32, #tpu.memory_space<vmem>>
        %dma_start3A_342 = tpu.memref_squeeze %dma_start3A_341 : memref<1x80x64xf32, #tpu.memory_space<vmem>> -> memref<80x64xf32, #tpu.memory_space<vmem>>
        %dma_start3A_343 = arith.constant 0 : i32
        %dma_start3A_344 = tpu.memref_slice %arg9[%add3A_336, %dma_start3A_343] : memref<125x80xi32, #tpu.memory_space<vmem>> -> memref<1x80xi32, #tpu.memory_space<vmem>>
        %dma_start3A_345 = tpu.memref_squeeze %dma_start3A_344 : memref<1x80xi32, #tpu.memory_space<vmem>> -> memref<80xi32, #tpu.memory_space<vmem>>
        %dma_start3A_346 = arith.constant 0 : i32
        %dma_start3A_347 = arith.constant 0 : i32
        %dma_start3A_348 = tpu.memref_slice %arg12[%dma_start3A_346, %dma_start3A_347] : memref<10240x64xf32, #tpu.memory_space<vmem_shared>> -> memref<10240x64xf32, #tpu.memory_space<vmem_shared>>
        tpu.enqueue_indirect_dma source(%dma_start3A_342 : memref<80x64xf32, #tpu.memory_space<vmem>>) target(%dma_start3A_348 : memref<10240x64xf32, #tpu.memory_space<vmem_shared>>) offsets(%dma_start3A_345 : memref<80xi32, #tpu.memory_space<vmem>>) semaphore(%run_scoped3A_338 : memref<!tpu.dma_semaphore, #tpu.memory_space<semaphore_mem>>) {add = true}
        %dma_wait3A_349 = arith.constant 0 : i32
        %dma_wait3A_350 = arith.constant 0 : i32
        %dma_wait3A_351 = tpu.memref_slice %arg10[%run_scoped3A_337, %dma_wait3A_349, %dma_wait3A_350] : memref<6x80x64xf32, #tpu.memory_space<vmem>> -> memref<1x80x64xf32, #tpu.memory_space<vmem>>
        %dma_wait3A_352 = tpu.memref_squeeze %dma_wait3A_351 : memref<1x80x64xf32, #tpu.memory_space<vmem>> -> memref<80x64xf32, #tpu.memory_space<vmem>>
        %dma_wait3A_353 = arith.constant 0 : i32
        %dma_wait3A_354 = tpu.memref_slice %arg9[%add3A_336, %dma_wait3A_353] : memref<125x80xi32, #tpu.memory_space<vmem>> -> memref<1x80xi32, #tpu.memory_space<vmem>>
        %dma_wait3A_355 = tpu.memref_squeeze %dma_wait3A_354 : memref<1x80xi32, #tpu.memory_space<vmem>> -> memref<80xi32, #tpu.memory_space<vmem>>
        %dma_wait3A_356 = arith.constant 0 : i32
        %dma_wait3A_357 = arith.constant 0 : i32
        %dma_wait3A_358 = tpu.memref_slice %arg12[%dma_wait3A_356, %dma_wait3A_357] : memref<10240x64xf32, #tpu.memory_space<vmem_shared>> -> memref<10240x64xf32, #tpu.memory_space<vmem_shared>>
        tpu.wait_indirect_dma semaphore(%run_scoped3A_338 : memref<!tpu.dma_semaphore, #tpu.memory_space<semaphore_mem>>) src(%dma_wait3A_352 : memref<80x64xf32, #tpu.memory_space<vmem>>) dst(%dma_wait3A_358 : memref<10240x64xf32, #tpu.memory_space<vmem_shared>>)
        tpu.yield
      }) : () -> ()
      "tpu.region"() ({
        %run_scoped3A_338 = tpu.sem_alloc : memref<!tpu.dma_semaphore, #tpu.memory_space<semaphore_mem>>
        %dma_start3A_339 = arith.constant 0 : i32
        %dma_start3A_340 = tpu.memref_slice %arg9[%add3A_336, %dma_start3A_339] : memref<125x80xi32, #tpu.memory_space<vmem>> -> memref<1x80xi32, #tpu.memory_space<vmem>>
        %dma_start3A_341 = tpu.memref_squeeze %dma_start3A_340 : memref<1x80xi32, #tpu.memory_space<vmem>> -> memref<80xi32, #tpu.memory_space<vmem>>
        %dma_start3A_342 = arith.constant 0 : i32
        %dma_start3A_343 = arith.constant 0 : i32
        %dma_start3A_344 = tpu.memref_slice %arg13[%dma_start3A_342, %dma_start3A_343] : memref<10240x8xf32, #tpu.memory_space<vmem_shared>> -> memref<10240x8xf32, #tpu.memory_space<vmem_shared>>
        tpu.enqueue_indirect_dma source(%arg11 : memref<80x8xf32, #tpu.memory_space<vmem>>) target(%dma_start3A_344 : memref<10240x8xf32, #tpu.memory_space<vmem_shared>>) offsets(%dma_start3A_341 : memref<80xi32, #tpu.memory_space<vmem>>) semaphore(%run_scoped3A_338 : memref<!tpu.dma_semaphore, #tpu.memory_space<semaphore_mem>>) {add = true}
        %dma_wait3A_345 = arith.constant 0 : i32
        %dma_wait3A_346 = tpu.memref_slice %arg9[%add3A_336, %dma_wait3A_345] : memref<125x80xi32, #tpu.memory_space<vmem>> -> memref<1x80xi32, #tpu.memory_space<vmem>>
        %dma_wait3A_347 = tpu.memref_squeeze %dma_wait3A_346 : memref<1x80xi32, #tpu.memory_space<vmem>> -> memref<80xi32, #tpu.memory_space<vmem>>
        %dma_wait3A_348 = arith.constant 0 : i32
        %dma_wait3A_349 = arith.constant 0 : i32
        %dma_wait3A_350 = tpu.memref_slice %arg13[%dma_wait3A_348, %dma_wait3A_349] : memref<10240x8xf32, #tpu.memory_space<vmem_shared>> -> memref<10240x8xf32, #tpu.memory_space<vmem_shared>>
        tpu.wait_indirect_dma semaphore(%run_scoped3A_338 : memref<!tpu.dma_semaphore, #tpu.memory_space<semaphore_mem>>) src(%arg11 : memref<80x8xf32, #tpu.memory_space<vmem>>) dst(%dma_wait3A_350 : memref<10240x8xf32, #tpu.memory_space<vmem_shared>>)
        tpu.yield
      }) : () -> ()
    }
    %scan3A_67 = arith.constant 20 : i32
    %dma_wait3A = arith.constant 120 : i32
    %dma_wait3A_68 = arith.constant 0 : i32
    %dma_wait3A_69 = arith.constant 0 : i32
    %dma_wait3A_70 = arith.constant 0 : i32
    %dma_wait3A_71 = tpu.memref_slice %arg10[%dma_wait3A_68, %dma_wait3A_69, %dma_wait3A_70] : memref<6x80x64xf32, #tpu.memory_space<vmem>> -> memref<1x80x64xf32, #tpu.memory_space<vmem>>
    %dma_wait3A_72 = tpu.memref_squeeze %dma_wait3A_71 : memref<1x80x64xf32, #tpu.memory_space<vmem>> -> memref<80x64xf32, #tpu.memory_space<vmem>>
    %dma_wait3A_73 = arith.constant 0 : i32
    %dma_wait3A_74 = tpu.memref_slice %arg8[%dma_wait3A, %dma_wait3A_73] : memref<125x80xi32, #tpu.memory_space<vmem>> -> memref<1x80xi32, #tpu.memory_space<vmem>>
    %dma_wait3A_75 = tpu.memref_squeeze %dma_wait3A_74 : memref<1x80xi32, #tpu.memory_space<vmem>> -> memref<80xi32, #tpu.memory_space<vmem>>
    %dma_wait3A_76 = arith.constant 0 : i32
    %dma_wait3A_77 = arith.constant 0 : i32
    %dma_wait3A_78 = tpu.memref_slice %arg2[%dma_wait3A_76, %dma_wait3A_77] : memref<10000x64xf32, #tpu.memory_space<hbm>> -> memref<10000x64xf32, #tpu.memory_space<hbm>>
    tpu.wait_indirect_dma semaphore(%arg14 : memref<!tpu.dma_semaphore, #tpu.memory_space<semaphore_mem>>) src(%dma_wait3A_78 : memref<10000x64xf32, #tpu.memory_space<hbm>>) dst(%dma_wait3A_72 : memref<80x64xf32, #tpu.memory_space<vmem>>)
    %run_scoped3A_79 = arith.constant 0 : i32
    %run_scoped3A_80 = arith.constant 120 : i32
    "tpu.region"() ({
      %run_scoped3A_149 = tpu.sem_alloc : memref<!tpu.dma_semaphore, #tpu.memory_space<semaphore_mem>>
      %dma_start3A_150 = arith.constant 0 : i32
      %dma_start3A_151 = arith.constant 0 : i32
      %dma_start3A_152 = tpu.memref_slice %arg10[%run_scoped3A_79, %dma_start3A_150, %dma_start3A_151] : memref<6x80x64xf32, #tpu.memory_space<vmem>> -> memref<1x80x64xf32, #tpu.memory_space<vmem>>
      %dma_start3A_153 = tpu.memref_squeeze %dma_start3A_152 : memref<1x80x64xf32, #tpu.memory_space<vmem>> -> memref<80x64xf32, #tpu.memory_space<vmem>>
      %dma_start3A_154 = arith.constant 0 : i32
      %dma_start3A_155 = tpu.memref_slice %arg9[%run_scoped3A_80, %dma_start3A_154] : memref<125x80xi32, #tpu.memory_space<vmem>> -> memref<1x80xi32, #tpu.memory_space<vmem>>
      %dma_start3A_156 = tpu.memref_squeeze %dma_start3A_155 : memref<1x80xi32, #tpu.memory_space<vmem>> -> memref<80xi32, #tpu.memory_space<vmem>>
      %dma_start3A_157 = arith.constant 0 : i32
      %dma_start3A_158 = arith.constant 0 : i32
      %dma_start3A_159 = tpu.memref_slice %arg12[%dma_start3A_157, %dma_start3A_158] : memref<10240x64xf32, #tpu.memory_space<vmem_shared>> -> memref<10240x64xf32, #tpu.memory_space<vmem_shared>>
      tpu.enqueue_indirect_dma source(%dma_start3A_153 : memref<80x64xf32, #tpu.memory_space<vmem>>) target(%dma_start3A_159 : memref<10240x64xf32, #tpu.memory_space<vmem_shared>>) offsets(%dma_start3A_156 : memref<80xi32, #tpu.memory_space<vmem>>) semaphore(%run_scoped3A_149 : memref<!tpu.dma_semaphore, #tpu.memory_space<semaphore_mem>>) {add = true}
      %dma_wait3A_160 = arith.constant 0 : i32
      %dma_wait3A_161 = arith.constant 0 : i32
      %dma_wait3A_162 = tpu.memref_slice %arg10[%run_scoped3A_79, %dma_wait3A_160, %dma_wait3A_161] : memref<6x80x64xf32, #tpu.memory_space<vmem>> -> memref<1x80x64xf32, #tpu.memory_space<vmem>>
      %dma_wait3A_163 = tpu.memref_squeeze %dma_wait3A_162 : memref<1x80x64xf32, #tpu.memory_space<vmem>> -> memref<80x64xf32, #tpu.memory_space<vmem>>
      %dma_wait3A_164 = arith.constant 0 : i32
      %dma_wait3A_165 = tpu.memref_slice %arg9[%run_scoped3A_80, %dma_wait3A_164] : memref<125x80xi32, #tpu.memory_space<vmem>> -> memref<1x80xi32, #tpu.memory_space<vmem>>
      %dma_wait3A_166 = tpu.memref_squeeze %dma_wait3A_165 : memref<1x80xi32, #tpu.memory_space<vmem>> -> memref<80xi32, #tpu.memory_space<vmem>>
      %dma_wait3A_167 = arith.constant 0 : i32
      %dma_wait3A_168 = arith.constant 0 : i32
      %dma_wait3A_169 = tpu.memref_slice %arg12[%dma_wait3A_167, %dma_wait3A_168] : memref<10240x64xf32, #tpu.memory_space<vmem_shared>> -> memref<10240x64xf32, #tpu.memory_space<vmem_shared>>
      tpu.wait_indirect_dma semaphore(%run_scoped3A_149 : memref<!tpu.dma_semaphore, #tpu.memory_space<semaphore_mem>>) src(%dma_wait3A_163 : memref<80x64xf32, #tpu.memory_space<vmem>>) dst(%dma_wait3A_169 : memref<10240x64xf32, #tpu.memory_space<vmem_shared>>)
      tpu.yield
    }) : () -> ()
    %run_scoped3A_81 = arith.constant 120 : i32
    "tpu.region"() ({
      %run_scoped3A_149 = tpu.sem_alloc : memref<!tpu.dma_semaphore, #tpu.memory_space<semaphore_mem>>
      %dma_start3A_150 = arith.constant 0 : i32
      %dma_start3A_151 = tpu.memref_slice %arg9[%run_scoped3A_81, %dma_start3A_150] : memref<125x80xi32, #tpu.memory_space<vmem>> -> memref<1x80xi32, #tpu.memory_space<vmem>>
      %dma_start3A_152 = tpu.memref_squeeze %dma_start3A_151 : memref<1x80xi32, #tpu.memory_space<vmem>> -> memref<80xi32, #tpu.memory_space<vmem>>
      %dma_start3A_153 = arith.constant 0 : i32
      %dma_start3A_154 = arith.constant 0 : i32
      %dma_start3A_155 = tpu.memref_slice %arg13[%dma_start3A_153, %dma_start3A_154] : memref<10240x8xf32, #tpu.memory_space<vmem_shared>> -> memref<10240x8xf32, #tpu.memory_space<vmem_shared>>
      tpu.enqueue_indirect_dma source(%arg11 : memref<80x8xf32, #tpu.memory_space<vmem>>) target(%dma_start3A_155 : memref<10240x8xf32, #tpu.memory_space<vmem_shared>>) offsets(%dma_start3A_152 : memref<80xi32, #tpu.memory_space<vmem>>) semaphore(%run_scoped3A_149 : memref<!tpu.dma_semaphore, #tpu.memory_space<semaphore_mem>>) {add = true}
      %dma_wait3A_156 = arith.constant 0 : i32
      %dma_wait3A_157 = tpu.memref_slice %arg9[%run_scoped3A_81, %dma_wait3A_156] : memref<125x80xi32, #tpu.memory_space<vmem>> -> memref<1x80xi32, #tpu.memory_space<vmem>>
      %dma_wait3A_158 = tpu.memref_squeeze %dma_wait3A_157 : memref<1x80xi32, #tpu.memory_space<vmem>> -> memref<80xi32, #tpu.memory_space<vmem>>
      %dma_wait3A_159 = arith.constant 0 : i32
      %dma_wait3A_160 = arith.constant 0 : i32
      %dma_wait3A_161 = tpu.memref_slice %arg13[%dma_wait3A_159, %dma_wait3A_160] : memref<10240x8xf32, #tpu.memory_space<vmem_shared>> -> memref<10240x8xf32, #tpu.memory_space<vmem_shared>>
      tpu.wait_indirect_dma semaphore(%run_scoped3A_149 : memref<!tpu.dma_semaphore, #tpu.memory_space<semaphore_mem>>) src(%arg11 : memref<80x8xf32, #tpu.memory_space<vmem>>) dst(%dma_wait3A_161 : memref<10240x8xf32, #tpu.memory_space<vmem_shared>>)
      tpu.yield
    }) : () -> ()
    %dma_wait3A_82 = arith.constant 121 : i32
    %dma_wait3A_83 = arith.constant 1 : i32
    %dma_wait3A_84 = arith.constant 0 : i32
    %dma_wait3A_85 = arith.constant 0 : i32
    %dma_wait3A_86 = tpu.memref_slice %arg10[%dma_wait3A_83, %dma_wait3A_84, %dma_wait3A_85] : memref<6x80x64xf32, #tpu.memory_space<vmem>> -> memref<1x80x64xf32, #tpu.memory_space<vmem>>
    %dma_wait3A_87 = tpu.memref_squeeze %dma_wait3A_86 : memref<1x80x64xf32, #tpu.memory_space<vmem>> -> memref<80x64xf32, #tpu.memory_space<vmem>>
    %dma_wait3A_88 = arith.constant 0 : i32
    %dma_wait3A_89 = tpu.memref_slice %arg8[%dma_wait3A_82, %dma_wait3A_88] : memref<125x80xi32, #tpu.memory_space<vmem>> -> memref<1x80xi32, #tpu.memory_space<vmem>>
    %dma_wait3A_90 = tpu.memref_squeeze %dma_wait3A_89 : memref<1x80xi32, #tpu.memory_space<vmem>> -> memref<80xi32, #tpu.memory_space<vmem>>
    %dma_wait3A_91 = arith.constant 0 : i32
    %dma_wait3A_92 = arith.constant 0 : i32
    %dma_wait3A_93 = tpu.memref_slice %arg2[%dma_wait3A_91, %dma_wait3A_92] : memref<10000x64xf32, #tpu.memory_space<hbm>> -> memref<10000x64xf32, #tpu.memory_space<hbm>>
    tpu.wait_indirect_dma semaphore(%arg15 : memref<!tpu.dma_semaphore, #tpu.memory_space<semaphore_mem>>) src(%dma_wait3A_93 : memref<10000x64xf32, #tpu.memory_space<hbm>>) dst(%dma_wait3A_87 : memref<80x64xf32, #tpu.memory_space<vmem>>)
    %run_scoped3A_94 = arith.constant 1 : i32
    %run_scoped3A_95 = arith.constant 121 : i32
    "tpu.region"() ({
      %run_scoped3A_149 = tpu.sem_alloc : memref<!tpu.dma_semaphore, #tpu.memory_space<semaphore_mem>>
      %dma_start3A_150 = arith.constant 0 : i32
      %dma_start3A_151 = arith.constant 0 : i32
      %dma_start3A_152 = tpu.memref_slice %arg10[%run_scoped3A_94, %dma_start3A_150, %dma_start3A_151] : memref<6x80x64xf32, #tpu.memory_space<vmem>> -> memref<1x80x64xf32, #tpu.memory_space<vmem>>
      %dma_start3A_153 = tpu.memref_squeeze %dma_start3A_152 : memref<1x80x64xf32, #tpu.memory_space<vmem>> -> memref<80x64xf32, #tpu.memory_space<vmem>>
      %dma_start3A_154 = arith.constant 0 : i32
      %dma_start3A_155 = tpu.memref_slice %arg9[%run_scoped3A_95, %dma_start3A_154] : memref<125x80xi32, #tpu.memory_space<vmem>> -> memref<1x80xi32, #tpu.memory_space<vmem>>
      %dma_start3A_156 = tpu.memref_squeeze %dma_start3A_155 : memref<1x80xi32, #tpu.memory_space<vmem>> -> memref<80xi32, #tpu.memory_space<vmem>>
      %dma_start3A_157 = arith.constant 0 : i32
      %dma_start3A_158 = arith.constant 0 : i32
      %dma_start3A_159 = tpu.memref_slice %arg12[%dma_start3A_157, %dma_start3A_158] : memref<10240x64xf32, #tpu.memory_space<vmem_shared>> -> memref<10240x64xf32, #tpu.memory_space<vmem_shared>>
      tpu.enqueue_indirect_dma source(%dma_start3A_153 : memref<80x64xf32, #tpu.memory_space<vmem>>) target(%dma_start3A_159 : memref<10240x64xf32, #tpu.memory_space<vmem_shared>>) offsets(%dma_start3A_156 : memref<80xi32, #tpu.memory_space<vmem>>) semaphore(%run_scoped3A_149 : memref<!tpu.dma_semaphore, #tpu.memory_space<semaphore_mem>>) {add = true}
      %dma_wait3A_160 = arith.constant 0 : i32
      %dma_wait3A_161 = arith.constant 0 : i32
      %dma_wait3A_162 = tpu.memref_slice %arg10[%run_scoped3A_94, %dma_wait3A_160, %dma_wait3A_161] : memref<6x80x64xf32, #tpu.memory_space<vmem>> -> memref<1x80x64xf32, #tpu.memory_space<vmem>>
      %dma_wait3A_163 = tpu.memref_squeeze %dma_wait3A_162 : memref<1x80x64xf32, #tpu.memory_space<vmem>> -> memref<80x64xf32, #tpu.memory_space<vmem>>
      %dma_wait3A_164 = arith.constant 0 : i32
      %dma_wait3A_165 = tpu.memref_slice %arg9[%run_scoped3A_95, %dma_wait3A_164] : memref<125x80xi32, #tpu.memory_space<vmem>> -> memref<1x80xi32, #tpu.memory_space<vmem>>
      %dma_wait3A_166 = tpu.memref_squeeze %dma_wait3A_165 : memref<1x80xi32, #tpu.memory_space<vmem>> -> memref<80xi32, #tpu.memory_space<vmem>>
      %dma_wait3A_167 = arith.constant 0 : i32
      %dma_wait3A_168 = arith.constant 0 : i32
      %dma_wait3A_169 = tpu.memref_slice %arg12[%dma_wait3A_167, %dma_wait3A_168] : memref<10240x64xf32, #tpu.memory_space<vmem_shared>> -> memref<10240x64xf32, #tpu.memory_space<vmem_shared>>
      tpu.wait_indirect_dma semaphore(%run_scoped3A_149 : memref<!tpu.dma_semaphore, #tpu.memory_space<semaphore_mem>>) src(%dma_wait3A_163 : memref<80x64xf32, #tpu.memory_space<vmem>>) dst(%dma_wait3A_169 : memref<10240x64xf32, #tpu.memory_space<vmem_shared>>)
      tpu.yield
    }) : () -> ()
    %run_scoped3A_96 = arith.constant 121 : i32
    "tpu.region"() ({
      %run_scoped3A_149 = tpu.sem_alloc : memref<!tpu.dma_semaphore, #tpu.memory_space<semaphore_mem>>
      %dma_start3A_150 = arith.constant 0 : i32
      %dma_start3A_151 = tpu.memref_slice %arg9[%run_scoped3A_96, %dma_start3A_150] : memref<125x80xi32, #tpu.memory_space<vmem>> -> memref<1x80xi32, #tpu.memory_space<vmem>>
      %dma_start3A_152 = tpu.memref_squeeze %dma_start3A_151 : memref<1x80xi32, #tpu.memory_space<vmem>> -> memref<80xi32, #tpu.memory_space<vmem>>
      %dma_start3A_153 = arith.constant 0 : i32
      %dma_start3A_154 = arith.constant 0 : i32
      %dma_start3A_155 = tpu.memref_slice %arg13[%dma_start3A_153, %dma_start3A_154] : memref<10240x8xf32, #tpu.memory_space<vmem_shared>> -> memref<10240x8xf32, #tpu.memory_space<vmem_shared>>
      tpu.enqueue_indirect_dma source(%arg11 : memref<80x8xf32, #tpu.memory_space<vmem>>) target(%dma_start3A_155 : memref<10240x8xf32, #tpu.memory_space<vmem_shared>>) offsets(%dma_start3A_152 : memref<80xi32, #tpu.memory_space<vmem>>) semaphore(%run_scoped3A_149 : memref<!tpu.dma_semaphore, #tpu.memory_space<semaphore_mem>>) {add = true}
      %dma_wait3A_156 = arith.constant 0 : i32
      %dma_wait3A_157 = tpu.memref_slice %arg9[%run_scoped3A_96, %dma_wait3A_156] : memref<125x80xi32, #tpu.memory_space<vmem>> -> memref<1x80xi32, #tpu.memory_space<vmem>>
      %dma_wait3A_158 = tpu.memref_squeeze %dma_wait3A_157 : memref<1x80xi32, #tpu.memory_space<vmem>> -> memref<80xi32, #tpu.memory_space<vmem>>
      %dma_wait3A_159 = arith.constant 0 : i32
      %dma_wait3A_160 = arith.constant 0 : i32
      %dma_wait3A_161 = tpu.memref_slice %arg13[%dma_wait3A_159, %dma_wait3A_160] : memref<10240x8xf32, #tpu.memory_space<vmem_shared>> -> memref<10240x8xf32, #tpu.memory_space<vmem_shared>>
      tpu.wait_indirect_dma semaphore(%run_scoped3A_149 : memref<!tpu.dma_semaphore, #tpu.memory_space<semaphore_mem>>) src(%arg11 : memref<80x8xf32, #tpu.memory_space<vmem>>) dst(%dma_wait3A_161 : memref<10240x8xf32, #tpu.memory_space<vmem_shared>>)
      tpu.yield
    }) : () -> ()
    %dma_wait3A_97 = arith.constant 122 : i32
    %dma_wait3A_98 = arith.constant 2 : i32
    %dma_wait3A_99 = arith.constant 0 : i32
    %dma_wait3A_100 = arith.constant 0 : i32
    %dma_wait3A_101 = tpu.memref_slice %arg10[%dma_wait3A_98, %dma_wait3A_99, %dma_wait3A_100] : memref<6x80x64xf32, #tpu.memory_space<vmem>> -> memref<1x80x64xf32, #tpu.memory_space<vmem>>
    %dma_wait3A_102 = tpu.memref_squeeze %dma_wait3A_101 : memref<1x80x64xf32, #tpu.memory_space<vmem>> -> memref<80x64xf32, #tpu.memory_space<vmem>>
    %dma_wait3A_103 = arith.constant 0 : i32
    %dma_wait3A_104 = tpu.memref_slice %arg8[%dma_wait3A_97, %dma_wait3A_103] : memref<125x80xi32, #tpu.memory_space<vmem>> -> memref<1x80xi32, #tpu.memory_space<vmem>>
    %dma_wait3A_105 = tpu.memref_squeeze %dma_wait3A_104 : memref<1x80xi32, #tpu.memory_space<vmem>> -> memref<80xi32, #tpu.memory_space<vmem>>
    %dma_wait3A_106 = arith.constant 0 : i32
    %dma_wait3A_107 = arith.constant 0 : i32
    %dma_wait3A_108 = tpu.memref_slice %arg2[%dma_wait3A_106, %dma_wait3A_107] : memref<10000x64xf32, #tpu.memory_space<hbm>> -> memref<10000x64xf32, #tpu.memory_space<hbm>>
    tpu.wait_indirect_dma semaphore(%arg16 : memref<!tpu.dma_semaphore, #tpu.memory_space<semaphore_mem>>) src(%dma_wait3A_108 : memref<10000x64xf32, #tpu.memory_space<hbm>>) dst(%dma_wait3A_102 : memref<80x64xf32, #tpu.memory_space<vmem>>)
    %run_scoped3A_109 = arith.constant 2 : i32
    %run_scoped3A_110 = arith.constant 122 : i32
    "tpu.region"() ({
      %run_scoped3A_149 = tpu.sem_alloc : memref<!tpu.dma_semaphore, #tpu.memory_space<semaphore_mem>>
      %dma_start3A_150 = arith.constant 0 : i32
      %dma_start3A_151 = arith.constant 0 : i32
      %dma_start3A_152 = tpu.memref_slice %arg10[%run_scoped3A_109, %dma_start3A_150, %dma_start3A_151] : memref<6x80x64xf32, #tpu.memory_space<vmem>> -> memref<1x80x64xf32, #tpu.memory_space<vmem>>
      %dma_start3A_153 = tpu.memref_squeeze %dma_start3A_152 : memref<1x80x64xf32, #tpu.memory_space<vmem>> -> memref<80x64xf32, #tpu.memory_space<vmem>>
      %dma_start3A_154 = arith.constant 0 : i32
      %dma_start3A_155 = tpu.memref_slice %arg9[%run_scoped3A_110, %dma_start3A_154] : memref<125x80xi32, #tpu.memory_space<vmem>> -> memref<1x80xi32, #tpu.memory_space<vmem>>
      %dma_start3A_156 = tpu.memref_squeeze %dma_start3A_155 : memref<1x80xi32, #tpu.memory_space<vmem>> -> memref<80xi32, #tpu.memory_space<vmem>>
      %dma_start3A_157 = arith.constant 0 : i32
      %dma_start3A_158 = arith.constant 0 : i32
      %dma_start3A_159 = tpu.memref_slice %arg12[%dma_start3A_157, %dma_start3A_158] : memref<10240x64xf32, #tpu.memory_space<vmem_shared>> -> memref<10240x64xf32, #tpu.memory_space<vmem_shared>>
      tpu.enqueue_indirect_dma source(%dma_start3A_153 : memref<80x64xf32, #tpu.memory_space<vmem>>) target(%dma_start3A_159 : memref<10240x64xf32, #tpu.memory_space<vmem_shared>>) offsets(%dma_start3A_156 : memref<80xi32, #tpu.memory_space<vmem>>) semaphore(%run_scoped3A_149 : memref<!tpu.dma_semaphore, #tpu.memory_space<semaphore_mem>>) {add = true}
      %dma_wait3A_160 = arith.constant 0 : i32
      %dma_wait3A_161 = arith.constant 0 : i32
      %dma_wait3A_162 = tpu.memref_slice %arg10[%run_scoped3A_109, %dma_wait3A_160, %dma_wait3A_161] : memref<6x80x64xf32, #tpu.memory_space<vmem>> -> memref<1x80x64xf32, #tpu.memory_space<vmem>>
      %dma_wait3A_163 = tpu.memref_squeeze %dma_wait3A_162 : memref<1x80x64xf32, #tpu.memory_space<vmem>> -> memref<80x64xf32, #tpu.memory_space<vmem>>
      %dma_wait3A_164 = arith.constant 0 : i32
      %dma_wait3A_165 = tpu.memref_slice %arg9[%run_scoped3A_110, %dma_wait3A_164] : memref<125x80xi32, #tpu.memory_space<vmem>> -> memref<1x80xi32, #tpu.memory_space<vmem>>
      %dma_wait3A_166 = tpu.memref_squeeze %dma_wait3A_165 : memref<1x80xi32, #tpu.memory_space<vmem>> -> memref<80xi32, #tpu.memory_space<vmem>>
      %dma_wait3A_167 = arith.constant 0 : i32
      %dma_wait3A_168 = arith.constant 0 : i32
      %dma_wait3A_169 = tpu.memref_slice %arg12[%dma_wait3A_167, %dma_wait3A_168] : memref<10240x64xf32, #tpu.memory_space<vmem_shared>> -> memref<10240x64xf32, #tpu.memory_space<vmem_shared>>
      tpu.wait_indirect_dma semaphore(%run_scoped3A_149 : memref<!tpu.dma_semaphore, #tpu.memory_space<semaphore_mem>>) src(%dma_wait3A_163 : memref<80x64xf32, #tpu.memory_space<vmem>>) dst(%dma_wait3A_169 : memref<10240x64xf32, #tpu.memory_space<vmem_shared>>)
      tpu.yield
    }) : () -> ()
    %run_scoped3A_111 = arith.constant 122 : i32
    "tpu.region"() ({
      %run_scoped3A_149 = tpu.sem_alloc : memref<!tpu.dma_semaphore, #tpu.memory_space<semaphore_mem>>
      %dma_start3A_150 = arith.constant 0 : i32
      %dma_start3A_151 = tpu.memref_slice %arg9[%run_scoped3A_111, %dma_start3A_150] : memref<125x80xi32, #tpu.memory_space<vmem>> -> memref<1x80xi32, #tpu.memory_space<vmem>>
      %dma_start3A_152 = tpu.memref_squeeze %dma_start3A_151 : memref<1x80xi32, #tpu.memory_space<vmem>> -> memref<80xi32, #tpu.memory_space<vmem>>
      %dma_start3A_153 = arith.constant 0 : i32
      %dma_start3A_154 = arith.constant 0 : i32
      %dma_start3A_155 = tpu.memref_slice %arg13[%dma_start3A_153, %dma_start3A_154] : memref<10240x8xf32, #tpu.memory_space<vmem_shared>> -> memref<10240x8xf32, #tpu.memory_space<vmem_shared>>
      tpu.enqueue_indirect_dma source(%arg11 : memref<80x8xf32, #tpu.memory_space<vmem>>) target(%dma_start3A_155 : memref<10240x8xf32, #tpu.memory_space<vmem_shared>>) offsets(%dma_start3A_152 : memref<80xi32, #tpu.memory_space<vmem>>) semaphore(%run_scoped3A_149 : memref<!tpu.dma_semaphore, #tpu.memory_space<semaphore_mem>>) {add = true}
      %dma_wait3A_156 = arith.constant 0 : i32
      %dma_wait3A_157 = tpu.memref_slice %arg9[%run_scoped3A_111, %dma_wait3A_156] : memref<125x80xi32, #tpu.memory_space<vmem>> -> memref<1x80xi32, #tpu.memory_space<vmem>>
      %dma_wait3A_158 = tpu.memref_squeeze %dma_wait3A_157 : memref<1x80xi32, #tpu.memory_space<vmem>> -> memref<80xi32, #tpu.memory_space<vmem>>
      %dma_wait3A_159 = arith.constant 0 : i32
      %dma_wait3A_160 = arith.constant 0 : i32
      %dma_wait3A_161 = tpu.memref_slice %arg13[%dma_wait3A_159, %dma_wait3A_160] : memref<10240x8xf32, #tpu.memory_space<vmem_shared>> -> memref<10240x8xf32, #tpu.memory_space<vmem_shared>>
      tpu.wait_indirect_dma semaphore(%run_scoped3A_149 : memref<!tpu.dma_semaphore, #tpu.memory_space<semaphore_mem>>) src(%arg11 : memref<80x8xf32, #tpu.memory_space<vmem>>) dst(%dma_wait3A_161 : memref<10240x8xf32, #tpu.memory_space<vmem_shared>>)
      tpu.yield
    }) : () -> ()
    %dma_wait3A_112 = arith.constant 123 : i32
    %dma_wait3A_113 = arith.constant 3 : i32
    %dma_wait3A_114 = arith.constant 0 : i32
    %dma_wait3A_115 = arith.constant 0 : i32
    %dma_wait3A_116 = tpu.memref_slice %arg10[%dma_wait3A_113, %dma_wait3A_114, %dma_wait3A_115] : memref<6x80x64xf32, #tpu.memory_space<vmem>> -> memref<1x80x64xf32, #tpu.memory_space<vmem>>
    %dma_wait3A_117 = tpu.memref_squeeze %dma_wait3A_116 : memref<1x80x64xf32, #tpu.memory_space<vmem>> -> memref<80x64xf32, #tpu.memory_space<vmem>>
    %dma_wait3A_118 = arith.constant 0 : i32
    %dma_wait3A_119 = tpu.memref_slice %arg8[%dma_wait3A_112, %dma_wait3A_118] : memref<125x80xi32, #tpu.memory_space<vmem>> -> memref<1x80xi32, #tpu.memory_space<vmem>>
    %dma_wait3A_120 = tpu.memref_squeeze %dma_wait3A_119 : memref<1x80xi32, #tpu.memory_space<vmem>> -> memref<80xi32, #tpu.memory_space<vmem>>
    %dma_wait3A_121 = arith.constant 0 : i32
    %dma_wait3A_122 = arith.constant 0 : i32
    %dma_wait3A_123 = tpu.memref_slice %arg2[%dma_wait3A_121, %dma_wait3A_122] : memref<10000x64xf32, #tpu.memory_space<hbm>> -> memref<10000x64xf32, #tpu.memory_space<hbm>>
    tpu.wait_indirect_dma semaphore(%arg17 : memref<!tpu.dma_semaphore, #tpu.memory_space<semaphore_mem>>) src(%dma_wait3A_123 : memref<10000x64xf32, #tpu.memory_space<hbm>>) dst(%dma_wait3A_117 : memref<80x64xf32, #tpu.memory_space<vmem>>)
    %run_scoped3A_124 = arith.constant 3 : i32
    %run_scoped3A_125 = arith.constant 123 : i32
    "tpu.region"() ({
      %run_scoped3A_149 = tpu.sem_alloc : memref<!tpu.dma_semaphore, #tpu.memory_space<semaphore_mem>>
      %dma_start3A_150 = arith.constant 0 : i32
      %dma_start3A_151 = arith.constant 0 : i32
      %dma_start3A_152 = tpu.memref_slice %arg10[%run_scoped3A_124, %dma_start3A_150, %dma_start3A_151] : memref<6x80x64xf32, #tpu.memory_space<vmem>> -> memref<1x80x64xf32, #tpu.memory_space<vmem>>
      %dma_start3A_153 = tpu.memref_squeeze %dma_start3A_152 : memref<1x80x64xf32, #tpu.memory_space<vmem>> -> memref<80x64xf32, #tpu.memory_space<vmem>>
      %dma_start3A_154 = arith.constant 0 : i32
      %dma_start3A_155 = tpu.memref_slice %arg9[%run_scoped3A_125, %dma_start3A_154] : memref<125x80xi32, #tpu.memory_space<vmem>> -> memref<1x80xi32, #tpu.memory_space<vmem>>
      %dma_start3A_156 = tpu.memref_squeeze %dma_start3A_155 : memref<1x80xi32, #tpu.memory_space<vmem>> -> memref<80xi32, #tpu.memory_space<vmem>>
      %dma_start3A_157 = arith.constant 0 : i32
      %dma_start3A_158 = arith.constant 0 : i32
      %dma_start3A_159 = tpu.memref_slice %arg12[%dma_start3A_157, %dma_start3A_158] : memref<10240x64xf32, #tpu.memory_space<vmem_shared>> -> memref<10240x64xf32, #tpu.memory_space<vmem_shared>>
      tpu.enqueue_indirect_dma source(%dma_start3A_153 : memref<80x64xf32, #tpu.memory_space<vmem>>) target(%dma_start3A_159 : memref<10240x64xf32, #tpu.memory_space<vmem_shared>>) offsets(%dma_start3A_156 : memref<80xi32, #tpu.memory_space<vmem>>) semaphore(%run_scoped3A_149 : memref<!tpu.dma_semaphore, #tpu.memory_space<semaphore_mem>>) {add = true}
      %dma_wait3A_160 = arith.constant 0 : i32
      %dma_wait3A_161 = arith.constant 0 : i32
      %dma_wait3A_162 = tpu.memref_slice %arg10[%run_scoped3A_124, %dma_wait3A_160, %dma_wait3A_161] : memref<6x80x64xf32, #tpu.memory_space<vmem>> -> memref<1x80x64xf32, #tpu.memory_space<vmem>>
      %dma_wait3A_163 = tpu.memref_squeeze %dma_wait3A_162 : memref<1x80x64xf32, #tpu.memory_space<vmem>> -> memref<80x64xf32, #tpu.memory_space<vmem>>
      %dma_wait3A_164 = arith.constant 0 : i32
      %dma_wait3A_165 = tpu.memref_slice %arg9[%run_scoped3A_125, %dma_wait3A_164] : memref<125x80xi32, #tpu.memory_space<vmem>> -> memref<1x80xi32, #tpu.memory_space<vmem>>
      %dma_wait3A_166 = tpu.memref_squeeze %dma_wait3A_165 : memref<1x80xi32, #tpu.memory_space<vmem>> -> memref<80xi32, #tpu.memory_space<vmem>>
      %dma_wait3A_167 = arith.constant 0 : i32
      %dma_wait3A_168 = arith.constant 0 : i32
      %dma_wait3A_169 = tpu.memref_slice %arg12[%dma_wait3A_167, %dma_wait3A_168] : memref<10240x64xf32, #tpu.memory_space<vmem_shared>> -> memref<10240x64xf32, #tpu.memory_space<vmem_shared>>
      tpu.wait_indirect_dma semaphore(%run_scoped3A_149 : memref<!tpu.dma_semaphore, #tpu.memory_space<semaphore_mem>>) src(%dma_wait3A_163 : memref<80x64xf32, #tpu.memory_space<vmem>>) dst(%dma_wait3A_169 : memref<10240x64xf32, #tpu.memory_space<vmem_shared>>)
      tpu.yield
    }) : () -> ()
    %run_scoped3A_126 = arith.constant 123 : i32
    "tpu.region"() ({
      %run_scoped3A_149 = tpu.sem_alloc : memref<!tpu.dma_semaphore, #tpu.memory_space<semaphore_mem>>
      %dma_start3A_150 = arith.constant 0 : i32
      %dma_start3A_151 = tpu.memref_slice %arg9[%run_scoped3A_126, %dma_start3A_150] : memref<125x80xi32, #tpu.memory_space<vmem>> -> memref<1x80xi32, #tpu.memory_space<vmem>>
      %dma_start3A_152 = tpu.memref_squeeze %dma_start3A_151 : memref<1x80xi32, #tpu.memory_space<vmem>> -> memref<80xi32, #tpu.memory_space<vmem>>
      %dma_start3A_153 = arith.constant 0 : i32
      %dma_start3A_154 = arith.constant 0 : i32
      %dma_start3A_155 = tpu.memref_slice %arg13[%dma_start3A_153, %dma_start3A_154] : memref<10240x8xf32, #tpu.memory_space<vmem_shared>> -> memref<10240x8xf32, #tpu.memory_space<vmem_shared>>
      tpu.enqueue_indirect_dma source(%arg11 : memref<80x8xf32, #tpu.memory_space<vmem>>) target(%dma_start3A_155 : memref<10240x8xf32, #tpu.memory_space<vmem_shared>>) offsets(%dma_start3A_152 : memref<80xi32, #tpu.memory_space<vmem>>) semaphore(%run_scoped3A_149 : memref<!tpu.dma_semaphore, #tpu.memory_space<semaphore_mem>>) {add = true}
      %dma_wait3A_156 = arith.constant 0 : i32
      %dma_wait3A_157 = tpu.memref_slice %arg9[%run_scoped3A_126, %dma_wait3A_156] : memref<125x80xi32, #tpu.memory_space<vmem>> -> memref<1x80xi32, #tpu.memory_space<vmem>>
      %dma_wait3A_158 = tpu.memref_squeeze %dma_wait3A_157 : memref<1x80xi32, #tpu.memory_space<vmem>> -> memref<80xi32, #tpu.memory_space<vmem>>
      %dma_wait3A_159 = arith.constant 0 : i32
      %dma_wait3A_160 = arith.constant 0 : i32
      %dma_wait3A_161 = tpu.memref_slice %arg13[%dma_wait3A_159, %dma_wait3A_160] : memref<10240x8xf32, #tpu.memory_space<vmem_shared>> -> memref<10240x8xf32, #tpu.memory_space<vmem_shared>>
      tpu.wait_indirect_dma semaphore(%run_scoped3A_149 : memref<!tpu.dma_semaphore, #tpu.memory_space<semaphore_mem>>) src(%arg11 : memref<80x8xf32, #tpu.memory_space<vmem>>) dst(%dma_wait3A_161 : memref<10240x8xf32, #tpu.memory_space<vmem_shared>>)
      tpu.yield
    }) : () -> ()
    %dma_wait3A_127 = arith.constant 124 : i32
    %dma_wait3A_128 = arith.constant 4 : i32
    %dma_wait3A_129 = arith.constant 0 : i32
    %dma_wait3A_130 = arith.constant 0 : i32
    %dma_wait3A_131 = tpu.memref_slice %arg10[%dma_wait3A_128, %dma_wait3A_129, %dma_wait3A_130] : memref<6x80x64xf32, #tpu.memory_space<vmem>> -> memref<1x80x64xf32, #tpu.memory_space<vmem>>
    %dma_wait3A_132 = tpu.memref_squeeze %dma_wait3A_131 : memref<1x80x64xf32, #tpu.memory_space<vmem>> -> memref<80x64xf32, #tpu.memory_space<vmem>>
    %dma_wait3A_133 = arith.constant 0 : i32
    %dma_wait3A_134 = tpu.memref_slice %arg8[%dma_wait3A_127, %dma_wait3A_133] : memref<125x80xi32, #tpu.memory_space<vmem>> -> memref<1x80xi32, #tpu.memory_space<vmem>>
    %dma_wait3A_135 = tpu.memref_squeeze %dma_wait3A_134 : memref<1x80xi32, #tpu.memory_space<vmem>> -> memref<80xi32, #tpu.memory_space<vmem>>
    %dma_wait3A_136 = arith.constant 0 : i32
    %dma_wait3A_137 = arith.constant 0 : i32
    %dma_wait3A_138 = tpu.memref_slice %arg2[%dma_wait3A_136, %dma_wait3A_137] : memref<10000x64xf32, #tpu.memory_space<hbm>> -> memref<10000x64xf32, #tpu.memory_space<hbm>>
    tpu.wait_indirect_dma semaphore(%arg18 : memref<!tpu.dma_semaphore, #tpu.memory_space<semaphore_mem>>) src(%dma_wait3A_138 : memref<10000x64xf32, #tpu.memory_space<hbm>>) dst(%dma_wait3A_132 : memref<80x64xf32, #tpu.memory_space<vmem>>)
    %run_scoped3A_139 = arith.constant 4 : i32
    %run_scoped3A_140 = arith.constant 124 : i32
    "tpu.region"() ({
      %run_scoped3A_149 = tpu.sem_alloc : memref<!tpu.dma_semaphore, #tpu.memory_space<semaphore_mem>>
      %dma_start3A_150 = arith.constant 0 : i32
      %dma_start3A_151 = arith.constant 0 : i32
      %dma_start3A_152 = tpu.memref_slice %arg10[%run_scoped3A_139, %dma_start3A_150, %dma_start3A_151] : memref<6x80x64xf32, #tpu.memory_space<vmem>> -> memref<1x80x64xf32, #tpu.memory_space<vmem>>
      %dma_start3A_153 = tpu.memref_squeeze %dma_start3A_152 : memref<1x80x64xf32, #tpu.memory_space<vmem>> -> memref<80x64xf32, #tpu.memory_space<vmem>>
      %dma_start3A_154 = arith.constant 0 : i32
      %dma_start3A_155 = tpu.memref_slice %arg9[%run_scoped3A_140, %dma_start3A_154] : memref<125x80xi32, #tpu.memory_space<vmem>> -> memref<1x80xi32, #tpu.memory_space<vmem>>
      %dma_start3A_156 = tpu.memref_squeeze %dma_start3A_155 : memref<1x80xi32, #tpu.memory_space<vmem>> -> memref<80xi32, #tpu.memory_space<vmem>>
      %dma_start3A_157 = arith.constant 0 : i32
      %dma_start3A_158 = arith.constant 0 : i32
      %dma_start3A_159 = tpu.memref_slice %arg12[%dma_start3A_157, %dma_start3A_158] : memref<10240x64xf32, #tpu.memory_space<vmem_shared>> -> memref<10240x64xf32, #tpu.memory_space<vmem_shared>>
      tpu.enqueue_indirect_dma source(%dma_start3A_153 : memref<80x64xf32, #tpu.memory_space<vmem>>) target(%dma_start3A_159 : memref<10240x64xf32, #tpu.memory_space<vmem_shared>>) offsets(%dma_start3A_156 : memref<80xi32, #tpu.memory_space<vmem>>) semaphore(%run_scoped3A_149 : memref<!tpu.dma_semaphore, #tpu.memory_space<semaphore_mem>>) {add = true}
      %dma_wait3A_160 = arith.constant 0 : i32
      %dma_wait3A_161 = arith.constant 0 : i32
      %dma_wait3A_162 = tpu.memref_slice %arg10[%run_scoped3A_139, %dma_wait3A_160, %dma_wait3A_161] : memref<6x80x64xf32, #tpu.memory_space<vmem>> -> memref<1x80x64xf32, #tpu.memory_space<vmem>>
      %dma_wait3A_163 = tpu.memref_squeeze %dma_wait3A_162 : memref<1x80x64xf32, #tpu.memory_space<vmem>> -> memref<80x64xf32, #tpu.memory_space<vmem>>
      %dma_wait3A_164 = arith.constant 0 : i32
      %dma_wait3A_165 = tpu.memref_slice %arg9[%run_scoped3A_140, %dma_wait3A_164] : memref<125x80xi32, #tpu.memory_space<vmem>> -> memref<1x80xi32, #tpu.memory_space<vmem>>
      %dma_wait3A_166 = tpu.memref_squeeze %dma_wait3A_165 : memref<1x80xi32, #tpu.memory_space<vmem>> -> memref<80xi32, #tpu.memory_space<vmem>>
      %dma_wait3A_167 = arith.constant 0 : i32
      %dma_wait3A_168 = arith.constant 0 : i32
      %dma_wait3A_169 = tpu.memref_slice %arg12[%dma_wait3A_167, %dma_wait3A_168] : memref<10240x64xf32, #tpu.memory_space<vmem_shared>> -> memref<10240x64xf32, #tpu.memory_space<vmem_shared>>
      tpu.wait_indirect_dma semaphore(%run_scoped3A_149 : memref<!tpu.dma_semaphore, #tpu.memory_space<semaphore_mem>>) src(%dma_wait3A_163 : memref<80x64xf32, #tpu.memory_space<vmem>>) dst(%dma_wait3A_169 : memref<10240x64xf32, #tpu.memory_space<vmem_shared>>)
      tpu.yield
    }) : () -> ()
    %run_scoped3A_141 = arith.constant 124 : i32
    "tpu.region"() ({
      %run_scoped3A_149 = tpu.sem_alloc : memref<!tpu.dma_semaphore, #tpu.memory_space<semaphore_mem>>
      %dma_start3A_150 = arith.constant 0 : i32
      %dma_start3A_151 = tpu.memref_slice %arg9[%run_scoped3A_141, %dma_start3A_150] : memref<125x80xi32, #tpu.memory_space<vmem>> -> memref<1x80xi32, #tpu.memory_space<vmem>>
      %dma_start3A_152 = tpu.memref_squeeze %dma_start3A_151 : memref<1x80xi32, #tpu.memory_space<vmem>> -> memref<80xi32, #tpu.memory_space<vmem>>
      %dma_start3A_153 = arith.constant 0 : i32
      %dma_start3A_154 = arith.constant 0 : i32
      %dma_start3A_155 = tpu.memref_slice %arg13[%dma_start3A_153, %dma_start3A_154] : memref<10240x8xf32, #tpu.memory_space<vmem_shared>> -> memref<10240x8xf32, #tpu.memory_space<vmem_shared>>
      tpu.enqueue_indirect_dma source(%arg11 : memref<80x8xf32, #tpu.memory_space<vmem>>) target(%dma_start3A_155 : memref<10240x8xf32, #tpu.memory_space<vmem_shared>>) offsets(%dma_start3A_152 : memref<80xi32, #tpu.memory_space<vmem>>) semaphore(%run_scoped3A_149 : memref<!tpu.dma_semaphore, #tpu.memory_space<semaphore_mem>>) {add = true}
      %dma_wait3A_156 = arith.constant 0 : i32
      %dma_wait3A_157 = tpu.memref_slice %arg9[%run_scoped3A_141, %dma_wait3A_156] : memref<125x80xi32, #tpu.memory_space<vmem>> -> memref<1x80xi32, #tpu.memory_space<vmem>>
      %dma_wait3A_158 = tpu.memref_squeeze %dma_wait3A_157 : memref<1x80xi32, #tpu.memory_space<vmem>> -> memref<80xi32, #tpu.memory_space<vmem>>
      %dma_wait3A_159 = arith.constant 0 : i32
      %dma_wait3A_160 = arith.constant 0 : i32
      %dma_wait3A_161 = tpu.memref_slice %arg13[%dma_wait3A_159, %dma_wait3A_160] : memref<10240x8xf32, #tpu.memory_space<vmem_shared>> -> memref<10240x8xf32, #tpu.memory_space<vmem_shared>>
      tpu.wait_indirect_dma semaphore(%run_scoped3A_149 : memref<!tpu.dma_semaphore, #tpu.memory_space<semaphore_mem>>) src(%arg11 : memref<80x8xf32, #tpu.memory_space<vmem>>) dst(%dma_wait3A_161 : memref<10240x8xf32, #tpu.memory_space<vmem_shared>>)
      tpu.yield
    }) : () -> ()
    %barrier3A_142 = arith.constant 0 : index
    tpu.barrier barrier_id(%barrier3A_142)
    %mul3A_143 = arith.constant 10240 : i32
    %mul3A_144 = arith.muli %arg0, %mul3A_143 : i32
    %mul3A_145 = arith.constant 640 : i32
    %mul3A_146 = arith.muli %arg1, %mul3A_145 : i32
    %add3A_147 = arith.addi %mul3A_144, %mul3A_146 : i32
    %multiple_of3A_148 = tpu.assume_multiple %add3A_147, 8 : i32
    "tpu.region"() ({
      %run_scoped3A_149 = tpu.sem_alloc : memref<!tpu.dma_semaphore, #tpu.memory_space<semaphore_mem>>
      %dma_start3A_150 = arith.constant 0 : i32
      %dma_start3A_151 = tpu.memref_slice %arg7[%multiple_of3A_148, %dma_start3A_150] : memref<20480x128xf32, #tpu.memory_space<hbm>> -> memref<640x64xf32, #tpu.memory_space<hbm>>
      %dma_start3A_152 = arith.constant 0 : i32
      %dma_start3A_153 = tpu.memref_slice %arg12[%multiple_of3A, %dma_start3A_152] : memref<10240x64xf32, #tpu.memory_space<vmem_shared>> -> memref<640x64xf32, #tpu.memory_space<vmem_shared>>
      tpu.enqueue_dma source(%dma_start3A_153 : memref<640x64xf32, #tpu.memory_space<vmem_shared>>) target(%dma_start3A_151 : memref<640x64xf32, #tpu.memory_space<hbm>>) target_semaphore(%run_scoped3A_149 : memref<!tpu.dma_semaphore, #tpu.memory_space<semaphore_mem>>)
      %dma_wait3A_154 = arith.constant 0 : i32
      %dma_wait3A_155 = tpu.memref_slice %arg7[%multiple_of3A_148, %dma_wait3A_154] : memref<20480x128xf32, #tpu.memory_space<hbm>> -> memref<640x64xf32, #tpu.memory_space<hbm>>
      %dma_wait3A_156 = arith.constant 0 : i32
      %dma_wait3A_157 = tpu.memref_slice %arg12[%multiple_of3A, %dma_wait3A_156] : memref<10240x64xf32, #tpu.memory_space<vmem_shared>> -> memref<640x64xf32, #tpu.memory_space<vmem_shared>>
      tpu.wait_dma2 semaphore(%run_scoped3A_149 : memref<!tpu.dma_semaphore, #tpu.memory_space<semaphore_mem>>) src(%dma_wait3A_157 : memref<640x64xf32, #tpu.memory_space<vmem_shared>>) dst(%dma_wait3A_155 : memref<640x64xf32, #tpu.memory_space<hbm>>)
      tpu.yield
    }) : () -> ()
    "tpu.region"() ({
      %run_scoped3A_149 = tpu.sem_alloc : memref<!tpu.dma_semaphore, #tpu.memory_space<semaphore_mem>>
      %dma_start3A_150 = arith.constant 64 : i32
      %dma_start3A_151 = tpu.memref_slice %arg7[%multiple_of3A_148, %dma_start3A_150] : memref<20480x128xf32, #tpu.memory_space<hbm>> -> memref<640x8xf32, #tpu.memory_space<hbm>>
      %dma_start3A_152 = arith.constant 0 : i32
      %dma_start3A_153 = tpu.memref_slice %arg13[%multiple_of3A, %dma_start3A_152] : memref<10240x8xf32, #tpu.memory_space<vmem_shared>> -> memref<640x8xf32, #tpu.memory_space<vmem_shared>>
      tpu.enqueue_dma source(%dma_start3A_153 : memref<640x8xf32, #tpu.memory_space<vmem_shared>>) target(%dma_start3A_151 : memref<640x8xf32, #tpu.memory_space<hbm>>) target_semaphore(%run_scoped3A_149 : memref<!tpu.dma_semaphore, #tpu.memory_space<semaphore_mem>>)
      %dma_wait3A_154 = arith.constant 64 : i32
      %dma_wait3A_155 = tpu.memref_slice %arg7[%multiple_of3A_148, %dma_wait3A_154] : memref<20480x128xf32, #tpu.memory_space<hbm>> -> memref<640x8xf32, #tpu.memory_space<hbm>>
      %dma_wait3A_156 = arith.constant 0 : i32
      %dma_wait3A_157 = tpu.memref_slice %arg13[%multiple_of3A, %dma_wait3A_156] : memref<10240x8xf32, #tpu.memory_space<vmem_shared>> -> memref<640x8xf32, #tpu.memory_space<vmem_shared>>
      tpu.wait_dma2 semaphore(%run_scoped3A_149 : memref<!tpu.dma_semaphore, #tpu.memory_space<semaphore_mem>>) src(%dma_wait3A_157 : memref<640x8xf32, #tpu.memory_space<vmem_shared>>) dst(%dma_wait3A_155 : memref<640x8xf32, #tpu.memory_space<hbm>>)
      tpu.yield
    }) : () -> ()
    return
  }
}

module attributes {stable_mosaic.version = 14 : i64} {
  func.func @_tc_a1_body(%arg0: i32, %arg1: memref<1000x128xf32, #tpu.memory_space<vmem>>, %arg2: memref<128x64xf32, #tpu.memory_space<vmem>>, %arg3: memref<1000x64xf32, #tpu.memory_space<vmem>>) attributes {dimension_semantics = [#tpu.dimension_semantics<arbitrary>], iteration_bounds = array<i64: 10>, scalar_prefetch = 0 : i64, scratch_operands = 0 : i64, tpu.core_type = #tpu.core_type<tc>, window_params = [{transform_indices = @transform_0, window_bounds = array<i64: 1000, 128>}, {pipeline_mode = #tpu.pipeline_mode<synchronous>, transform_indices = @transform_1, window_bounds = array<i64: 128, 64>}, {transform_indices = @transform_2, window_bounds = array<i64: 1000, 64>}]} {
    %get3A = arith.constant 0 : index
    %get3A_0 = arith.constant 0 : index
    %get3A_1 = vector.load %arg1[%get3A, %get3A_0] : memref<1000x128xf32, #tpu.memory_space<vmem>>, vector<1000x128xf32>
    %get3A_2 = arith.constant 0 : index
    %get3A_3 = arith.constant 0 : index
    %get3A_4 = vector.load %arg2[%get3A_2, %get3A_3] : memref<128x64xf32, #tpu.memory_space<vmem>>, vector<128x64xf32>
    %dot_general3A = arith.constant dense<0.000000e+00> : vector<1000x64xf32>
    %dot_general3A_5 = tpu.matmul %get3A_1, %get3A_4, %dot_general3A {dimension_numbers = #tpu.dot_dimension_numbers<[1], [0], [0], [1], [0, 0, 1, 1], [], []>, transpose_lhs_hint = false} : vector<1000x128xf32>, vector<128x64xf32>, vector<1000x64xf32> -> vector<1000x64xf32>
    %swap3A = arith.constant 0 : index
    %swap3A_6 = arith.constant 0 : index
    %swap3A_7 = vector.load %arg3[%swap3A, %swap3A_6] : memref<1000x64xf32, #tpu.memory_space<vmem>>, vector<1000x64xf32>
    tpu.vector_store %arg3[%swap3A, %swap3A_6], %dot_general3A_5 {strides = array<i32>} : memref<1000x64xf32, #tpu.memory_space<vmem>>, vector<1000x64xf32>,
    return
  }
  func.func @transform_0(%arg0: i32) -> (i32, i32) {
    %c0_i32 = arith.constant 0 : i32
    %c0_i32_0 = arith.constant 0 : i32
    return %arg0, %c0_i32 : i32, i32
  }
  func.func @transform_1(%arg0: i32) -> (i32, i32) {
    %c0_i32 = arith.constant 0 : i32
    %c0_i32_0 = arith.constant 0 : i32
    %c0_i32_1 = arith.constant 0 : i32
    return %c0_i32, %c0_i32_0 : i32, i32
  }
  func.func @transform_2(%arg0: i32) -> (i32, i32) {
    %c0_i32 = arith.constant 0 : i32
    %c0_i32_0 = arith.constant 0 : i32
    return %arg0, %c0_i32 : i32, i32
  }
}

module attributes {stable_mosaic.version = 14 : i64} {
  func.func @_tc_a2_body(%arg0: i32, %arg1: memref<1000x128xf32, #tpu.memory_space<vmem>>, %arg2: memref<128x64xf32, #tpu.memory_space<vmem>>, %arg3: memref<128x64xf32, #tpu.memory_space<vmem>>, %arg4: memref<1x64xf32, #tpu.memory_space<vmem>>, %arg5: memref<1x64xf32, #tpu.memory_space<vmem>>, %arg6: memref<1x64xf32, #tpu.memory_space<vmem>>, %arg7: memref<1000x64xf32, #tpu.memory_space<vmem>>, %arg8: memref<1000x64xf32, #tpu.memory_space<vmem>>) attributes {dimension_semantics = [#tpu.dimension_semantics<arbitrary>], iteration_bounds = array<i64: 10>, scalar_prefetch = 0 : i64, scratch_operands = 0 : i64, tpu.core_type = #tpu.core_type<tc>, window_params = [{transform_indices = @transform_0, window_bounds = array<i64: 1000, 128>}, {pipeline_mode = #tpu.pipeline_mode<synchronous>, transform_indices = @transform_1, window_bounds = array<i64: 128, 64>}, {pipeline_mode = #tpu.pipeline_mode<synchronous>, transform_indices = @transform_2, window_bounds = array<i64: 128, 64>}, {pipeline_mode = #tpu.pipeline_mode<synchronous>, transform_indices = @transform_3, window_bounds = array<i64: 1, 64>}, {pipeline_mode = #tpu.pipeline_mode<synchronous>, transform_indices = @transform_4, window_bounds = array<i64: 1, 64>}, {pipeline_mode = #tpu.pipeline_mode<synchronous>, transform_indices = @transform_5, window_bounds = array<i64: 1, 64>}, {transform_indices = @transform_6, window_bounds = array<i64: 1000, 64>}, {transform_indices = @transform_7, window_bounds = array<i64: 1000, 64>}]} {
    %get3A = arith.constant 0 : index
    %get3A_0 = arith.constant 0 : index
    %get3A_1 = vector.load %arg1[%get3A, %get3A_0] : memref<1000x128xf32, #tpu.memory_space<vmem>>, vector<1000x128xf32>
    %get3A_2 = arith.constant 0 : index
    %get3A_3 = arith.constant 0 : index
    %get3A_4 = vector.load %arg2[%get3A_2, %get3A_3] : memref<128x64xf32, #tpu.memory_space<vmem>>, vector<128x64xf32>
    %dot_general3A = arith.constant dense<0.000000e+00> : vector<1000x64xf32>
    %dot_general3A_5 = tpu.matmul %get3A_1, %get3A_4, %dot_general3A {dimension_numbers = #tpu.dot_dimension_numbers<[1], [0], [0], [1], [0, 0, 1, 1], [], []>, transpose_lhs_hint = false} : vector<1000x128xf32>, vector<128x64xf32>, vector<1000x64xf32> -> vector<1000x64xf32>
    %get3A_6 = arith.constant 0 : index
    %get3A_7 = arith.constant 0 : index
    %get3A_8 = vector.load %arg4[%get3A_6, %get3A_7] : memref<1x64xf32, #tpu.memory_space<vmem>>, vector<1x64xf32>
    %add3A = vector.broadcast %get3A_8 : vector<1x64xf32> to vector<1000x64xf32>
    %add3A_9 = arith.addf %dot_general3A_5, %add3A : vector<1000x64xf32>
    %get3A_10 = arith.constant 0 : index
    %get3A_11 = arith.constant 0 : index
    %get3A_12 = vector.load %arg5[%get3A_10, %get3A_11] : memref<1x64xf32, #tpu.memory_space<vmem>>, vector<1x64xf32>
    %add3A_13 = vector.broadcast %get3A_12 : vector<1x64xf32> to vector<1000x64xf32>
    %add3A_14 = arith.addf %add3A_9, %add3A_13 : vector<1000x64xf32>
    %swap3A = arith.constant 0 : index
    %swap3A_15 = arith.constant 0 : index
    %swap3A_16 = vector.load %arg7[%swap3A, %swap3A_15] : memref<1000x64xf32, #tpu.memory_space<vmem>>, vector<1000x64xf32>
    tpu.vector_store %arg7[%swap3A, %swap3A_15], %add3A_14 {strides = array<i32>} : memref<1000x64xf32, #tpu.memory_space<vmem>>, vector<1000x64xf32>,
    %get3A_17 = arith.constant 0 : index
    %get3A_18 = arith.constant 0 : index
    %get3A_19 = vector.load %arg3[%get3A_17, %get3A_18] : memref<128x64xf32, #tpu.memory_space<vmem>>, vector<128x64xf32>
    %dot_general3A_20 = arith.constant dense<0.000000e+00> : vector<1000x64xf32>
    %dot_general3A_21 = tpu.matmul %get3A_1, %get3A_19, %dot_general3A_20 {dimension_numbers = #tpu.dot_dimension_numbers<[1], [0], [0], [1], [0, 0, 1, 1], [], []>, transpose_lhs_hint = false} : vector<1000x128xf32>, vector<128x64xf32>, vector<1000x64xf32> -> vector<1000x64xf32>
    %get3A_22 = arith.constant 0 : index
    %get3A_23 = arith.constant 0 : index
    %get3A_24 = vector.load %arg6[%get3A_22, %get3A_23] : memref<1x64xf32, #tpu.memory_space<vmem>>, vector<1x64xf32>
    %add3A_25 = vector.broadcast %get3A_24 : vector<1x64xf32> to vector<1000x64xf32>
    %add3A_26 = arith.addf %dot_general3A_21, %add3A_25 : vector<1000x64xf32>
    %swap3A_27 = arith.constant 0 : index
    %swap3A_28 = arith.constant 0 : index
    %swap3A_29 = vector.load %arg8[%swap3A_27, %swap3A_28] : memref<1000x64xf32, #tpu.memory_space<vmem>>, vector<1000x64xf32>
    tpu.vector_store %arg8[%swap3A_27, %swap3A_28], %add3A_26 {strides = array<i32>} : memref<1000x64xf32, #tpu.memory_space<vmem>>, vector<1000x64xf32>,
    return
  }
  func.func @transform_0(%arg0: i32) -> (i32, i32) {
    %c0_i32 = arith.constant 0 : i32
    %c0_i32_0 = arith.constant 0 : i32
    return %arg0, %c0_i32 : i32, i32
  }
  func.func @transform_1(%arg0: i32) -> (i32, i32) {
    %c0_i32 = arith.constant 0 : i32
    %c0_i32_0 = arith.constant 0 : i32
    %c0_i32_1 = arith.constant 0 : i32
    return %c0_i32, %c0_i32_0 : i32, i32
  }
  func.func @transform_2(%arg0: i32) -> (i32, i32) {
    %c0_i32 = arith.constant 0 : i32
    %c0_i32_0 = arith.constant 0 : i32
    %c0_i32_1 = arith.constant 0 : i32
    return %c0_i32, %c0_i32_0 : i32, i32
  }
  func.func @transform_3(%arg0: i32) -> (i32, i32) {
    %c0_i32 = arith.constant 0 : i32
    %c0_i32_0 = arith.constant 0 : i32
    %c0_i32_1 = arith.constant 0 : i32
    return %c0_i32, %c0_i32_0 : i32, i32
  }
  func.func @transform_4(%arg0: i32) -> (i32, i32) {
    %c0_i32 = arith.constant 0 : i32
    %c0_i32_0 = arith.constant 0 : i32
    %c0_i32_1 = arith.constant 0 : i32
    return %c0_i32, %c0_i32_0 : i32, i32
  }
  func.func @transform_5(%arg0: i32) -> (i32, i32) {
    %c0_i32 = arith.constant 0 : i32
    %c0_i32_0 = arith.constant 0 : i32
    %c0_i32_1 = arith.constant 0 : i32
    return %c0_i32, %c0_i32_0 : i32, i32
  }
  func.func @transform_6(%arg0: i32) -> (i32, i32) {
    %c0_i32 = arith.constant 0 : i32
    %c0_i32_0 = arith.constant 0 : i32
    return %arg0, %c0_i32 : i32, i32
  }
  func.func @transform_7(%arg0: i32) -> (i32, i32) {
    %c0_i32 = arith.constant 0 : i32
    %c0_i32_0 = arith.constant 0 : i32
    return %arg0, %c0_i32 : i32, i32
  }
}

module attributes {stable_mosaic.version = 14 : i64} {
  func.func @_tc_b1_body(%arg0: i32, %arg1: memref<1x1000x128xf32, #tpu.memory_space<vmem>>, %arg2: memref<1x1000x128xf32, #tpu.memory_space<vmem>>, %arg3: memref<1000x64xf32, #tpu.memory_space<vmem>>, %arg4: memref<1000x64xf32, #tpu.memory_space<vmem>>, %arg5: memref<1x64xf32, #tpu.memory_space<vmem>>, %arg6: memref<1x64xf32, #tpu.memory_space<vmem>>, %arg7: memref<64x64xf32, #tpu.memory_space<vmem>>, %arg8: memref<1000x64xf32, #tpu.memory_space<vmem>>, %arg9: memref<1000x64xf32, #tpu.memory_space<vmem>>, %arg10: memref<1000x8xf32, #tpu.memory_space<vmem>>) attributes {dimension_semantics = [#tpu.dimension_semantics<arbitrary>], iteration_bounds = array<i64: 10>, scalar_prefetch = 0 : i64, scratch_operands = 0 : i64, tpu.core_type = #tpu.core_type<tc>, window_params = [{transform_indices = @transform_0, window_bounds = array<i64: 1, 1000, 128>}, {transform_indices = @transform_1, window_bounds = array<i64: 1, 1000, 128>}, {transform_indices = @transform_2, window_bounds = array<i64: 1000, 64>}, {transform_indices = @transform_3, window_bounds = array<i64: 1000, 64>}, {pipeline_mode = #tpu.pipeline_mode<synchronous>, transform_indices = @transform_4, window_bounds = array<i64: 1, 64>}, {pipeline_mode = #tpu.pipeline_mode<synchronous>, transform_indices = @transform_5, window_bounds = array<i64: 1, 64>}, {pipeline_mode = #tpu.pipeline_mode<synchronous>, transform_indices = @transform_6, window_bounds = array<i64: 64, 64>}, {transform_indices = @transform_7, window_bounds = array<i64: 1000, 64>}, {transform_indices = @transform_8, window_bounds = array<i64: 1000, 64>}, {transform_indices = @transform_9, window_bounds = array<i64: 1000, 8>}]} {
    %get3A = arith.constant 0 : index
    %get3A_0 = arith.constant 0 : index
    %get3A_1 = arith.constant 0 : index
    %get3A_2 = vector.load %arg1[%get3A, %get3A_0, %get3A_1] : memref<1x1000x128xf32, #tpu.memory_space<vmem>>, vector<1x1000x128xf32>
    %get3A_3 = vector.shape_cast %get3A_2 : vector<1x1000x128xf32> to vector<1000x128xf32>
    %get3A_4 = arith.constant 0 : index
    %get3A_5 = arith.constant 0 : index
    %get3A_6 = arith.constant 0 : index
    %get3A_7 = vector.load %arg2[%get3A_4, %get3A_5, %get3A_6] : memref<1x1000x128xf32, #tpu.memory_space<vmem>>, vector<1x1000x128xf32>
    %get3A_8 = vector.shape_cast %get3A_7 : vector<1x1000x128xf32> to vector<1000x128xf32>
    %slice3A = vector.extract_strided_slice %get3A_3 {offsets = [0, 0], sizes = [1000, 64], strides = [1, 1]} : vector<1000x128xf32> to vector<1000x64xf32>
    %slice3A_9 = vector.extract_strided_slice %get3A_8 {offsets = [0, 0], sizes = [1000, 64], strides = [1, 1]} : vector<1000x128xf32> to vector<1000x64xf32>
    %add3A = arith.addf %slice3A, %slice3A_9 : vector<1000x64xf32>
    %slice3A_10 = vector.extract_strided_slice %get3A_3 {offsets = [0, 64], sizes = [1000, 8], strides = [1, 1]} : vector<1000x128xf32> to vector<1000x8xf32>
    %slice3A_11 = vector.extract_strided_slice %get3A_8 {offsets = [0, 64], sizes = [1000, 8], strides = [1, 1]} : vector<1000x128xf32> to vector<1000x8xf32>
    %add3A_12 = arith.addf %slice3A_10, %slice3A_11 : vector<1000x8xf32>
    %reduce_sum3A = arith.constant dense<0.000000e+00> : vector<1000xf32>
    %reduce_sum3A_13 = vector.multi_reduction <add>, %add3A_12, %reduce_sum3A [1] : vector<1000x8xf32> to vector<1000xf32>
    %broadcast_in_dim3A = vector.shape_cast %reduce_sum3A_13 : vector<1000xf32> to vector<1000x1xf32>
    %max3A = arith.constant 1.000000e+00 : f32
    %max3A_14 = vector.broadcast %max3A : f32 to vector<1000x1xf32>
    %max3A_15 = arith.maximumf %broadcast_in_dim3A, %max3A_14 : vector<1000x1xf32>
    %div3A = arith.constant 1.000000e+00 : f32
    %div3A_16 = vector.broadcast %div3A : f32 to vector<1000x1xf32>
    %div3A_17 = arith.divf %div3A_16, %max3A_15 : vector<1000x1xf32>
    %broadcast_in_dim3A_18 = vector.shape_cast %div3A_17 : vector<1000x1xf32> to vector<1000x1xf32>
    %broadcast_in_dim3A_19 = vector.broadcast %broadcast_in_dim3A_18 : vector<1000x1xf32> to vector<1000x8xf32>
    %swap3A = arith.constant 0 : index
    %swap3A_20 = arith.constant 0 : index
    %swap3A_21 = vector.load %arg10[%swap3A, %swap3A_20] : memref<1000x8xf32, #tpu.memory_space<vmem>>, vector<1000x8xf32>
    tpu.vector_store %arg10[%swap3A, %swap3A_20], %broadcast_in_dim3A_19 {strides = array<i32>} : memref<1000x8xf32, #tpu.memory_space<vmem>>, vector<1000x8xf32>,
    %mul3A = vector.broadcast %div3A_17 : vector<1000x1xf32> to vector<1000x64xf32>
    %mul3A_22 = arith.mulf %add3A, %mul3A : vector<1000x64xf32>
    %get3A_23 = arith.constant 0 : index
    %get3A_24 = arith.constant 0 : index
    %get3A_25 = vector.load %arg3[%get3A_23, %get3A_24] : memref<1000x64xf32, #tpu.memory_space<vmem>>, vector<1000x64xf32>
    %add3A_26 = arith.addf %mul3A_22, %get3A_25 : vector<1000x64xf32>
    %get3A_27 = arith.constant 0 : index
    %get3A_28 = arith.constant 0 : index
    %get3A_29 = vector.load %arg5[%get3A_27, %get3A_28] : memref<1x64xf32, #tpu.memory_space<vmem>>, vector<1x64xf32>
    %get3A_30 = arith.constant 0 : index
    %get3A_31 = arith.constant 0 : index
    %get3A_32 = vector.load %arg6[%get3A_30, %get3A_31] : memref<1x64xf32, #tpu.memory_space<vmem>>, vector<1x64xf32>
    %reduce_sum3A_33 = arith.constant dense<0.000000e+00> : vector<1000xf32>
    %reduce_sum3A_34 = vector.multi_reduction <add>, %add3A_26, %reduce_sum3A_33 [1] : vector<1000x64xf32> to vector<1000xf32>
    %broadcast_in_dim3A_35 = vector.shape_cast %reduce_sum3A_34 : vector<1000xf32> to vector<1000x1xf32>
    %div3A_36 = arith.constant 6.400000e+01 : f32
    %div3A_37 = vector.broadcast %div3A_36 : f32 to vector<1000x1xf32>
    %div3A_38 = arith.divf %broadcast_in_dim3A_35, %div3A_37 : vector<1000x1xf32>
    %sub3A = vector.broadcast %div3A_38 : vector<1000x1xf32> to vector<1000x64xf32>
    %sub3A_39 = arith.subf %add3A_26, %sub3A : vector<1000x64xf32>
    %sub3A_40 = vector.broadcast %div3A_38 : vector<1000x1xf32> to vector<1000x64xf32>
    %sub3A_41 = arith.subf %add3A_26, %sub3A_40 : vector<1000x64xf32>
    %mul3A_42 = arith.mulf %sub3A_39, %sub3A_41 : vector<1000x64xf32>
    %reduce_sum3A_43 = arith.constant dense<0.000000e+00> : vector<1000xf32>
    %reduce_sum3A_44 = vector.multi_reduction <add>, %mul3A_42, %reduce_sum3A_43 [1] : vector<1000x64xf32> to vector<1000xf32>
    %broadcast_in_dim3A_45 = vector.shape_cast %reduce_sum3A_44 : vector<1000xf32> to vector<1000x1xf32>
    %div3A_46 = arith.constant 6.400000e+01 : f32
    %div3A_47 = vector.broadcast %div3A_46 : f32 to vector<1000x1xf32>
    %div3A_48 = arith.divf %broadcast_in_dim3A_45, %div3A_47 : vector<1000x1xf32>
    %sub3A_49 = vector.broadcast %div3A_38 : vector<1000x1xf32> to vector<1000x64xf32>
    %sub3A_50 = arith.subf %add3A_26, %sub3A_49 : vector<1000x64xf32>
    %add3A_51 = arith.constant 9.99999974E-6 : f32
    %add3A_52 = vector.broadcast %add3A_51 : f32 to vector<1000x1xf32>
    %add3A_53 = arith.addf %div3A_48, %add3A_52 : vector<1000x1xf32>
    %rsqrt3A = math.rsqrt %add3A_53 : vector<1000x1xf32>
    %mul3A_54 = vector.broadcast %rsqrt3A : vector<1000x1xf32> to vector<1000x64xf32>
    %mul3A_55 = arith.mulf %sub3A_50, %mul3A_54 : vector<1000x64xf32>
    %mul3A_56 = vector.broadcast %get3A_29 : vector<1x64xf32> to vector<1000x64xf32>
    %mul3A_57 = arith.mulf %mul3A_55, %mul3A_56 : vector<1000x64xf32>
    %add3A_58 = vector.broadcast %get3A_32 : vector<1x64xf32> to vector<1000x64xf32>
    %add3A_59 = arith.addf %mul3A_57, %add3A_58 : vector<1000x64xf32>
    %max3A_60 = arith.constant 0.000000e+00 : f32
    %max3A_61 = vector.broadcast %max3A_60 : f32 to vector<1000x64xf32>
    %max3A_62 = arith.maximumf %add3A_59, %max3A_61 : vector<1000x64xf32>
    %get3A_63 = arith.constant 0 : index
    %get3A_64 = arith.constant 0 : index
    %get3A_65 = vector.load %arg4[%get3A_63, %get3A_64] : memref<1000x64xf32, #tpu.memory_space<vmem>>, vector<1000x64xf32>
    %add3A_66 = arith.addf %get3A_65, %max3A_62 : vector<1000x64xf32>
    %swap3A_67 = arith.constant 0 : index
    %swap3A_68 = arith.constant 0 : index
    %swap3A_69 = vector.load %arg8[%swap3A_67, %swap3A_68] : memref<1000x64xf32, #tpu.memory_space<vmem>>, vector<1000x64xf32>
    tpu.vector_store %arg8[%swap3A_67, %swap3A_68], %add3A_66 {strides = array<i32>} : memref<1000x64xf32, #tpu.memory_space<vmem>>, vector<1000x64xf32>,
    %get3A_70 = arith.constant 0 : index
    %get3A_71 = arith.constant 0 : index
    %get3A_72 = vector.load %arg7[%get3A_70, %get3A_71] : memref<64x64xf32, #tpu.memory_space<vmem>>, vector<64x64xf32>
    %dot_general3A = arith.constant dense<0.000000e+00> : vector<1000x64xf32>
    %dot_general3A_73 = tpu.matmul %add3A_66, %get3A_72, %dot_general3A {dimension_numbers = #tpu.dot_dimension_numbers<[1], [0], [0], [1], [0, 0, 1, 1], [], []>, transpose_lhs_hint = false} : vector<1000x64xf32>, vector<64x64xf32>, vector<1000x64xf32> -> vector<1000x64xf32>
    %swap3A_74 = arith.constant 0 : index
    %swap3A_75 = arith.constant 0 : index
    %swap3A_76 = vector.load %arg9[%swap3A_74, %swap3A_75] : memref<1000x64xf32, #tpu.memory_space<vmem>>, vector<1000x64xf32>
    tpu.vector_store %arg9[%swap3A_74, %swap3A_75], %dot_general3A_73 {strides = array<i32>} : memref<1000x64xf32, #tpu.memory_space<vmem>>, vector<1000x64xf32>,
    return
  }
  func.func @transform_0(%arg0: i32) -> (i32, i32, i32) {
    %c0_i32 = arith.constant 0 : i32
    %c0_i32_0 = arith.constant 0 : i32
    %c0_i32_1 = arith.constant 0 : i32
    return %c0_i32, %arg0, %c0_i32_0 : i32, i32, i32
  }
  func.func @transform_1(%arg0: i32) -> (i32, i32, i32) {
    %c1_i32 = arith.constant 1 : i32
    %c0_i32 = arith.constant 0 : i32
    %c0_i32_0 = arith.constant 0 : i32
    return %c1_i32, %arg0, %c0_i32 : i32, i32, i32
  }
  func.func @transform_2(%arg0: i32) -> (i32, i32) {
    %c0_i32 = arith.constant 0 : i32
    %c0_i32_0 = arith.constant 0 : i32
    return %arg0, %c0_i32 : i32, i32
  }
  func.func @transform_3(%arg0: i32) -> (i32, i32) {
    %c0_i32 = arith.constant 0 : i32
    %c0_i32_0 = arith.constant 0 : i32
    return %arg0, %c0_i32 : i32, i32
  }
  func.func @transform_4(%arg0: i32) -> (i32, i32) {
    %c0_i32 = arith.constant 0 : i32
    %c0_i32_0 = arith.constant 0 : i32
    %c0_i32_1 = arith.constant 0 : i32
    return %c0_i32, %c0_i32_0 : i32, i32
  }
  func.func @transform_5(%arg0: i32) -> (i32, i32) {
    %c0_i32 = arith.constant 0 : i32
    %c0_i32_0 = arith.constant 0 : i32
    %c0_i32_1 = arith.constant 0 : i32
    return %c0_i32, %c0_i32_0 : i32, i32
  }
  func.func @transform_6(%arg0: i32) -> (i32, i32) {
    %c0_i32 = arith.constant 0 : i32
    %c0_i32_0 = arith.constant 0 : i32
    %c0_i32_1 = arith.constant 0 : i32
    return %c0_i32, %c0_i32_0 : i32, i32
  }
  func.func @transform_7(%arg0: i32) -> (i32, i32) {
    %c0_i32 = arith.constant 0 : i32
    %c0_i32_0 = arith.constant 0 : i32
    return %arg0, %c0_i32 : i32, i32
  }
  func.func @transform_8(%arg0: i32) -> (i32, i32) {
    %c0_i32 = arith.constant 0 : i32
    %c0_i32_0 = arith.constant 0 : i32
    return %arg0, %c0_i32 : i32, i32
  }
  func.func @transform_9(%arg0: i32) -> (i32, i32) {
    %c0_i32 = arith.constant 0 : i32
    %c0_i32_0 = arith.constant 0 : i32
    return %arg0, %c0_i32 : i32, i32
  }
}

module attributes {stable_mosaic.version = 14 : i64} {
  func.func @_tc_b2_body(%arg0: i32, %arg1: memref<1000x64xf32, #tpu.memory_space<vmem>>, %arg2: memref<64x64xf32, #tpu.memory_space<vmem>>, %arg3: memref<1x64xf32, #tpu.memory_space<vmem>>, %arg4: memref<1x64xf32, #tpu.memory_space<vmem>>, %arg5: memref<1000x64xf32, #tpu.memory_space<vmem>>) attributes {dimension_semantics = [#tpu.dimension_semantics<arbitrary>], iteration_bounds = array<i64: 10>, scalar_prefetch = 0 : i64, scratch_operands = 0 : i64, tpu.core_type = #tpu.core_type<tc>, window_params = [{transform_indices = @transform_0, window_bounds = array<i64: 1000, 64>}, {pipeline_mode = #tpu.pipeline_mode<synchronous>, transform_indices = @transform_1, window_bounds = array<i64: 64, 64>}, {pipeline_mode = #tpu.pipeline_mode<synchronous>, transform_indices = @transform_2, window_bounds = array<i64: 1, 64>}, {pipeline_mode = #tpu.pipeline_mode<synchronous>, transform_indices = @transform_3, window_bounds = array<i64: 1, 64>}, {transform_indices = @transform_4, window_bounds = array<i64: 1000, 64>}]} {
    %get3A = arith.constant 0 : index
    %get3A_0 = arith.constant 0 : index
    %get3A_1 = vector.load %arg1[%get3A, %get3A_0] : memref<1000x64xf32, #tpu.memory_space<vmem>>, vector<1000x64xf32>
    %get3A_2 = arith.constant 0 : index
    %get3A_3 = arith.constant 0 : index
    %get3A_4 = vector.load %arg2[%get3A_2, %get3A_3] : memref<64x64xf32, #tpu.memory_space<vmem>>, vector<64x64xf32>
    %dot_general3A = arith.constant dense<0.000000e+00> : vector<1000x64xf32>
    %dot_general3A_5 = tpu.matmul %get3A_1, %get3A_4, %dot_general3A {dimension_numbers = #tpu.dot_dimension_numbers<[1], [0], [0], [1], [0, 0, 1, 1], [], []>, transpose_lhs_hint = false} : vector<1000x64xf32>, vector<64x64xf32>, vector<1000x64xf32> -> vector<1000x64xf32>
    %get3A_6 = arith.constant 0 : index
    %get3A_7 = arith.constant 0 : index
    %get3A_8 = vector.load %arg3[%get3A_6, %get3A_7] : memref<1x64xf32, #tpu.memory_space<vmem>>, vector<1x64xf32>
    %add3A = vector.broadcast %get3A_8 : vector<1x64xf32> to vector<1000x64xf32>
    %add3A_9 = arith.addf %dot_general3A_5, %add3A : vector<1000x64xf32>
    %get3A_10 = arith.constant 0 : index
    %get3A_11 = arith.constant 0 : index
    %get3A_12 = vector.load %arg4[%get3A_10, %get3A_11] : memref<1x64xf32, #tpu.memory_space<vmem>>, vector<1x64xf32>
    %add3A_13 = vector.broadcast %get3A_12 : vector<1x64xf32> to vector<1000x64xf32>
    %add3A_14 = arith.addf %add3A_9, %add3A_13 : vector<1000x64xf32>
    %swap3A = arith.constant 0 : index
    %swap3A_15 = arith.constant 0 : index
    %swap3A_16 = vector.load %arg5[%swap3A, %swap3A_15] : memref<1000x64xf32, #tpu.memory_space<vmem>>, vector<1000x64xf32>
    tpu.vector_store %arg5[%swap3A, %swap3A_15], %add3A_14 {strides = array<i32>} : memref<1000x64xf32, #tpu.memory_space<vmem>>, vector<1000x64xf32>,
    return
  }
  func.func @transform_0(%arg0: i32) -> (i32, i32) {
    %c0_i32 = arith.constant 0 : i32
    %c0_i32_0 = arith.constant 0 : i32
    return %arg0, %c0_i32 : i32, i32
  }
  func.func @transform_1(%arg0: i32) -> (i32, i32) {
    %c0_i32 = arith.constant 0 : i32
    %c0_i32_0 = arith.constant 0 : i32
    %c0_i32_1 = arith.constant 0 : i32
    return %c0_i32, %c0_i32_0 : i32, i32
  }
  func.func @transform_2(%arg0: i32) -> (i32, i32) {
    %c0_i32 = arith.constant 0 : i32
    %c0_i32_0 = arith.constant 0 : i32
    %c0_i32_1 = arith.constant 0 : i32
    return %c0_i32, %c0_i32_0 : i32, i32
  }
  func.func @transform_3(%arg0: i32) -> (i32, i32) {
    %c0_i32 = arith.constant 0 : i32
    %c0_i32_0 = arith.constant 0 : i32
    %c0_i32_1 = arith.constant 0 : i32
    return %c0_i32, %c0_i32_0 : i32, i32
  }
  func.func @transform_4(%arg0: i32) -> (i32, i32) {
    %c0_i32 = arith.constant 0 : i32
    %c0_i32_0 = arith.constant 0 : i32
    return %arg0, %c0_i32 : i32, i32
  }
}

module attributes {stable_mosaic.version = 14 : i64} {
  func.func @_tc_c_body(%arg0: i32, %arg1: memref<1x1000x128xf32, #tpu.memory_space<vmem>>, %arg2: memref<1x1000x128xf32, #tpu.memory_space<vmem>>, %arg3: memref<1000x8xf32, #tpu.memory_space<vmem>>, %arg4: memref<1000x64xf32, #tpu.memory_space<vmem>>, %arg5: memref<1000x64xf32, #tpu.memory_space<vmem>>, %arg6: memref<1x64xf32, #tpu.memory_space<vmem>>, %arg7: memref<1x64xf32, #tpu.memory_space<vmem>>, %arg8: memref<64x128xf32, #tpu.memory_space<vmem>>, %arg9: memref<1x128xf32, #tpu.memory_space<vmem>>, %arg10: memref<1000x128xf32, #tpu.memory_space<vmem>>) attributes {dimension_semantics = [#tpu.dimension_semantics<arbitrary>], iteration_bounds = array<i64: 10>, scalar_prefetch = 0 : i64, scratch_operands = 0 : i64, tpu.core_type = #tpu.core_type<tc>, window_params = [{transform_indices = @transform_0, window_bounds = array<i64: 1, 1000, 128>}, {transform_indices = @transform_1, window_bounds = array<i64: 1, 1000, 128>}, {transform_indices = @transform_2, window_bounds = array<i64: 1000, 8>}, {transform_indices = @transform_3, window_bounds = array<i64: 1000, 64>}, {transform_indices = @transform_4, window_bounds = array<i64: 1000, 64>}, {pipeline_mode = #tpu.pipeline_mode<synchronous>, transform_indices = @transform_5, window_bounds = array<i64: 1, 64>}, {pipeline_mode = #tpu.pipeline_mode<synchronous>, transform_indices = @transform_6, window_bounds = array<i64: 1, 64>}, {pipeline_mode = #tpu.pipeline_mode<synchronous>, transform_indices = @transform_7, window_bounds = array<i64: 64, 128>}, {pipeline_mode = #tpu.pipeline_mode<synchronous>, transform_indices = @transform_8, window_bounds = array<i64: 1, 128>}, {transform_indices = @transform_9, window_bounds = array<i64: 1000, 128>}]} {
    %get3A = arith.constant 0 : index
    %get3A_0 = arith.constant 0 : index
    %get3A_1 = arith.constant 0 : index
    %get3A_2 = vector.load %arg1[%get3A, %get3A_0, %get3A_1] : memref<1x1000x128xf32, #tpu.memory_space<vmem>>, vector<1x1000x128xf32>
    %get3A_3 = vector.shape_cast %get3A_2 : vector<1x1000x128xf32> to vector<1000x128xf32>
    %slice3A = vector.extract_strided_slice %get3A_3 {offsets = [0, 0], sizes = [1000, 64], strides = [1, 1]} : vector<1000x128xf32> to vector<1000x64xf32>
    %get3A_4 = arith.constant 0 : index
    %get3A_5 = arith.constant 0 : index
    %get3A_6 = arith.constant 0 : index
    %get3A_7 = vector.load %arg2[%get3A_4, %get3A_5, %get3A_6] : memref<1x1000x128xf32, #tpu.memory_space<vmem>>, vector<1x1000x128xf32>
    %get3A_8 = vector.shape_cast %get3A_7 : vector<1x1000x128xf32> to vector<1000x128xf32>
    %slice3A_9 = vector.extract_strided_slice %get3A_8 {offsets = [0, 0], sizes = [1000, 64], strides = [1, 1]} : vector<1000x128xf32> to vector<1000x64xf32>
    %add3A = arith.addf %slice3A, %slice3A_9 : vector<1000x64xf32>
    %get3A_10 = arith.constant 0 : index
    %get3A_11 = arith.constant 0 : index
    %get3A_12 = vector.load %arg3[%get3A_10, %get3A_11] : memref<1000x8xf32, #tpu.memory_space<vmem>>, vector<1000x1xf32>
    %mul3A = vector.broadcast %get3A_12 : vector<1000x1xf32> to vector<1000x64xf32>
    %mul3A_13 = arith.mulf %add3A, %mul3A : vector<1000x64xf32>
    %get3A_14 = arith.constant 0 : index
    %get3A_15 = arith.constant 0 : index
    %get3A_16 = vector.load %arg4[%get3A_14, %get3A_15] : memref<1000x64xf32, #tpu.memory_space<vmem>>, vector<1000x64xf32>
    %add3A_17 = arith.addf %mul3A_13, %get3A_16 : vector<1000x64xf32>
    %get3A_18 = arith.constant 0 : index
    %get3A_19 = arith.constant 0 : index
    %get3A_20 = vector.load %arg6[%get3A_18, %get3A_19] : memref<1x64xf32, #tpu.memory_space<vmem>>, vector<1x64xf32>
    %get3A_21 = arith.constant 0 : index
    %get3A_22 = arith.constant 0 : index
    %get3A_23 = vector.load %arg7[%get3A_21, %get3A_22] : memref<1x64xf32, #tpu.memory_space<vmem>>, vector<1x64xf32>
    %reduce_sum3A = arith.constant dense<0.000000e+00> : vector<1000xf32>
    %reduce_sum3A_24 = vector.multi_reduction <add>, %add3A_17, %reduce_sum3A [1] : vector<1000x64xf32> to vector<1000xf32>
    %broadcast_in_dim3A = vector.shape_cast %reduce_sum3A_24 : vector<1000xf32> to vector<1000x1xf32>
    %div3A = arith.constant 6.400000e+01 : f32
    %div3A_25 = vector.broadcast %div3A : f32 to vector<1000x1xf32>
    %div3A_26 = arith.divf %broadcast_in_dim3A, %div3A_25 : vector<1000x1xf32>
    %sub3A = vector.broadcast %div3A_26 : vector<1000x1xf32> to vector<1000x64xf32>
    %sub3A_27 = arith.subf %add3A_17, %sub3A : vector<1000x64xf32>
    %sub3A_28 = vector.broadcast %div3A_26 : vector<1000x1xf32> to vector<1000x64xf32>
    %sub3A_29 = arith.subf %add3A_17, %sub3A_28 : vector<1000x64xf32>
    %mul3A_30 = arith.mulf %sub3A_27, %sub3A_29 : vector<1000x64xf32>
    %reduce_sum3A_31 = arith.constant dense<0.000000e+00> : vector<1000xf32>
    %reduce_sum3A_32 = vector.multi_reduction <add>, %mul3A_30, %reduce_sum3A_31 [1] : vector<1000x64xf32> to vector<1000xf32>
    %broadcast_in_dim3A_33 = vector.shape_cast %reduce_sum3A_32 : vector<1000xf32> to vector<1000x1xf32>
    %div3A_34 = arith.constant 6.400000e+01 : f32
    %div3A_35 = vector.broadcast %div3A_34 : f32 to vector<1000x1xf32>
    %div3A_36 = arith.divf %broadcast_in_dim3A_33, %div3A_35 : vector<1000x1xf32>
    %sub3A_37 = vector.broadcast %div3A_26 : vector<1000x1xf32> to vector<1000x64xf32>
    %sub3A_38 = arith.subf %add3A_17, %sub3A_37 : vector<1000x64xf32>
    %add3A_39 = arith.constant 9.99999974E-6 : f32
    %add3A_40 = vector.broadcast %add3A_39 : f32 to vector<1000x1xf32>
    %add3A_41 = arith.addf %div3A_36, %add3A_40 : vector<1000x1xf32>
    %rsqrt3A = math.rsqrt %add3A_41 : vector<1000x1xf32>
    %mul3A_42 = vector.broadcast %rsqrt3A : vector<1000x1xf32> to vector<1000x64xf32>
    %mul3A_43 = arith.mulf %sub3A_38, %mul3A_42 : vector<1000x64xf32>
    %mul3A_44 = vector.broadcast %get3A_20 : vector<1x64xf32> to vector<1000x64xf32>
    %mul3A_45 = arith.mulf %mul3A_43, %mul3A_44 : vector<1000x64xf32>
    %add3A_46 = vector.broadcast %get3A_23 : vector<1x64xf32> to vector<1000x64xf32>
    %add3A_47 = arith.addf %mul3A_45, %add3A_46 : vector<1000x64xf32>
    %max3A = arith.constant 0.000000e+00 : f32
    %max3A_48 = vector.broadcast %max3A : f32 to vector<1000x64xf32>
    %max3A_49 = arith.maximumf %add3A_47, %max3A_48 : vector<1000x64xf32>
    %get3A_50 = arith.constant 0 : index
    %get3A_51 = arith.constant 0 : index
    %get3A_52 = vector.load %arg5[%get3A_50, %get3A_51] : memref<1000x64xf32, #tpu.memory_space<vmem>>, vector<1000x64xf32>
    %add3A_53 = arith.addf %get3A_52, %max3A_49 : vector<1000x64xf32>
    %get3A_54 = arith.constant 0 : index
    %get3A_55 = arith.constant 0 : index
    %get3A_56 = vector.load %arg8[%get3A_54, %get3A_55] : memref<64x128xf32, #tpu.memory_space<vmem>>, vector<64x128xf32>
    %dot_general3A = arith.constant dense<0.000000e+00> : vector<1000x128xf32>
    %dot_general3A_57 = tpu.matmul %add3A_53, %get3A_56, %dot_general3A {dimension_numbers = #tpu.dot_dimension_numbers<[1], [0], [0], [1], [0, 0, 1, 1], [], []>, transpose_lhs_hint = false} : vector<1000x64xf32>, vector<64x128xf32>, vector<1000x128xf32> -> vector<1000x128xf32>
    %get3A_58 = arith.constant 0 : index
    %get3A_59 = arith.constant 0 : index
    %get3A_60 = vector.load %arg9[%get3A_58, %get3A_59] : memref<1x128xf32, #tpu.memory_space<vmem>>, vector<1x128xf32>
    %add3A_61 = vector.broadcast %get3A_60 : vector<1x128xf32> to vector<1000x128xf32>
    %add3A_62 = arith.addf %dot_general3A_57, %add3A_61 : vector<1000x128xf32>
    %swap3A = arith.constant 0 : index
    %swap3A_63 = arith.constant 0 : index
    %swap3A_64 = vector.load %arg10[%swap3A, %swap3A_63] : memref<1000x128xf32, #tpu.memory_space<vmem>>, vector<1000x128xf32>
    tpu.vector_store %arg10[%swap3A, %swap3A_63], %add3A_62 {strides = array<i32>} : memref<1000x128xf32, #tpu.memory_space<vmem>>, vector<1000x128xf32>,
    return
  }
  func.func @transform_0(%arg0: i32) -> (i32, i32, i32) {
    %c0_i32 = arith.constant 0 : i32
    %c0_i32_0 = arith.constant 0 : i32
    %c0_i32_1 = arith.constant 0 : i32
    return %c0_i32, %arg0, %c0_i32_0 : i32, i32, i32
  }
  func.func @transform_1(%arg0: i32) -> (i32, i32, i32) {
    %c1_i32 = arith.constant 1 : i32
    %c0_i32 = arith.constant 0 : i32
    %c0_i32_0 = arith.constant 0 : i32
    return %c1_i32, %arg0, %c0_i32 : i32, i32, i32
  }
  func.func @transform_2(%arg0: i32) -> (i32, i32) {
    %c0_i32 = arith.constant 0 : i32
    %c0_i32_0 = arith.constant 0 : i32
    return %arg0, %c0_i32 : i32, i32
  }
  func.func @transform_3(%arg0: i32) -> (i32, i32) {
    %c0_i32 = arith.constant 0 : i32
    %c0_i32_0 = arith.constant 0 : i32
    return %arg0, %c0_i32 : i32, i32
  }
  func.func @transform_4(%arg0: i32) -> (i32, i32) {
    %c0_i32 = arith.constant 0 : i32
    %c0_i32_0 = arith.constant 0 : i32
    return %arg0, %c0_i32 : i32, i32
  }
  func.func @transform_5(%arg0: i32) -> (i32, i32) {
    %c0_i32 = arith.constant 0 : i32
    %c0_i32_0 = arith.constant 0 : i32
    %c0_i32_1 = arith.constant 0 : i32
    return %c0_i32, %c0_i32_0 : i32, i32
  }
  func.func @transform_6(%arg0: i32) -> (i32, i32) {
    %c0_i32 = arith.constant 0 : i32
    %c0_i32_0 = arith.constant 0 : i32
    %c0_i32_1 = arith.constant 0 : i32
    return %c0_i32, %c0_i32_0 : i32, i32
  }
  func.func @transform_7(%arg0: i32) -> (i32, i32) {
    %c0_i32 = arith.constant 0 : i32
    %c0_i32_0 = arith.constant 0 : i32
    %c0_i32_1 = arith.constant 0 : i32
    return %c0_i32, %c0_i32_0 : i32, i32
  }
  func.func @transform_8(%arg0: i32) -> (i32, i32) {
    %c0_i32 = arith.constant 0 : i32
    %c0_i32_0 = arith.constant 0 : i32
    %c0_i32_1 = arith.constant 0 : i32
    return %c0_i32, %c0_i32_0 : i32, i32
  }
  func.func @transform_9(%arg0: i32) -> (i32, i32) {
    %c0_i32 = arith.constant 0 : i32
    %c0_i32_0 = arith.constant 0 : i32
    return %arg0, %c0_i32 : i32, i32
  }
}

</mosaic_0001>

<sc_bundles>
// kernel: kernel.12.cloned.1.call-start
scs
__scs_entry_jumppad:
0x0: {  	(pc) =	sbr.rel $0x88, $3  }
0x1: {  	(tag) =	ssettag $0x0;
	lr =	simm.s32 $0x1  }
0x2: {  	[smem:$0x3F8F] =	sst lr;
	_ =	strace $0xD0000000  }
0x3: {  	_ = 	snop  }
0x4: {  	_ = 	snop  }
0x5: {  	_ = 	snop  }
0x6: {  	_ = 	snop  }
0x7: {  	_ = 	snop  }
__scs_overlays_trampoline_lowered:
0x8: {  	[smem:$0x3F9E] =	sst s0  }
0x9: {  	[smem:$0x3F9F] =	sst s1  }
0xa: {  	[smem:$0x3FA0] =	sst s2  }
0xb: {  	[smem:$0x3FA1] =	sst s3  }
0xc: {  	[smem:$0x3FA2] =	sst s4  }
0xd: {  	[smem:$0x3FA3] =	sst s5  }
0xe: {  	[smem:$0x3FA4] =	sst s6  }
0xf: {  	[smem:$0x3FA5] =	sst s7  }
0x10: {  	[smem:$0x3FA6] =	sst s8  }
0x11: {  	[smem:$0x3FA7] =	sst s9;
	s0 =	simm.s32 @!p0 $0x0  }
0x12: {  	s1 =	sld [smem:$0x3F8D];
	s0 =	simm.s32 @p0 $0x1  }
0x13: {  	[smem:$0x3FA8] =	sst s0;
	s0 =	simm.s32 @!p1 $0x0  }
0x14: {  	s2 =	sld [smem:$0x3F8C];
	s0 =	simm.s32 @p1 $0x1  }
0x15: {  	[smem:$0x3FA9] =	sst s0;
	s0 =	simm.s32 @!p2 $0x0  }
0x16: {  	s3 =	sld [smem:$0x3FDB];
	s0 =	simm.s32 @p2 $0x1  }
0x17: {  	s4 =	simm.s32 $0x1BF5;
	[smem:$0x3FAB] =	sst s0  }
0x18: {  	s0 =	sld [smem:$0x3F8E];
	_ =	swait.ge [sflag:s4], $0x0  }
0x19: {  	s7 =	sld [smem:$0x3F8F]  }
0x1a: {  	s8 =	sadd.s32 $0xFFFFE003, lr  }
0x1b: {  	s9 =	sadd.s32 $0xFFFFFEF7, lr;
	s5 =	simm.s32 $0xFFFFFFFF;
	p2 =	slt.u32 s8, $0xFFFFF086  }
0x1c: {  	p1 =	slt.u32 s9, $0xF7A;
	s5 =	simm.s32 @!p2 $0x0  }
0x1d: {  	s5 =	simm.s32 @p1 $0x1;
	p0 =	seq.s32 s7, s2  }
0x1e: {  	s7 =	smul.u32 @!p0 $0xF7A, s2;
	p2 =	seq.s32 @!p0 s5, $0x0  }
0x1f: {  	s9 =	smul.u32 $0xF7A, s1;
	s8 =	simm.s32 @!p0 $0x1BF5;
	p2 =	por !p2, p0  }
0x20: {  	[sflag:s8] =	ssyncset.s32 @!p0 $0xFFFFF086;
	s6 =	sadd.s32 @!p0 s3, s7;
	s7 =	simm.s32 @!p0 $0x108  }
0x21: {  	s3 =	sadd.s32 s3, s9;
	s6 =	sadd.s32 @!p0 $0x88, s6;
	s7 =	simm.s32 @p2 $0x1082  }
0x22: {  	[simem:s7], [sflag:s8] =	dma.local @!p0 [hbm:s6], $0xF7A  }
0x23: {  	s9 =	sor.u32 $0xD0000000, s2;
	s6 =	simm.s32 $0x108;
	_ =	swait.ge @!p0 [sflag:s8], $0x0  }
0x24: {  	s3 =	sadd.s32 $0x88, s3;
	s6 =	simm.s32 @!p1 $0x1082;
	[sflag:s4] =	ssyncset.s32 $0xFFFFF086  }
0x25: {  	[simem:s6], [sflag:s4] =	dma.local [hbm:s3], $0xF7A  }
0x26: {  	[smem:$0x3F8F] =	sst s1;
	(tag) =	ssettag s2;
	_ =	strace s9  }
0x27: {  	s1 =	sld [smem:$0x3F9F]  }
0x28: {  	s2 =	sld [smem:$0x3FA0]  }
0x29: {  	s4 =	sld [smem:$0x3FA2]  }
0x2a: {  	p0 =	seq.s32 s5, $0x0;
	s5 =	sld [smem:$0x3FA3]  }
0x2b: {  	s6 =	sld [smem:$0x3FA4]  }
0x2c: {  	s7 =	sld [smem:$0x3FA5]  }
0x2d: {  	s3 =	simm.s32 $0x108;
	s8 =	sld [smem:$0x3FA6]  }
0x2e: {  	s3 =	simm.s32 @!p0 $0x1082;
	s9 =	sld [smem:$0x3FA7]  }
0x2f: {  	lr =	sadd.s32 s0, s3;
	s0 =	sld [smem:$0x3F9E]  }
0x30: {  	s3 =	sld [smem:$0x3FA1]  }
0x31: {  	[smem:$0x3FAA] =	sst s10  }
0x32: {  	s10 =	sld [smem:$0x3FA8];
	_ =	sdelay $0x3  }
0x33: {  	p0 =	seq.s32 s10, $0x1;
	s10 =	sld [smem:$0x3FAA];
	_ =	sdelay $0x3  }
0x34: {  	[smem:$0x3FAA] =	sst s10  }
0x35: {  	s10 =	sld [smem:$0x3FA9];
	_ =	sdelay $0x3  }
0x36: {  	p1 =	seq.s32 s10, $0x1;
	s10 =	sld [smem:$0x3FAA];
	_ =	sdelay $0x3  }
0x37: {  	[smem:$0x3FAA] =	sst s10  }
0x38: {  	s10 =	sld [smem:$0x3FAB]  }
0x39: {  	_ = 	snop;
	(pc) =	sbr.ind lr, $3  }
0x3a: {  	_ = 	snop  }
0x3b: {  	_ = 	snop  }
0x3c: {  	p2 =	seq.s32 s10, $0x1;
	s10 =	sld [smem:$0x3FAA]  }
0x3d: {  	_ =	shalt  }
0x3e: {  	_ =	shalt  }
0x3f: {  	_ =	shalt  }
0x40: {  	_ =	shalt  }
0x41: {  	_ =	shalt  }
0x42: {  	_ =	shalt  }
0x43: {  	_ =	shalt  }
0x44: {  	_ =	shalt  }
0x45: {  	_ =	shalt  }
0x46: {  	_ =	shalt  }
0x47: {  	_ =	shalt  }
0x48: {  	_ =	shalt  }
0x49: {  	_ =	shalt  }
0x4a: {  	_ =	shalt  }
0x4b: {  	_ =	shalt  }
0x4c: {  	_ =	shalt  }
0x4d: {  	_ =	shalt  }
0x4e: {  	_ =	shalt  }
0x4f: {  	_ =	shalt  }
0x50: {  	_ =	shalt  }
0x51: {  	_ =	shalt  }
0x52: {  	_ =	shalt  }
0x53: {  	_ =	shalt  }
0x54: {  	_ =	shalt  }
0x55: {  	_ =	shalt  }
0x56: {  	_ =	shalt  }
0x57: {  	_ =	shalt  }
0x58: {  	_ =	shalt  }
0x59: {  	_ =	shalt  }
0x5a: {  	_ =	shalt  }
0x5b: {  	_ =	shalt  }
0x5c: {  	_ =	shalt  }
0x5d: {  	_ =	shalt  }
0x5e: {  	_ =	shalt  }
0x5f: {  	_ =	shalt  }
0x60: {  	_ =	shalt  }
0x61: {  	_ =	shalt  }
0x62: {  	_ =	shalt  }
0x63: {  	_ =	shalt  }
0x64: {  	_ =	shalt  }
0x65: {  	_ =	shalt  }
0x66: {  	_ =	shalt  }
0x67: {  	_ =	shalt  }
0x68: {  	_ =	shalt  }
0x69: {  	_ =	shalt  }
0x6a: {  	_ =	shalt  }
0x6b: {  	_ =	shalt  }
0x6c: {  	_ =	shalt  }
0x6d: {  	_ =	shalt  }
0x6e: {  	_ =	shalt  }
0x6f: {  	_ =	shalt  }
0x70: {  	_ =	shalt  }
0x71: {  	_ =	shalt  }
0x72: {  	_ =	shalt  }
0x73: {  	_ =	shalt  }
0x74: {  	_ =	shalt  }
0x75: {  	_ =	shalt  }
0x76: {  	_ =	shalt  }
0x77: {  	_ =	shalt  }
0x78: {  	_ =	shalt  }
0x79: {  	_ =	shalt  }
0x7a: {  	_ =	shalt  }
0x7b: {  	_ =	shalt  }
0x7c: {  	_ =	shalt  }
0x7d: {  	_ =	shalt  }
0x7e: {  	_ =	shalt  }
0x7f: {  	_ =	shalt  }
0x80: {  	_ =	shalt  }
0x81: {  	_ =	shalt  }
0x82: {  	_ =	shalt  }
0x83: {  	_ =	shalt  }
0x84: {  	_ =	shalt  }
0x85: {  	_ =	shalt  }
0x86: {  	_ =	shalt  }
0x87: {  	_ =	shalt  }
.Lfunc_end0:
.L_simem_size_0:
called_computation.1_lowered:
.L_overlay_start_0:
0x88: {  	s2 =	sld [smem:$0x3FD9]  }
0x89: {  	s3 =	sld [smem:$0x3FFE];
	_ =	sdelay $0x1  }
0x8a: {  	s1 =	srdreg.scid  }
0x8b: {  	s0 =	sand.u32 $0x1, s1  }
0x8c: {  	s17 =	sshll.u32 s0, $0xA;
	s2 =	sadd.s32 s3, s2  }
0x8d: {  	s2 =	sadd.s32 s2, s17  }
0x8e: {  	[smem:$0x3FB6] =	sst s2  }
0x8f: {  	_ = 	snop  }
0x90: {  	s2 =	sld [smem:$0x3FD0];
	(tm) =	ssettm $0x1  }
0x91: {  	s18 =	sld [smem:$0x3FFB];
	_ =	sdelay $0x3  }
0x92: {  	_ =	strace s18  }
0x93: {  	s3 =	sld [smem:$0x3FFC];
	_ =	sdelay $0x3  }
0x94: {  	_ =	strace s3  }
0x95: {  	s3 =	sld [smem:$0x3FFD];
	_ =	sdelay $0x3  }
0x96: {  	_ =	strace s3  }
0x97: {  	_ =	strace $0x8FFFFFFF  }
0x98: {  	s19 =	sld [smem:$0x3FDB];
	_ =	sdelay $0x1  }
0x99: {  	s4 =	simm.s32 $_scs_section_size  }
0x9a: {  	s5 =	simm.s32 $_size__tile_overlayer_lowered;
	s6 =	simm.s32 $_tile_overlayer_lowered  }
0x9b: {  	s22 =	simm.s32 $0x1BFF;
	s21 =	sshll.u32 s6, $0x1;
	s3 =	sadd.s32 s4, s19  }
0x9c: {  	s7 =	simm.s32 $0x0;
	s20 =	sshll.u32 s5, $0x1;
	s5 =	sadd.s32 s21, s3  }
0x9d: {  	[timem:s7], [sflag:s22] =	dma.local [hbm:s5], s20  }
0x9e: {  	_ =	swait.ge [sflag:s22], s20  }
0x9f: {  	s4 =	ssub.s32 $0x0, s20;
	[sflag:s22] =	ssyncset.done $0x0  }
0xa0: {  	[sflag:s22] =	ssyncadd.s32 s4;
	_ =	sdelay $0x1  }
0xa1: {  	s23 =	simm.s32 $0x1B8B  }
0xa2: {  	_ =	swait.ge [sflag:s23], $0x1  }
0xa3: {  	[sflag:s23] =	ssyncset.done $0x0  }
0xa4: {  	s25 =	simm.s32 $0x1B8E;
	s24 =	sld [smem:$0x3FFE];
	[sflag:s23] =	ssyncadd.s32 $0xFFFFFFFF  }
0xa5: {  	s26 =	simm.s32 $execute0_lowered;
	[smem:$0x3FD2] =	sst s25  }
0xa6: {  	s5 =	sshll.u32 s26, $0x1;
	_ =	strace $0x80000049;
	[dreg:$0x1] =	wrdreg $0xFFFFFFFF  }
0xa7: {  	s28 =	simm.s32 $_size_execute0_lowered;
	s3 =	sadd.s32 s3, s5;
	[dreg:$0x0] =	wrdreg $0x0  }
0xa8: {  	s5 =	sshll.u32 s28, $0x1;
	[dreg:$0x2] =	wrdreg s3  }
0xa9: {  	[dreg:$0x3] =	wrdreg s5  }
0xaa: {  	[dreg:$0x4] =	wrdreg $0xC0  }
0xab: {  	_ =	task [dreg:s7], $0x5FFFF  }
0xac: {  	[dreg:$0x1] =	wrdreg $0xFFFFFFFF  }
0xad: {  	[dreg:$0x0] =	wrdreg $0x60  }
0xae: {  	[dreg:$0x2] =	wrdreg s2  }
0xaf: {  	[dreg:$0x3] =	wrdreg s24  }
0xb0: {  	[dreg:$0x4] =	wrdreg $0xC6200  }
0xb1: {  	[dreg:$0x5] =	wrdreg $0x9  }
0xb2: {  	_ =	task.clear_ibuf [dreg:s7], $0x6FFFF;
	_ =	strace $0x90000049  }
0xb3: {  	s29 =	simm.s32 $0x9;
	_ =	strace $0x8000004B  }
0xb4: {  	_ =	swait.ge [sflag:s29], $0x1  }
0xb5: {  	[sflag:s29] =	ssyncadd.s32 $0xFFFFFFFF  }
0xb6: {  	_ =	strace $0x9000004B  }
0xb7: {  	_ =	sfence  }
0xb8: {  	s30 =	sld [smem:$0x0];
	_ =	sdelay $0x2  }
0xb9: {  	s31 =	sshll.u32 s1, $0xD;
	s1 =	sshrl.u32 s1, $0x2  }
0xba: {  	s3 =	sand.u32 $0x4000, s31;
	s1 =	sadd.s32 s1, s30  }
0xbb: {  	s0 =	sor.u32 s3, s0;
	s1 =	sshll.u32 s1, $0x11  }
0xbc: {  	s0 =	sor.u32 s1, s0  }
0xbd: {  	s0 =	sadd.s32 $0x8F2B, s0  }
0xbe: {  	[sflag:s0] =	ssyncadd.remote.s32 $0x1  }
0xbf: {  	_ =	sfence.sel $0xFFFF  }
0xc0: {  	[dreg:$0x0] =	wrdreg $0xFFFFFFFF;
	(pc) =	sbr.abs _section_cstart, $3  }
0xc1: {  	[dreg:$0x1] =	wrdreg $0xFFFFFFFF  }
0xc2: {  	_ =	task.clear_ibuf [dreg:s7], $0x2FFFF;
	_ =	strace $0x9FFFFFFF  }
0xc3: {  	(tm) =	ssettm $0x7FFFFFFF  }
tec
execute0_lowered:
.L_overlay_start_1:
0x0: {  	(tag) =	ssettag $0x1  }
0x1: {  	s0 =	srdreg.scid;
	s2 =	rddreg [dreg:$0x0]  }
0x2: {  	s17 =	stileid.u32;
	s6 =	rddreg [dreg:$0x1]  }
0x3: {  	s3 =	rddreg [dreg:$0x2];
	s4 =	simm.s32 $0x0;
	s13 =	simm.s32 $0x4E20  }
0x4: {  	s14 =	simm.s32 $0x6220;
	s16 =	simm.s32 $0x7620;
	s18 =	simm.s32 $0x8A20  }
0x5: {  	s20 =	simm.s32 $0x9E20;
	s23 =	simm.s32 $0xB220;
	s24 =	simm.s32 $0x1  }
0x6: {  	s28 =	simm.s32 $0x4;
	s29 =	simm.s32 $0x5;
	s30 =	simm.s32 $0x6  }
0x7: {  	s19 =	simm.s32 $0x8;
	s31 =	simm.s32 $0x0;
	s7 =	smul.u32 $0xA000, s17  }
0x8: {  	s0 =	sand.u32 $0x1, s0;
	s5 =	smul.u32 $0x2800, s17;
	[smem:$0x7FF] =	sst s4  }
0x9: {  	s12 =	sadd.s32 $0xC840, s6;
	s26 =	sshll.u32 s17, $0x6;
	s1 =	sshll.u32 s0, $0x4  }
0xa: {  	s8 =	smul.u32 $0x28000, s0;
	_ =	strace $0x8000004A;
	s0 =	ssub.s32 $0x2, s0  }
0xb: {  	s21 =	sor.u32 $0x1C07, s26;
	s26 =	simm.s32 $0x3;
	s1 =	sor.u32 s17, s1  }
0xc: {  	s10 =	sshrl.u32 s7, $0x3;
	s25 =	sshrl.u32 s0, $0x1;
	s15 =	sadd.s32 s7, s3  }
0xd: {  	s1 =	smul.u32 $0x4E2, s1;
	s5 =	sadd.s32 s5, s8;
	s10 =	sadd.s32 s10, s6  }
0xe: {  	s0 =	ssub.s32 s0, s25;
	s22 =	sshrl.u32 s15, $0x3;
	s25 =	simm.s32 $0x2  }
0xf: {  	s11 =	sadd.s32 s5, s6;
	s8 =	smax.u32 s0, $0x1;
	s9 =	sadd.s32 s1, s6  }
0x10: {  	s6 =	sadd.s32 $0x2C800, s10;
	s7 =	sadd.s32 $0x40800, s11;
	s10 =	sadd.s32 s1, s12  }
0x11: {  	s12 =	simm.s32 $0x50;
	s5 =	sadd.s32 $0x2C00, s9;
	s9 =	simm.s32 $0x7  }
.LBB2_1:
0x12: {  	[tilespmem:s4], [sflag:$0x7] =	stream.linear.gather [hbm4b:s5+s4], $0x2710, $0x38;
	[tilespmem:$0x16620] =	vst v63  }
0x13: {  	_ =	swait.ge [sflag:s9], $0x2710  }
0x14: {  	[sflag:s9] =	ssyncset.done $0x0  }
0x15: {  	s0 =	simm.s32 $0x2710;
	[sflag:s9] =	ssyncadd.s32 $0xFFFFD8F0  }
0x16: {  	[tilespmem:s0], [sflag:$0x7] =	stream.linear.gather [hbm4b:s10+s4], $0x2710, $0x38;
	[tilespmem:$0x16620] =	vst v63  }
0x17: {  	_ =	swait.ge [sflag:s9], $0x2710  }
0x18: {  	[sflag:s9] =	ssyncset.done $0x0  }
0x19: {  	[sflag:s9] =	ssyncadd.s32 $0xFFFFD8F0  }
0x1a: {  	[tilespmem:s13], [sflag:$0x1] =	stream.indirect.gather [hbm4b:s2+s12], $0x40, s4, s12, $0xb8;
	[tilespmem:$0x16620] =	vst v63  }
0x1b: {  	_ = 	snop  }
0x1c: {  	[tilespmem:s14], [sflag:$0x2] =	stream.indirect.gather [hbm4b:s2+s12], $0x40, s12, s12, $0xb8;
	[tilespmem:$0x16620] =	vst v63  }
0x1d: {  	s11 =	simm.s32 $0xA0  }
0x1e: {  	[tilespmem:s16], [sflag:$0x3] =	stream.indirect.gather [hbm4b:s2+s12], $0x40, s11, s12, $0xb8;
	[tilespmem:$0x16620] =	vst v63  }
0x1f: {  	s15 =	simm.s32 $0xF0  }
0x20: {  	[tilespmem:s18], [sflag:$0x4] =	stream.indirect.gather [hbm4b:s2+s12], $0x40, s15, s12, $0xb8;
	[tilespmem:$0x16620] =	vst v63  }
0x21: {  	s17 =	simm.s32 $0x140  }
0x22: {  	[tilespmem:s20], [sflag:$0x5] =	stream.indirect.gather [hbm4b:s2+s12], $0x40, s17, s12, $0xb8;
	[tilespmem:$0x16620] =	vst v63  }
0x23: {  	[spmem:s22], [sflag:s21] =	dma.local [hbm:s6], $0x1400  }
0x24: {  	_ =	swait.ge [sflag:s9], $0x1400  }
0x25: {  	[sflag:s9] =	ssyncset.done $0x0  }
0x26: {  	[sflag:s9] =	ssyncadd.s32 $0xFFFFEC00  }
0x27: {  	s1 =	simm.s32 $0x190;
	[bflag:$0x0] =	sbarrier.arrive $0xFFFF  }
0x28: {  	[tilespmem:s23], [sflag:$0x6] =	stream.indirect.gather [hbm4b:s2+s12], $0x40, s1, s12, $0xb8;
	[tilespmem:$0x16620] =	vst v63  }
0x29: {  	_ =	swait.ge [sflag:s24], $0x1400  }
0x2a: {  	[sflag:s24] =	ssyncset.done $0x0  }
0x2b: {  	s11 =	simm.s32 $0x2710;
	[sflag:s24] =	ssyncadd.s32 $0xFFFFEC00  }
0x2c: {  	[spmem:s3] =	stream.indirect.scatter.add.f32 [tilespmem:s13], [sflag:$0x7], $0x40, s11, s12, $0xb8;
	[tilespmem:$0x16620] =	vst v63  }
0x2d: {  	_ =	swait.ge [sflag:s9], $0x1400  }
0x2e: {  	[sflag:s9] =	ssyncset.done $0x0  }
0x2f: {  	s15 =	simm.s32 $0x1E0;
	[sflag:s9] =	ssyncadd.s32 $0xFFFFEC00  }
0x30: {  	[tilespmem:s13], [sflag:$0x1] =	stream.indirect.gather [hbm4b:s2+s12], $0x40, s15, s12, $0xb8;
	[tilespmem:$0x16620] =	vst v63  }
0x31: {  	_ =	swait.ge [sflag:s25], $0x1400  }
0x32: {  	[sflag:s25] =	ssyncset.done $0x0  }
0x33: {  	s17 =	simm.s32 $0x2760;
	[sflag:s25] =	ssyncadd.s32 $0xFFFFEC00  }
0x34: {  	[spmem:s3] =	stream.indirect.scatter.add.f32 [tilespmem:s14], [sflag:$0x7], $0x40, s17, s12, $0xb8;
	[tilespmem:$0x16620] =	vst v63  }
0x35: {  	_ =	swait.ge [sflag:s9], $0x1400  }
0x36: {  	[sflag:s9] =	ssyncset.done $0x0  }
0x37: {  	s1 =	simm.s32 $0x230;
	[sflag:s9] =	ssyncadd.s32 $0xFFFFEC00  }
0x38: {  	[tilespmem:s14], [sflag:$0x2] =	stream.indirect.gather [hbm4b:s2+s12], $0x40, s1, s12, $0xb8;
	[tilespmem:$0x16620] =	vst v63  }
0x39: {  	_ =	swait.ge [sflag:s26], $0x1400  }
0x3a: {  	[sflag:s26] =	ssyncset.done $0x0  }
0x3b: {  	s11 =	simm.s32 $0x27B0;
	[sflag:s26] =	ssyncadd.s32 $0xFFFFEC00  }
0x3c: {  	[spmem:s3] =	stream.indirect.scatter.add.f32 [tilespmem:s16], [sflag:$0x7], $0x40, s11, s12, $0xb8;
	[tilespmem:$0x16620] =	vst v63  }
0x3d: {  	_ =	swait.ge [sflag:s9], $0x1400  }
0x3e: {  	[sflag:s9] =	ssyncset.done $0x0  }
0x3f: {  	s15 =	simm.s32 $0x280;
	[sflag:s9] =	ssyncadd.s32 $0xFFFFEC00  }
0x40: {  	[tilespmem:s16], [sflag:$0x3] =	stream.indirect.gather [hbm4b:s2+s12], $0x40, s15, s12, $0xb8;
	[tilespmem:$0x16620] =	vst v63  }
0x41: {  	_ =	swait.ge [sflag:s28], $0x1400  }
0x42: {  	[sflag:s28] =	ssyncset.done $0x0  }
0x43: {  	s17 =	simm.s32 $0x2800;
	[sflag:s28] =	ssyncadd.s32 $0xFFFFEC00  }
0x44: {  	[spmem:s3] =	stream.indirect.scatter.add.f32 [tilespmem:s18], [sflag:$0x7], $0x40, s17, s12, $0xb8;
	[tilespmem:$0x16620] =	vst v63  }
0x45: {  	_ =	swait.ge [sflag:s9], $0x1400  }
0x46: {  	[sflag:s9] =	ssyncset.done $0x0  }
0x47: {  	s1 =	simm.s32 $0x2D0;
	[sflag:s9] =	ssyncadd.s32 $0xFFFFEC00  }
0x48: {  	[tilespmem:s18], [sflag:$0x4] =	stream.indirect.gather [hbm4b:s2+s12], $0x40, s1, s12, $0xb8;
	[tilespmem:$0x16620] =	vst v63  }
0x49: {  	_ =	swait.ge [sflag:s29], $0x1400  }
0x4a: {  	[sflag:s29] =	ssyncset.done $0x0  }
0x4b: {  	s11 =	simm.s32 $0x2850;
	[sflag:s29] =	ssyncadd.s32 $0xFFFFEC00  }
0x4c: {  	[spmem:s3] =	stream.indirect.scatter.add.f32 [tilespmem:s20], [sflag:$0x7], $0x40, s11, s12, $0xb8;
	[tilespmem:$0x16620] =	vst v63  }
0x4d: {  	_ =	swait.ge [sflag:s9], $0x1400  }
0x4e: {  	[sflag:s9] =	ssyncset.done $0x0  }
0x4f: {  	s15 =	simm.s32 $0x320;
	[sflag:s9] =	ssyncadd.s32 $0xFFFFEC00  }
0x50: {  	[tilespmem:s20], [sflag:$0x5] =	stream.indirect.gather [hbm4b:s2+s12], $0x40, s15, s12, $0xb8;
	[tilespmem:$0x16620] =	vst v63  }
0x51: {  	_ =	swait.ge [sflag:s30], $0x1400  }
0x52: {  	[sflag:s30] =	ssyncset.done $0x0  }
0x53: {  	s17 =	simm.s32 $0x28A0;
	[sflag:s30] =	ssyncadd.s32 $0xFFFFEC00  }
0x54: {  	[spmem:s3] =	stream.indirect.scatter.add.f32 [tilespmem:s23], [sflag:$0x7], $0x40, s17, s12, $0xb8;
	[tilespmem:$0x16620] =	vst v63  }
0x55: {  	_ =	swait.ge [sflag:s9], $0x1400  }
0x56: {  	s0 =	simm.s32 $0xF00;
	s1 =	simm.s32 $0x1E0;
	[sflag:s9] =	ssyncset.done $0x0  }
.LBB2_2:
0x57: {  	s17 =	sadd.s32 $0x190, s1  }
0x58: {  	[sflag:s9] =	ssyncadd.s32 $0xFFFFEC00;
	s11 =	smov.u32 s0;
	s15 =	sadd.s32 $0x780, s0  }
0x59: {  	[tilespmem:s23], [sflag:$0x6] =	stream.indirect.gather [hbm4b:s2+s12], $0x40, s17, s12, $0xb8;
	[tilespmem:$0x16620] =	vst v63  }
0x5a: {  	p0 =	sne.s32 s0, $0x8E80;
	_ =	swait.ge [sflag:s24], $0x1400  }
0x5b: {  	[sflag:s24] =	ssyncset.done $0x0  }
0x5c: {  	s0 =	sadd.s32 $0x2710, s1;
	[sflag:s24] =	ssyncadd.s32 $0xFFFFEC00  }
0x5d: {  	[spmem:s3] =	stream.indirect.scatter.add.f32 [tilespmem:s13], [sflag:$0x7], $0x40, s0, s12, $0xb8;
	[tilespmem:$0x16620] =	vst v63  }
0x5e: {  	_ =	swait.ge [sflag:s9], $0x1400  }
0x5f: {  	[sflag:s9] =	ssyncset.done $0x0  }
0x60: {  	s0 =	sadd.s32 $0x1E0, s1;
	[sflag:s9] =	ssyncadd.s32 $0xFFFFEC00  }
0x61: {  	[tilespmem:s13], [sflag:$0x1] =	stream.indirect.gather [hbm4b:s2+s12], $0x40, s0, s12, $0xb8;
	[tilespmem:$0x16620] =	vst v63  }
0x62: {  	_ =	swait.ge [sflag:s25], $0x1400  }
0x63: {  	[sflag:s25] =	ssyncset.done $0x0  }
0x64: {  	s0 =	sadd.s32 $0x2760, s1;
	[sflag:s25] =	ssyncadd.s32 $0xFFFFEC00  }
0x65: {  	[spmem:s3] =	stream.indirect.scatter.add.f32 [tilespmem:s14], [sflag:$0x7], $0x40, s0, s12, $0xb8;
	[tilespmem:$0x16620] =	vst v63  }
0x66: {  	_ =	swait.ge [sflag:s9], $0x1400  }
0x67: {  	[sflag:s9] =	ssyncset.done $0x0  }
0x68: {  	s0 =	sadd.s32 $0x230, s1;
	[sflag:s9] =	ssyncadd.s32 $0xFFFFEC00  }
0x69: {  	[tilespmem:s14], [sflag:$0x2] =	stream.indirect.gather [hbm4b:s2+s12], $0x40, s0, s12, $0xb8;
	[tilespmem:$0x16620] =	vst v63  }
0x6a: {  	_ =	swait.ge [sflag:s26], $0x1400  }
0x6b: {  	[sflag:s26] =	ssyncset.done $0x0  }
0x6c: {  	s0 =	sadd.s32 $0x27B0, s1;
	[sflag:s26] =	ssyncadd.s32 $0xFFFFEC00  }
0x6d: {  	[spmem:s3] =	stream.indirect.scatter.add.f32 [tilespmem:s16], [sflag:$0x7], $0x40, s0, s12, $0xb8;
	[tilespmem:$0x16620] =	vst v63  }
0x6e: {  	_ =	swait.ge [sflag:s9], $0x1400  }
0x6f: {  	[sflag:s9] =	ssyncset.done $0x0  }
0x70: {  	s0 =	sadd.s32 $0x280, s1;
	[sflag:s9] =	ssyncadd.s32 $0xFFFFEC00  }
0x71: {  	[tilespmem:s16], [sflag:$0x3] =	stream.indirect.gather [hbm4b:s2+s12], $0x40, s0, s12, $0xb8;
	[tilespmem:$0x16620] =	vst v63  }
0x72: {  	_ =	swait.ge [sflag:s28], $0x1400  }
0x73: {  	[sflag:s28] =	ssyncset.done $0x0  }
0x74: {  	s0 =	sadd.s32 $0x2800, s1;
	[sflag:s28] =	ssyncadd.s32 $0xFFFFEC00  }
0x75: {  	[spmem:s3] =	stream.indirect.scatter.add.f32 [tilespmem:s18], [sflag:$0x7], $0x40, s0, s12, $0xb8;
	[tilespmem:$0x16620] =	vst v63  }
0x76: {  	_ =	swait.ge [sflag:s9], $0x1400  }
0x77: {  	[sflag:s9] =	ssyncset.done $0x0  }
0x78: {  	s0 =	sadd.s32 $0x2D0, s1;
	[sflag:s9] =	ssyncadd.s32 $0xFFFFEC00  }
0x79: {  	[tilespmem:s18], [sflag:$0x4] =	stream.indirect.gather [hbm4b:s2+s12], $0x40, s0, s12, $0xb8;
	[tilespmem:$0x16620] =	vst v63  }
0x7a: {  	_ =	swait.ge [sflag:s29], $0x1400  }
0x7b: {  	[sflag:s29] =	ssyncset.done $0x0  }
0x7c: {  	s0 =	sadd.s32 $0x2850, s1;
	[sflag:s29] =	ssyncadd.s32 $0xFFFFEC00  }
0x7d: {  	[spmem:s3] =	stream.indirect.scatter.add.f32 [tilespmem:s20], [sflag:$0x7], $0x40, s0, s12, $0xb8;
	[tilespmem:$0x16620] =	vst v63  }
0x7e: {  	_ =	swait.ge [sflag:s9], $0x1400  }
0x7f: {  	[sflag:s9] =	ssyncset.done $0x0  }
0x80: {  	s0 =	sadd.s32 $0x320, s1;
	[sflag:s9] =	ssyncadd.s32 $0xFFFFEC00  }
0x81: {  	[tilespmem:s20], [sflag:$0x5] =	stream.indirect.gather [hbm4b:s2+s12], $0x40, s0, s12, $0xb8;
	[tilespmem:$0x16620] =	vst v63  }
0x82: {  	_ =	swait.ge [sflag:s30], $0x1400  }
.Ltmp0:
0x83: {  	[sflag:s30] =	ssyncset.done $0x0;
	(pc) =	sbr.rel @p0 .LBB2_2-.Ltmp0, $4  }
0x84: {  	s0 =	sadd.s32 $0x28A0, s1;
	[sflag:s30] =	ssyncadd.s32 $0xFFFFEC00  }
0x85: {  	[spmem:s3] =	stream.indirect.scatter.add.f32 [tilespmem:s23], [sflag:$0x7], $0x40, s0, s12, $0xb8;
	[tilespmem:$0x16620] =	vst v63  }
0x86: {  	_ =	swait.ge [sflag:s9], $0x1400  }
0x87: {  	s1 =	sshra.s32 s11, $0x2;
	s0 =	smov.u32 s15;
	[sflag:s9] =	ssyncset.done $0x0  }
0x88: {  	s0 =	sadd.s32 $0x190, s1;
	[sflag:s9] =	ssyncadd.s32 $0xFFFFEC00  }
0x89: {  	[tilespmem:s23], [sflag:$0x6] =	stream.indirect.gather [hbm4b:s2+s12], $0x40, s0, s12, $0xb8;
	[tilespmem:$0x16620] =	vst v63  }
0x8a: {  	_ =	swait.ge [sflag:s24], $0x1400  }
0x8b: {  	[sflag:s24] =	ssyncset.done $0x0  }
0x8c: {  	s17 =	sadd.s32 $0x2710, s1;
	[sflag:s24] =	ssyncadd.s32 $0xFFFFEC00  }
0x8d: {  	[spmem:s3] =	stream.indirect.scatter.add.f32 [tilespmem:s13], [sflag:$0x7], $0x40, s17, s12, $0xb8;
	[tilespmem:$0x16620] =	vst v63  }
0x8e: {  	_ =	swait.ge [sflag:s9], $0x1400  }
0x8f: {  	[sflag:s9] =	ssyncset.done $0x0  }
0x90: {  	s11 =	sadd.s32 $0x1E0, s1;
	[sflag:s9] =	ssyncadd.s32 $0xFFFFEC00  }
0x91: {  	[tilespmem:s13], [sflag:$0x1] =	stream.indirect.gather [hbm4b:s2+s12], $0x40, s11, s12, $0xb8;
	[tilespmem:$0x16620] =	vst v63  }
0x92: {  	_ =	swait.ge [sflag:s25], $0x1400  }
0x93: {  	[sflag:s25] =	ssyncset.done $0x0  }
0x94: {  	s15 =	sadd.s32 $0x2760, s1;
	[sflag:s25] =	ssyncadd.s32 $0xFFFFEC00  }
0x95: {  	[spmem:s3] =	stream.indirect.scatter.add.f32 [tilespmem:s14], [sflag:$0x7], $0x40, s15, s12, $0xb8;
	[tilespmem:$0x16620] =	vst v63  }
0x96: {  	_ =	swait.ge [sflag:s9], $0x1400  }
0x97: {  	[sflag:s9] =	ssyncset.done $0x0  }
0x98: {  	s17 =	sadd.s32 $0x230, s1;
	[sflag:s9] =	ssyncadd.s32 $0xFFFFEC00  }
0x99: {  	[tilespmem:s14], [sflag:$0x2] =	stream.indirect.gather [hbm4b:s2+s12], $0x40, s17, s12, $0xb8;
	[tilespmem:$0x16620] =	vst v63  }
0x9a: {  	_ =	swait.ge [sflag:s26], $0x1400  }
0x9b: {  	[sflag:s26] =	ssyncset.done $0x0  }
0x9c: {  	s11 =	sadd.s32 $0x27B0, s1;
	[sflag:s26] =	ssyncadd.s32 $0xFFFFEC00  }
0x9d: {  	[spmem:s3] =	stream.indirect.scatter.add.f32 [tilespmem:s16], [sflag:$0x7], $0x40, s11, s12, $0xb8;
	[tilespmem:$0x16620] =	vst v63  }
0x9e: {  	_ =	swait.ge [sflag:s9], $0x1400  }
0x9f: {  	[sflag:s9] =	ssyncset.done $0x0  }
0xa0: {  	s15 =	sadd.s32 $0x280, s1;
	[sflag:s9] =	ssyncadd.s32 $0xFFFFEC00  }
0xa1: {  	[tilespmem:s16], [sflag:$0x3] =	stream.indirect.gather [hbm4b:s2+s12], $0x40, s15, s12, $0xb8;
	[tilespmem:$0x16620] =	vst v63  }
0xa2: {  	_ =	swait.ge [sflag:s28], $0x1400  }
0xa3: {  	[sflag:s28] =	ssyncset.done $0x0  }
0xa4: {  	s17 =	sadd.s32 $0x2800, s1;
	[sflag:s28] =	ssyncadd.s32 $0xFFFFEC00  }
0xa5: {  	[spmem:s3] =	stream.indirect.scatter.add.f32 [tilespmem:s18], [sflag:$0x7], $0x40, s17, s12, $0xb8;
	[tilespmem:$0x16620] =	vst v63  }
0xa6: {  	_ =	swait.ge [sflag:s9], $0x1400  }
0xa7: {  	[sflag:s9] =	ssyncset.done $0x0  }
0xa8: {  	s11 =	sadd.s32 $0x2D0, s1;
	[sflag:s9] =	ssyncadd.s32 $0xFFFFEC00  }
0xa9: {  	[tilespmem:s18], [sflag:$0x4] =	stream.indirect.gather [hbm4b:s2+s12], $0x40, s11, s12, $0xb8;
	[tilespmem:$0x16620] =	vst v63  }
0xaa: {  	_ =	swait.ge [sflag:s29], $0x1400  }
0xab: {  	[sflag:s29] =	ssyncset.done $0x0  }
0xac: {  	s15 =	sadd.s32 $0x2850, s1;
	[sflag:s29] =	ssyncadd.s32 $0xFFFFEC00  }
0xad: {  	[spmem:s3] =	stream.indirect.scatter.add.f32 [tilespmem:s20], [sflag:$0x7], $0x40, s15, s12, $0xb8;
	[tilespmem:$0x16620] =	vst v63  }
0xae: {  	_ =	swait.ge [sflag:s9], $0x1400  }
0xaf: {  	[sflag:s9] =	ssyncset.done $0x0  }
0xb0: {  	s17 =	sadd.s32 $0x320, s1;
	[sflag:s9] =	ssyncadd.s32 $0xFFFFEC00  }
0xb1: {  	[tilespmem:s20], [sflag:$0x5] =	stream.indirect.gather [hbm4b:s2+s12], $0x40, s17, s12, $0xb8;
	[tilespmem:$0x16620] =	vst v63  }
0xb2: {  	_ =	swait.ge [sflag:s30], $0x1400  }
0xb3: {  	[sflag:s30] =	ssyncset.done $0x0  }
0xb4: {  	s11 =	sadd.s32 $0x28A0, s1;
	[sflag:s30] =	ssyncadd.s32 $0xFFFFEC00  }
0xb5: {  	[spmem:s3] =	stream.indirect.scatter.add.f32 [tilespmem:s23], [sflag:$0x7], $0x40, s11, s12, $0xb8;
	[tilespmem:$0x16620] =	vst v63  }
0xb6: {  	_ =	swait.ge [sflag:s9], $0x1400  }
0xb7: {  	[sflag:s9] =	ssyncset.done $0x0  }
0xb8: {  	[sflag:s9] =	ssyncadd.s32 $0xFFFFEC00  }
0xb9: {  	_ =	swait.ge [sflag:s24], $0x1400  }
0xba: {  	[sflag:s24] =	ssyncset.done $0x0  }
0xbb: {  	s15 =	simm.s32 $0x4C90;
	[sflag:s24] =	ssyncadd.s32 $0xFFFFEC00  }
0xbc: {  	[spmem:s3] =	stream.indirect.scatter.add.f32 [tilespmem:s13], [sflag:$0x7], $0x40, s15, s12, $0xb8;
	[tilespmem:$0x16620] =	vst v63  }
0xbd: {  	_ =	swait.ge [sflag:s9], $0x1400  }
0xbe: {  	[sflag:s9] =	ssyncset.done $0x0  }
0xbf: {  	[sflag:s9] =	ssyncadd.s32 $0xFFFFEC00  }
0xc0: {  	_ =	swait.ge [sflag:s25], $0x1400  }
0xc1: {  	[sflag:s25] =	ssyncset.done $0x0  }
0xc2: {  	s17 =	simm.s32 $0x4CE0;
	[sflag:s25] =	ssyncadd.s32 $0xFFFFEC00  }
0xc3: {  	[spmem:s3] =	stream.indirect.scatter.add.f32 [tilespmem:s14], [sflag:$0x7], $0x40, s17, s12, $0xb8;
	[tilespmem:$0x16620] =	vst v63  }
0xc4: {  	_ =	swait.ge [sflag:s9], $0x1400  }
0xc5: {  	[sflag:s9] =	ssyncset.done $0x0  }
0xc6: {  	[sflag:s9] =	ssyncadd.s32 $0xFFFFEC00  }
0xc7: {  	_ =	swait.ge [sflag:s26], $0x1400  }
0xc8: {  	[sflag:s26] =	ssyncset.done $0x0  }
0xc9: {  	s1 =	simm.s32 $0x4D30;
	[sflag:s26] =	ssyncadd.s32 $0xFFFFEC00  }
0xca: {  	[spmem:s3] =	stream.indirect.scatter.add.f32 [tilespmem:s16], [sflag:$0x7], $0x40, s1, s12, $0xb8;
	[tilespmem:$0x16620] =	vst v63  }
0xcb: {  	_ =	swait.ge [sflag:s9], $0x1400  }
0xcc: {  	[sflag:s9] =	ssyncset.done $0x0  }
0xcd: {  	[sflag:s9] =	ssyncadd.s32 $0xFFFFEC00  }
0xce: {  	_ =	swait.ge [sflag:s28], $0x1400  }
0xcf: {  	[sflag:s28] =	ssyncset.done $0x0  }
0xd0: {  	s11 =	simm.s32 $0x4D80;
	[sflag:s28] =	ssyncadd.s32 $0xFFFFEC00  }
0xd1: {  	[spmem:s3] =	stream.indirect.scatter.add.f32 [tilespmem:s18], [sflag:$0x7], $0x40, s11, s12, $0xb8;
	[tilespmem:$0x16620] =	vst v63  }
0xd2: {  	_ =	swait.ge [sflag:s9], $0x1400  }
0xd3: {  	[sflag:s9] =	ssyncset.done $0x0  }
0xd4: {  	[sflag:s9] =	ssyncadd.s32 $0xFFFFEC00  }
0xd5: {  	_ =	swait.ge [sflag:s29], $0x1400  }
0xd6: {  	[sflag:s29] =	ssyncset.done $0x0  }
0xd7: {  	s15 =	simm.s32 $0x4DD0;
	[sflag:s29] =	ssyncadd.s32 $0xFFFFEC00  }
0xd8: {  	[spmem:s3] =	stream.indirect.scatter.add.f32 [tilespmem:s20], [sflag:$0x7], $0x40, s15, s12, $0xb8;
	[tilespmem:$0x16620] =	vst v63  }
0xd9: {  	_ =	swait.ge [sflag:s9], $0x1400  }
0xda: {  	s31 =	sadd.s32 $0x1, s31;
	[sflag:s9] =	ssyncset.done $0x0  }
0xdb: {  	p0 =	sne.s32 s31, s8;
	[sflag:s9] =	ssyncadd.s32 $0xFFFFEC00  }
.Ltmp1:
0xdc: {  	s17 =	simm.s32 $0x10;
	[bflag:$0x0] =	sbarrier.arrive $0xFFFF;
	(pc) =	sbr.rel @p0 .LBB2_1-.Ltmp1, $4  }
0xdd: {  	[hbm:s7@s17], [sflag:s21] =	dma.strided [spmem:s22@s19], $0x1400, s24, $0x8   }
0xde: {  	_ =	swait.ge [sflag:s9], $0x1400  }
0xdf: {  	[sflag:s9] =	ssyncset.done $0x0  }
0xe0: {  	[sflag:s9] =	ssyncadd.s32 $0xFFFFEC00  }
0xe1: {  	_ =	sfence.sel $0x180000  }
0xe2: {  	[bflag:$0x0] =	sbarrier.arrive $0xFFFF  }
0xe3: {  	_ =	strace $0x9000004A  }
0xe4: {  	s0 =	stileid.u32;
	[bflag:$0x2] =	sbarrier.arrive $0xFFFF  }
0xe5: {  	p0 =	sne.s32 s0, $0x0;
	s0 =	rddreg [dreg:$0x3]  }
0xe6: {  	s0 =	sadd.s32 @!p0 $0x100000, s0  }
0xe7: {  	[sflag:s0] =	ssyncadd.tile.s32 @!p0 $0x1;
	_ =	shalt  }
.Lfunc_end2:
_tile_overlayer_lowered:
.L_overlay_start_2:
0xe8: {  	(tag) =	ssettag $0x2  }
0xe9: {  	s0 =	rddreg [dreg:$0x0];
	s2 =	stileid.u32  }
0xea: {  	s1 =	rddreg [dreg:$0x1];
	p0 =	sne.s32 s2, $0x0  }
0xeb: {  	s3 =	rddreg [dreg:$0x2];
	[bflag:$0x3] =	sbarrier.arrive $0xFFFF;
	s2 =	simm.s32 @!p0 $0x1C07  }
0xec: {  	[timem:s3], [sflag:s2] =	dma.local @!p0 [hbm:s0], s1  }
0xed: {  	s0 =	simm.s32 @!p0 $0x7  }
0xee: {  	_ =	swait.ge @!p0 [sflag:s0], s1  }
0xef: {  	s1 =	ssub.s32 @!p0 $0x0, s1;
	[sflag:s0] =	ssyncset.done @!p0 $0x0  }
0xf0: {  	[sflag:s0] =	ssyncadd.s32 @!p0 s1  }
0xf1: {  	[bflag:$0x3] =	sbarrier.arrive $0xFFFF  }
0xf2: {  	_ =	shalt  }

// kernel: kernel.9.cloned.1.call-start
scs
__scs_entry_jumppad:
0x0: {  	(pc) =	sbr.rel $0x88, $3  }
0x1: {  	(tag) =	ssettag $0x0;
	lr =	simm.s32 $0x1  }
0x2: {  	[smem:$0x3F8F] =	sst lr;
	_ =	strace $0xD0000000  }
0x3: {  	_ = 	snop  }
0x4: {  	_ = 	snop  }
0x5: {  	_ = 	snop  }
0x6: {  	_ = 	snop  }
0x7: {  	_ = 	snop  }
__scs_overlays_trampoline_lowered:
0x8: {  	[smem:$0x3F9E] =	sst s0  }
0x9: {  	[smem:$0x3F9F] =	sst s1  }
0xa: {  	[smem:$0x3FA0] =	sst s2  }
0xb: {  	[smem:$0x3FA1] =	sst s3  }
0xc: {  	[smem:$0x3FA2] =	sst s4  }
0xd: {  	[smem:$0x3FA3] =	sst s5  }
0xe: {  	[smem:$0x3FA4] =	sst s6  }
0xf: {  	[smem:$0x3FA5] =	sst s7  }
0x10: {  	[smem:$0x3FA6] =	sst s8  }
0x11: {  	[smem:$0x3FA7] =	sst s9;
	s0 =	simm.s32 @!p0 $0x0  }
0x12: {  	s1 =	sld [smem:$0x3F8D];
	s0 =	simm.s32 @p0 $0x1  }
0x13: {  	[smem:$0x3FA8] =	sst s0;
	s0 =	simm.s32 @!p1 $0x0  }
0x14: {  	s2 =	sld [smem:$0x3F8C];
	s0 =	simm.s32 @p1 $0x1  }
0x15: {  	[smem:$0x3FA9] =	sst s0;
	s0 =	simm.s32 @!p2 $0x0  }
0x16: {  	s3 =	sld [smem:$0x3FDB];
	s0 =	simm.s32 @p2 $0x1  }
0x17: {  	s4 =	simm.s32 $0x1BF5;
	[smem:$0x3FAB] =	sst s0  }
0x18: {  	s0 =	sld [smem:$0x3F8E];
	_ =	swait.ge [sflag:s4], $0x0  }
0x19: {  	s7 =	sld [smem:$0x3F8F]  }
0x1a: {  	s8 =	sadd.s32 $0xFFFFE003, lr  }
0x1b: {  	s9 =	sadd.s32 $0xFFFFFEF7, lr;
	s5 =	simm.s32 $0xFFFFFFFF;
	p2 =	slt.u32 s8, $0xFFFFF086  }
0x1c: {  	p1 =	slt.u32 s9, $0xF7A;
	s5 =	simm.s32 @!p2 $0x0  }
0x1d: {  	s5 =	simm.s32 @p1 $0x1;
	p0 =	seq.s32 s7, s2  }
0x1e: {  	s7 =	smul.u32 @!p0 $0xF7A, s2;
	p2 =	seq.s32 @!p0 s5, $0x0  }
0x1f: {  	s9 =	smul.u32 $0xF7A, s1;
	s8 =	simm.s32 @!p0 $0x1BF5;
	p2 =	por !p2, p0  }
0x20: {  	[sflag:s8] =	ssyncset.s32 @!p0 $0xFFFFF086;
	s6 =	sadd.s32 @!p0 s3, s7;
	s7 =	simm.s32 @!p0 $0x108  }
0x21: {  	s3 =	sadd.s32 s3, s9;
	s6 =	sadd.s32 @!p0 $0x88, s6;
	s7 =	simm.s32 @p2 $0x1082  }
0x22: {  	[simem:s7], [sflag:s8] =	dma.local @!p0 [hbm:s6], $0xF7A  }
0x23: {  	s9 =	sor.u32 $0xD0000000, s2;
	s6 =	simm.s32 $0x108;
	_ =	swait.ge @!p0 [sflag:s8], $0x0  }
0x24: {  	s3 =	sadd.s32 $0x88, s3;
	s6 =	simm.s32 @!p1 $0x1082;
	[sflag:s4] =	ssyncset.s32 $0xFFFFF086  }
0x25: {  	[simem:s6], [sflag:s4] =	dma.local [hbm:s3], $0xF7A  }
0x26: {  	[smem:$0x3F8F] =	sst s1;
	(tag) =	ssettag s2;
	_ =	strace s9  }
0x27: {  	s1 =	sld [smem:$0x3F9F]  }
0x28: {  	s2 =	sld [smem:$0x3FA0]  }
0x29: {  	s4 =	sld [smem:$0x3FA2]  }
0x2a: {  	p0 =	seq.s32 s5, $0x0;
	s5 =	sld [smem:$0x3FA3]  }
0x2b: {  	s6 =	sld [smem:$0x3FA4]  }
0x2c: {  	s7 =	sld [smem:$0x3FA5]  }
0x2d: {  	s3 =	simm.s32 $0x108;
	s8 =	sld [smem:$0x3FA6]  }
0x2e: {  	s3 =	simm.s32 @!p0 $0x1082;
	s9 =	sld [smem:$0x3FA7]  }
0x2f: {  	lr =	sadd.s32 s0, s3;
	s0 =	sld [smem:$0x3F9E]  }
0x30: {  	s3 =	sld [smem:$0x3FA1]  }
0x31: {  	[smem:$0x3FAA] =	sst s10  }
0x32: {  	s10 =	sld [smem:$0x3FA8];
	_ =	sdelay $0x3  }
0x33: {  	p0 =	seq.s32 s10, $0x1;
	s10 =	sld [smem:$0x3FAA];
	_ =	sdelay $0x3  }
0x34: {  	[smem:$0x3FAA] =	sst s10  }
0x35: {  	s10 =	sld [smem:$0x3FA9];
	_ =	sdelay $0x3  }
0x36: {  	p1 =	seq.s32 s10, $0x1;
	s10 =	sld [smem:$0x3FAA];
	_ =	sdelay $0x3  }
0x37: {  	[smem:$0x3FAA] =	sst s10  }
0x38: {  	s10 =	sld [smem:$0x3FAB]  }
0x39: {  	_ = 	snop;
	(pc) =	sbr.ind lr, $3  }
0x3a: {  	_ = 	snop  }
0x3b: {  	_ = 	snop  }
0x3c: {  	p2 =	seq.s32 s10, $0x1;
	s10 =	sld [smem:$0x3FAA]  }
0x3d: {  	_ =	shalt  }
0x3e: {  	_ =	shalt  }
0x3f: {  	_ =	shalt  }
0x40: {  	_ =	shalt  }
0x41: {  	_ =	shalt  }
0x42: {  	_ =	shalt  }
0x43: {  	_ =	shalt  }
0x44: {  	_ =	shalt  }
0x45: {  	_ =	shalt  }
0x46: {  	_ =	shalt  }
0x47: {  	_ =	shalt  }
0x48: {  	_ =	shalt  }
0x49: {  	_ =	shalt  }
0x4a: {  	_ =	shalt  }
0x4b: {  	_ =	shalt  }
0x4c: {  	_ =	shalt  }
0x4d: {  	_ =	shalt  }
0x4e: {  	_ =	shalt  }
0x4f: {  	_ =	shalt  }
0x50: {  	_ =	shalt  }
0x51: {  	_ =	shalt  }
0x52: {  	_ =	shalt  }
0x53: {  	_ =	shalt  }
0x54: {  	_ =	shalt  }
0x55: {  	_ =	shalt  }
0x56: {  	_ =	shalt  }
0x57: {  	_ =	shalt  }
0x58: {  	_ =	shalt  }
0x59: {  	_ =	shalt  }
0x5a: {  	_ =	shalt  }
0x5b: {  	_ =	shalt  }
0x5c: {  	_ =	shalt  }
0x5d: {  	_ =	shalt  }
0x5e: {  	_ =	shalt  }
0x5f: {  	_ =	shalt  }
0x60: {  	_ =	shalt  }
0x61: {  	_ =	shalt  }
0x62: {  	_ =	shalt  }
0x63: {  	_ =	shalt  }
0x64: {  	_ =	shalt  }
0x65: {  	_ =	shalt  }
0x66: {  	_ =	shalt  }
0x67: {  	_ =	shalt  }
0x68: {  	_ =	shalt  }
0x69: {  	_ =	shalt  }
0x6a: {  	_ =	shalt  }
0x6b: {  	_ =	shalt  }
0x6c: {  	_ =	shalt  }
0x6d: {  	_ =	shalt  }
0x6e: {  	_ =	shalt  }
0x6f: {  	_ =	shalt  }
0x70: {  	_ =	shalt  }
0x71: {  	_ =	shalt  }
0x72: {  	_ =	shalt  }
0x73: {  	_ =	shalt  }
0x74: {  	_ =	shalt  }
0x75: {  	_ =	shalt  }
0x76: {  	_ =	shalt  }
0x77: {  	_ =	shalt  }
0x78: {  	_ =	shalt  }
0x79: {  	_ =	shalt  }
0x7a: {  	_ =	shalt  }
0x7b: {  	_ =	shalt  }
0x7c: {  	_ =	shalt  }
0x7d: {  	_ =	shalt  }
0x7e: {  	_ =	shalt  }
0x7f: {  	_ =	shalt  }
0x80: {  	_ =	shalt  }
0x81: {  	_ =	shalt  }
0x82: {  	_ =	shalt  }
0x83: {  	_ =	shalt  }
0x84: {  	_ =	shalt  }
0x85: {  	_ =	shalt  }
0x86: {  	_ =	shalt  }
0x87: {  	_ =	shalt  }
.Lfunc_end0:
.L_simem_size_0:
called_computation_lowered:
.L_overlay_start_0:
0x88: {  	s2 =	sld [smem:$0x3FD9]  }
0x89: {  	s3 =	sld [smem:$0x3FFE];
	_ =	sdelay $0x1  }
0x8a: {  	s1 =	srdreg.scid  }
0x8b: {  	s0 =	sand.u32 $0x1, s1  }
0x8c: {  	s16 =	sshll.u32 s0, $0xA;
	s2 =	sadd.s32 s3, s2  }
0x8d: {  	s2 =	sadd.s32 s2, s16  }
0x8e: {  	[smem:$0x3FB6] =	sst s2  }
0x8f: {  	_ = 	snop  }
0x90: {  	(tm) =	ssettm $0x1  }
0x91: {  	s17 =	sld [smem:$0x3FFB];
	_ =	sdelay $0x3  }
0x92: {  	_ =	strace s17  }
0x93: {  	s2 =	sld [smem:$0x3FFC];
	_ =	sdelay $0x3  }
0x94: {  	_ =	strace s2  }
0x95: {  	s2 =	sld [smem:$0x3FFD];
	_ =	sdelay $0x3  }
0x96: {  	_ =	strace s2  }
0x97: {  	_ =	strace $0x8FFFFFFF  }
0x98: {  	s18 =	sld [smem:$0x3FDB];
	_ =	sdelay $0x1  }
0x99: {  	s19 =	simm.s32 $_scs_section_size  }
0x9a: {  	s4 =	simm.s32 $_size__tile_overlayer_lowered;
	s5 =	simm.s32 $_tile_overlayer_lowered  }
0x9b: {  	s22 =	simm.s32 $0x1BFF;
	s21 =	sshll.u32 s5, $0x1;
	s2 =	sadd.s32 s19, s18  }
0x9c: {  	s6 =	simm.s32 $0x0;
	s20 =	sshll.u32 s4, $0x1;
	s4 =	sadd.s32 s21, s2  }
0x9d: {  	[timem:s6], [sflag:s22] =	dma.local [hbm:s4], s20  }
0x9e: {  	_ =	swait.ge [sflag:s22], s20  }
0x9f: {  	s3 =	ssub.s32 $0x0, s20;
	[sflag:s22] =	ssyncset.done $0x0  }
0xa0: {  	[sflag:s22] =	ssyncadd.s32 s3;
	_ =	sdelay $0x1  }
0xa1: {  	s23 =	simm.s32 $0x1B8B  }
0xa2: {  	_ =	swait.ge [sflag:s23], $0x1  }
0xa3: {  	[sflag:s23] =	ssyncset.done $0x0  }
0xa4: {  	s25 =	simm.s32 $0x1B8E;
	s24 =	sld [smem:$0x3FFE];
	[sflag:s23] =	ssyncadd.s32 $0xFFFFFFFF  }
0xa5: {  	s26 =	simm.s32 $execute0_lowered;
	[smem:$0x3FD2] =	sst s25  }
0xa6: {  	s4 =	sshll.u32 s26, $0x1;
	_ =	strace $0x80000046;
	[dreg:$0x1] =	wrdreg $0xFFFFFFFF  }
0xa7: {  	s28 =	simm.s32 $_size_execute0_lowered;
	s2 =	sadd.s32 s2, s4;
	[dreg:$0x0] =	wrdreg $0x0  }
0xa8: {  	s4 =	sshll.u32 s28, $0x1;
	[dreg:$0x2] =	wrdreg s2  }
0xa9: {  	[dreg:$0x3] =	wrdreg s4  }
0xaa: {  	[dreg:$0x4] =	wrdreg $0xC0  }
0xab: {  	_ =	task [dreg:s6], $0x5FFFF  }
0xac: {  	[dreg:$0x1] =	wrdreg $0xFFFFFFFF  }
0xad: {  	[dreg:$0x0] =	wrdreg $0x60  }
0xae: {  	[dreg:$0x2] =	wrdreg s24  }
0xaf: {  	[dreg:$0x3] =	wrdreg $0xC8A00  }
0xb0: {  	[dreg:$0x4] =	wrdreg $0x168A00  }
0xb1: {  	[dreg:$0x5] =	wrdreg $0x9  }
0xb2: {  	_ =	task.clear_ibuf [dreg:s6], $0x6FFFF;
	_ =	strace $0x90000046  }
0xb3: {  	s29 =	simm.s32 $0x9;
	_ =	strace $0x80000048  }
0xb4: {  	_ =	swait.ge [sflag:s29], $0x1  }
0xb5: {  	[sflag:s29] =	ssyncadd.s32 $0xFFFFFFFF  }
0xb6: {  	_ =	strace $0x90000048  }
0xb7: {  	_ =	sfence  }
0xb8: {  	s30 =	sld [smem:$0x0];
	_ =	sdelay $0x2  }
0xb9: {  	s31 =	sshll.u32 s1, $0xD;
	s1 =	sshrl.u32 s1, $0x2  }
0xba: {  	s3 =	sand.u32 $0x4000, s31;
	s1 =	sadd.s32 s1, s30  }
0xbb: {  	s0 =	sor.u32 s3, s0;
	s1 =	sshll.u32 s1, $0x11  }
0xbc: {  	s0 =	sor.u32 s1, s0  }
0xbd: {  	s0 =	sadd.s32 $0x8F2B, s0  }
0xbe: {  	[sflag:s0] =	ssyncadd.remote.s32 $0x1  }
0xbf: {  	_ =	sfence.sel $0xFFFF  }
0xc0: {  	[dreg:$0x0] =	wrdreg $0xFFFFFFFF;
	(pc) =	sbr.abs _section_cstart, $3  }
0xc1: {  	[dreg:$0x1] =	wrdreg $0xFFFFFFFF  }
0xc2: {  	_ =	task.clear_ibuf [dreg:s6], $0x2FFFF;
	_ =	strace $0x9FFFFFFF  }
0xc3: {  	(tm) =	ssettm $0x7FFFFFFF  }
tec
execute0_lowered:
.L_overlay_start_1:
0x0: {  	(tag) =	ssettag $0x1  }
0x1: {  	s0 =	srdreg.scid;
	s1 =	rddreg [dreg:$0x0]  }
0x2: {  	s5 =	stileid.u32;
	s2 =	rddreg [dreg:$0x1];
	s15 =	simm.s32 $0x7  }
0x3: {  	s28 =	simm.s32 $0xC620;
	s29 =	simm.s32 $0xB220;
	s7 =	smul.u32 $0xA000, s5  }
0x4: {  	s30 =	simm.s32 $0x1;
	s31 =	simm.s32 $0x2;
	s8 =	smul.u32 $0x1400, s5  }
0x5: {  	s17 =	simm.s32 $0x4;
	s0 =	sand.u32 $0x1, s0;
	s9 =	smul.u32 $0x280, s5  }
0x6: {  	s18 =	sadd.s32 $0x2A00, s1;
	s3 =	sshll.u32 s0, $0x4;
	s11 =	smul.u32 $0x2800, s0  }
0x7: {  	s0 =	ssub.s32 $0x2, s0;
	s4 =	sor.u32 s5, s3;
	s3 =	rddreg [dreg:$0x2]  }
0x8: {  	s5 =	sadd.s32 $0x16600, s1;
	s10 =	sshrl.u32 s7, $0x3;
	s13 =	sshrl.u32 s8, $0x3  }
0x9: {  	s19 =	sshrl.u32 s0, $0x1;
	s7 =	sadd.s32 s7, s2;
	s6 =	smul.u32 $0x4E2, s4  }
0xa: {  	s4 =	simm.s32 $0x0;
	s10 =	sadd.s32 s10, s1;
	s13 =	sadd.s32 s13, s1  }
0xb: {  	s9 =	sadd.s32 s9, s11;
	s0 =	ssub.s32 s0, s19;
	[smem:$0x7FF] =	sst s4  }
0xc: {  	s22 =	sadd.s32 s8, s3;
	_ =	strace $0x80000047;
	[dreg:$0x4] =	wrdreg s18  }
0xd: {  	s19 =	simm.s32 $0x4E20;
	s21 =	sadd.s32 $0x2C800, s10;
	[dreg:$0x6] =	wrdreg s7  }
0xe: {  	s8 =	simm.s32 $0x4DD0;
	s9 =	sshll.u32 s9, $0x4;
	[dreg:$0x7] =	wrdreg s21  }
0xf: {  	s23 =	sadd.s32 $0x2A000, s13;
	s0 =	smax.u32 s0, $0x1;
	[dreg:$0x8] =	wrdreg s22  }
0x10: {  	s10 =	simm.s32 $0x0;
	s12 =	sadd.s32 s6, s1;
	[dreg:$0x9] =	wrdreg s23  }
0x11: {  	s9 =	sadd.s32 s9, s1;
	s1 =	sadd.s32 $0xC840, s1;
	[dreg:$0xc] =	wrdreg s0  }
0x12: {  	s18 =	simm.s32 $0x50;
	s22 =	simm.s32 $0x7620;
	s20 =	sadd.s32 $0x2C00, s12  }
0x13: {  	s21 =	simm.s32 $0x5;
	s24 =	sadd.s32 $0x40800, s9;
	[dreg:$0x5] =	wrdreg s20  }
0x14: {  	s23 =	simm.s32 $0x6;
	s25 =	sadd.s32 $0x40808, s9;
	[dreg:$0xa] =	wrdreg s24  }
0x15: {  	s7 =	simm.s32 $0x4D80;
	s26 =	sadd.s32 s6, s1;
	[dreg:$0xb] =	wrdreg s25  }
0x16: {  	s1 =	simm.s32 $0x3;
	s9 =	simm.s32 $0x10;
	[dreg:$0xd] =	wrdreg s26  }
0x17: {  	s20 =	simm.s32 $0x6220;
	s24 =	simm.s32 $0x8A20;
	s26 =	simm.s32 $0x9E20  }
.LBB2_1:
0x18: {  	s0 =	rddreg [dreg:$0x5]  }
0x19: {  	[tilespmem:s4], [sflag:$0x7] =	stream.linear.gather [hbm4b:s0+s4], $0x2710, $0x38;
	[tilespmem:$0x17CA0] =	vst v63  }
0x1a: {  	_ =	swait.ge [sflag:s15], $0x2710  }
0x1b: {  	[sflag:s15] =	ssyncset.done $0x0  }
0x1c: {  	s6 =	simm.s32 $0x2710;
	s14 =	rddreg [dreg:$0xd];
	[sflag:s15] =	ssyncadd.s32 $0xFFFFD8F0  }
0x1d: {  	[tilespmem:s6], [sflag:$0x7] =	stream.linear.gather [hbm4b:s14+s4], $0x2710, $0x38;
	[tilespmem:$0x17CA0] =	vst v63  }
0x1e: {  	_ =	swait.ge [sflag:s15], $0x2710  }
0x1f: {  	[sflag:s15] =	ssyncset.done $0x0  }
0x20: {  	[sflag:s15] =	ssyncadd.s32 $0xFFFFD8F0  }
0x21: {  	[tilespmem:s19], [sflag:$0x1] =	stream.indirect.gather [hbm4b:s5+s18], $0x40, s4, s18, $0xb8;
	[tilespmem:$0x17CA0] =	vst v63  }
0x22: {  	s11 =	stileid.u32  }
0x23: {  	[tilespmem:s20], [sflag:$0x2] =	stream.indirect.gather [hbm4b:s5+s18], $0x40, s18, s18, $0xb8;
	[tilespmem:$0x17CA0] =	vst v63  }
0x24: {  	s16 =	simm.s32 $0xA0;
	s0 =	sshll.u32 s11, $0x6  }
0x25: {  	[tilespmem:s22], [sflag:$0x3] =	stream.indirect.gather [hbm4b:s5+s18], $0x40, s16, s18, $0xb8;
	[tilespmem:$0x17CA0] =	vst v63  }
0x26: {  	s25 =	simm.s32 $0xF0;
	s11 =	sor.u32 $0x1C07, s0;
	s12 =	rddreg [dreg:$0x6]  }
0x27: {  	[tilespmem:s24], [sflag:$0x4] =	stream.indirect.gather [hbm4b:s5+s18], $0x40, s25, s18, $0xb8;
	[tilespmem:$0x17CA0] =	vst v63  }
0x28: {  	s6 =	simm.s32 $0x140;
	s13 =	rddreg [dreg:$0x7];
	s12 =	sshrl.u32 s12, $0x3  }
0x29: {  	[tilespmem:s26], [sflag:$0x5] =	stream.indirect.gather [hbm4b:s5+s18], $0x40, s6, s18, $0xb8;
	[tilespmem:$0x17CA0] =	vst v63  }
0x2a: {  	[spmem:s12], [sflag:s11] =	dma.local [hbm:s13], $0x1400  }
0x2b: {  	_ =	swait.ge [sflag:s15], $0x1400  }
0x2c: {  	[sflag:s15] =	ssyncset.done $0x0;
	s14 =	rddreg [dreg:$0x8]  }
0x2d: {  	s16 =	rddreg [dreg:$0x9];
	[sflag:s15] =	ssyncadd.s32 $0xFFFFEC00;
	s13 =	sshrl.u32 s14, $0x3  }
0x2e: {  	[spmem:s13], [sflag:s11] =	dma.local [hbm:s16], $0x280  }
0x2f: {  	_ =	swait.ge [sflag:s15], $0x280  }
0x30: {  	[sflag:s15] =	ssyncset.done $0x0  }
0x31: {  	s25 =	rddreg [dreg:$0x4];
	[sflag:s15] =	ssyncadd.s32 $0xFFFFFD80  }
0x32: {  	[tilespmem:s28], [sflag:$0x7] =	stream.linear.gather [hbm4b:s25+s4], $0x280, $0x38;
	[tilespmem:$0x17CA0] =	vst v63  }
0x33: {  	_ =	swait.ge [sflag:s15], $0x280  }
0x34: {  	[sflag:s15] =	ssyncset.done $0x0  }
0x35: {  	[sflag:s15] =	ssyncadd.s32 $0xFFFFFD80  }
0x36: {  	s6 =	simm.s32 $0x190;
	[bflag:$0x0] =	sbarrier.arrive $0xFFFF  }
0x37: {  	[tilespmem:s29], [sflag:$0x6] =	stream.indirect.gather [hbm4b:s5+s18], $0x40, s6, s18, $0xb8;
	[tilespmem:$0x17CA0] =	vst v63  }
0x38: {  	_ =	swait.ge [sflag:s30], $0x1400  }
0x39: {  	[sflag:s30] =	ssyncset.done $0x0  }
0x3a: {  	s14 =	simm.s32 $0x2710;
	[sflag:s30] =	ssyncadd.s32 $0xFFFFEC00  }
0x3b: {  	[spmem:s2] =	stream.indirect.scatter.add.f32 [tilespmem:s19], [sflag:$0x7], $0x40, s14, s18, $0xb8;
	[tilespmem:$0x17CA0] =	vst v63  }
0x3c: {  	_ =	swait.ge [sflag:s15], $0x1400  }
0x3d: {  	[sflag:s15] =	ssyncset.done $0x0  }
0x3e: {  	[sflag:s15] =	ssyncadd.s32 $0xFFFFEC00  }
0x3f: {  	[spmem:s3] =	stream.indirect.scatter.add.f32 [tilespmem:s28], [sflag:$0x7], $0x8, s14, s18, $0xb8;
	[tilespmem:$0x17CA0] =	vst v63  }
0x40: {  	_ =	swait.ge [sflag:s15], $0x280  }
0x41: {  	[sflag:s15] =	ssyncset.done $0x0  }
0x42: {  	s16 =	simm.s32 $0x1E0;
	[sflag:s15] =	ssyncadd.s32 $0xFFFFFD80  }
0x43: {  	[tilespmem:s19], [sflag:$0x1] =	stream.indirect.gather [hbm4b:s5+s18], $0x40, s16, s18, $0xb8;
	[tilespmem:$0x17CA0] =	vst v63  }
0x44: {  	_ =	swait.ge [sflag:s31], $0x1400  }
0x45: {  	[sflag:s31] =	ssyncset.done $0x0  }
0x46: {  	s25 =	simm.s32 $0x2760;
	[sflag:s31] =	ssyncadd.s32 $0xFFFFEC00  }
0x47: {  	[spmem:s2] =	stream.indirect.scatter.add.f32 [tilespmem:s20], [sflag:$0x7], $0x40, s25, s18, $0xb8;
	[tilespmem:$0x17CA0] =	vst v63  }
0x48: {  	_ =	swait.ge [sflag:s15], $0x1400  }
0x49: {  	[sflag:s15] =	ssyncset.done $0x0  }
0x4a: {  	[sflag:s15] =	ssyncadd.s32 $0xFFFFEC00  }
0x4b: {  	[spmem:s3] =	stream.indirect.scatter.add.f32 [tilespmem:s28], [sflag:$0x7], $0x8, s25, s18, $0xb8;
	[tilespmem:$0x17CA0] =	vst v63  }
0x4c: {  	_ =	swait.ge [sflag:s15], $0x280  }
0x4d: {  	[sflag:s15] =	ssyncset.done $0x0  }
0x4e: {  	s6 =	simm.s32 $0x230;
	[sflag:s15] =	ssyncadd.s32 $0xFFFFFD80  }
0x4f: {  	[tilespmem:s20], [sflag:$0x2] =	stream.indirect.gather [hbm4b:s5+s18], $0x40, s6, s18, $0xb8;
	[tilespmem:$0x17CA0] =	vst v63  }
0x50: {  	_ =	swait.ge [sflag:s1], $0x1400  }
0x51: {  	[sflag:s1] =	ssyncset.done $0x0  }
0x52: {  	s14 =	simm.s32 $0x27B0;
	[sflag:s1] =	ssyncadd.s32 $0xFFFFEC00  }
0x53: {  	[spmem:s2] =	stream.indirect.scatter.add.f32 [tilespmem:s22], [sflag:$0x7], $0x40, s14, s18, $0xb8;
	[tilespmem:$0x17CA0] =	vst v63  }
0x54: {  	_ =	swait.ge [sflag:s15], $0x1400  }
0x55: {  	[sflag:s15] =	ssyncset.done $0x0  }
0x56: {  	[sflag:s15] =	ssyncadd.s32 $0xFFFFEC00  }
0x57: {  	[spmem:s3] =	stream.indirect.scatter.add.f32 [tilespmem:s28], [sflag:$0x7], $0x8, s14, s18, $0xb8;
	[tilespmem:$0x17CA0] =	vst v63  }
0x58: {  	_ =	swait.ge [sflag:s15], $0x280  }
0x59: {  	[sflag:s15] =	ssyncset.done $0x0  }
0x5a: {  	s16 =	simm.s32 $0x280;
	[sflag:s15] =	ssyncadd.s32 $0xFFFFFD80  }
0x5b: {  	[tilespmem:s22], [sflag:$0x3] =	stream.indirect.gather [hbm4b:s5+s18], $0x40, s16, s18, $0xb8;
	[tilespmem:$0x17CA0] =	vst v63  }
0x5c: {  	_ =	swait.ge [sflag:s17], $0x1400  }
0x5d: {  	[sflag:s17] =	ssyncset.done $0x0  }
0x5e: {  	s25 =	simm.s32 $0x2800;
	[sflag:s17] =	ssyncadd.s32 $0xFFFFEC00  }
0x5f: {  	[spmem:s2] =	stream.indirect.scatter.add.f32 [tilespmem:s24], [sflag:$0x7], $0x40, s25, s18, $0xb8;
	[tilespmem:$0x17CA0] =	vst v63  }
0x60: {  	_ =	swait.ge [sflag:s15], $0x1400  }
0x61: {  	[sflag:s15] =	ssyncset.done $0x0  }
0x62: {  	[sflag:s15] =	ssyncadd.s32 $0xFFFFEC00  }
0x63: {  	[spmem:s3] =	stream.indirect.scatter.add.f32 [tilespmem:s28], [sflag:$0x7], $0x8, s25, s18, $0xb8;
	[tilespmem:$0x17CA0] =	vst v63  }
0x64: {  	_ =	swait.ge [sflag:s15], $0x280  }
0x65: {  	[sflag:s15] =	ssyncset.done $0x0  }
0x66: {  	s6 =	simm.s32 $0x2D0;
	[sflag:s15] =	ssyncadd.s32 $0xFFFFFD80  }
0x67: {  	[tilespmem:s24], [sflag:$0x4] =	stream.indirect.gather [hbm4b:s5+s18], $0x40, s6, s18, $0xb8;
	[tilespmem:$0x17CA0] =	vst v63  }
0x68: {  	_ =	swait.ge [sflag:s21], $0x1400  }
0x69: {  	[sflag:s21] =	ssyncset.done $0x0  }
0x6a: {  	s14 =	simm.s32 $0x2850;
	[sflag:s21] =	ssyncadd.s32 $0xFFFFEC00  }
0x6b: {  	[spmem:s2] =	stream.indirect.scatter.add.f32 [tilespmem:s26], [sflag:$0x7], $0x40, s14, s18, $0xb8;
	[tilespmem:$0x17CA0] =	vst v63  }
0x6c: {  	_ =	swait.ge [sflag:s15], $0x1400  }
0x6d: {  	[sflag:s15] =	ssyncset.done $0x0  }
0x6e: {  	[sflag:s15] =	ssyncadd.s32 $0xFFFFEC00  }
0x6f: {  	[spmem:s3] =	stream.indirect.scatter.add.f32 [tilespmem:s28], [sflag:$0x7], $0x8, s14, s18, $0xb8;
	[tilespmem:$0x17CA0] =	vst v63  }
0x70: {  	_ =	swait.ge [sflag:s15], $0x280  }
0x71: {  	[sflag:s15] =	ssyncset.done $0x0  }
0x72: {  	s16 =	simm.s32 $0x320;
	[sflag:s15] =	ssyncadd.s32 $0xFFFFFD80  }
0x73: {  	[tilespmem:s26], [sflag:$0x5] =	stream.indirect.gather [hbm4b:s5+s18], $0x40, s16, s18, $0xb8;
	[tilespmem:$0x17CA0] =	vst v63  }
0x74: {  	_ =	swait.ge [sflag:s23], $0x1400  }
0x75: {  	[sflag:s23] =	ssyncset.done $0x0  }
0x76: {  	s25 =	simm.s32 $0x28A0;
	[sflag:s23] =	ssyncadd.s32 $0xFFFFEC00  }
0x77: {  	[spmem:s2] =	stream.indirect.scatter.add.f32 [tilespmem:s29], [sflag:$0x7], $0x40, s25, s18, $0xb8;
	[tilespmem:$0x17CA0] =	vst v63  }
0x78: {  	_ =	swait.ge [sflag:s15], $0x1400  }
0x79: {  	[sflag:s15] =	ssyncset.done $0x0  }
0x7a: {  	[sflag:s15] =	ssyncadd.s32 $0xFFFFEC00  }
0x7b: {  	[spmem:s3] =	stream.indirect.scatter.add.f32 [tilespmem:s28], [sflag:$0x7], $0x8, s25, s18, $0xb8;
	[tilespmem:$0x17CA0] =	vst v63  }
0x7c: {  	_ =	swait.ge [sflag:s15], $0x280  }
0x7d: {  	s14 =	simm.s32 $0x1E0;
	s16 =	simm.s32 $0xF00;
	[sflag:s15] =	ssyncset.done $0x0  }
.LBB2_2:
0x7e: {  	s6 =	sadd.s32 $0x190, s14  }
0x7f: {  	[sflag:s15] =	ssyncadd.s32 $0xFFFFFD80;
	s25 =	smov.u32 s16;
	s0 =	sadd.s32 $0x780, s16  }
0x80: {  	[tilespmem:s29], [sflag:$0x6] =	stream.indirect.gather [hbm4b:s5+s18], $0x40, s6, s18, $0xb8;
	[tilespmem:$0x17CA0] =	vst v63  }
0x81: {  	p0 =	sne.s32 s16, $0x8E80;
	_ =	swait.ge [sflag:s30], $0x1400  }
0x82: {  	[sflag:s30] =	ssyncset.done $0x0  }
0x83: {  	s6 =	sadd.s32 $0x2710, s14;
	[sflag:s30] =	ssyncadd.s32 $0xFFFFEC00  }
0x84: {  	[spmem:s2] =	stream.indirect.scatter.add.f32 [tilespmem:s19], [sflag:$0x7], $0x40, s6, s18, $0xb8;
	[tilespmem:$0x17CA0] =	vst v63  }
0x85: {  	_ =	swait.ge [sflag:s15], $0x1400  }
0x86: {  	[sflag:s15] =	ssyncset.done $0x0  }
0x87: {  	[sflag:s15] =	ssyncadd.s32 $0xFFFFEC00  }
0x88: {  	[spmem:s3] =	stream.indirect.scatter.add.f32 [tilespmem:s28], [sflag:$0x7], $0x8, s6, s18, $0xb8;
	[tilespmem:$0x17CA0] =	vst v63  }
0x89: {  	_ =	swait.ge [sflag:s15], $0x280  }
0x8a: {  	[sflag:s15] =	ssyncset.done $0x0  }
0x8b: {  	s6 =	sadd.s32 $0x1E0, s14;
	[sflag:s15] =	ssyncadd.s32 $0xFFFFFD80  }
0x8c: {  	[tilespmem:s19], [sflag:$0x1] =	stream.indirect.gather [hbm4b:s5+s18], $0x40, s6, s18, $0xb8;
	[tilespmem:$0x17CA0] =	vst v63  }
0x8d: {  	_ =	swait.ge [sflag:s31], $0x1400  }
0x8e: {  	[sflag:s31] =	ssyncset.done $0x0  }
0x8f: {  	s6 =	sadd.s32 $0x2760, s14;
	[sflag:s31] =	ssyncadd.s32 $0xFFFFEC00  }
0x90: {  	[spmem:s2] =	stream.indirect.scatter.add.f32 [tilespmem:s20], [sflag:$0x7], $0x40, s6, s18, $0xb8;
	[tilespmem:$0x17CA0] =	vst v63  }
0x91: {  	_ =	swait.ge [sflag:s15], $0x1400  }
0x92: {  	[sflag:s15] =	ssyncset.done $0x0  }
0x93: {  	[sflag:s15] =	ssyncadd.s32 $0xFFFFEC00  }
0x94: {  	[spmem:s3] =	stream.indirect.scatter.add.f32 [tilespmem:s28], [sflag:$0x7], $0x8, s6, s18, $0xb8;
	[tilespmem:$0x17CA0] =	vst v63  }
0x95: {  	_ =	swait.ge [sflag:s15], $0x280  }
0x96: {  	[sflag:s15] =	ssyncset.done $0x0  }
0x97: {  	s6 =	sadd.s32 $0x230, s14;
	[sflag:s15] =	ssyncadd.s32 $0xFFFFFD80  }
0x98: {  	[tilespmem:s20], [sflag:$0x2] =	stream.indirect.gather [hbm4b:s5+s18], $0x40, s6, s18, $0xb8;
	[tilespmem:$0x17CA0] =	vst v63  }
0x99: {  	_ =	swait.ge [sflag:s1], $0x1400  }
0x9a: {  	[sflag:s1] =	ssyncset.done $0x0  }
0x9b: {  	s6 =	sadd.s32 $0x27B0, s14;
	[sflag:s1] =	ssyncadd.s32 $0xFFFFEC00  }
0x9c: {  	[spmem:s2] =	stream.indirect.scatter.add.f32 [tilespmem:s22], [sflag:$0x7], $0x40, s6, s18, $0xb8;
	[tilespmem:$0x17CA0] =	vst v63  }
0x9d: {  	_ =	swait.ge [sflag:s15], $0x1400  }
0x9e: {  	[sflag:s15] =	ssyncset.done $0x0  }
0x9f: {  	[sflag:s15] =	ssyncadd.s32 $0xFFFFEC00  }
0xa0: {  	[spmem:s3] =	stream.indirect.scatter.add.f32 [tilespmem:s28], [sflag:$0x7], $0x8, s6, s18, $0xb8;
	[tilespmem:$0x17CA0] =	vst v63  }
0xa1: {  	_ =	swait.ge [sflag:s15], $0x280  }
0xa2: {  	[sflag:s15] =	ssyncset.done $0x0  }
0xa3: {  	s6 =	sadd.s32 $0x280, s14;
	[sflag:s15] =	ssyncadd.s32 $0xFFFFFD80  }
0xa4: {  	[tilespmem:s22], [sflag:$0x3] =	stream.indirect.gather [hbm4b:s5+s18], $0x40, s6, s18, $0xb8;
	[tilespmem:$0x17CA0] =	vst v63  }
0xa5: {  	_ =	swait.ge [sflag:s17], $0x1400  }
0xa6: {  	[sflag:s17] =	ssyncset.done $0x0  }
0xa7: {  	s6 =	sadd.s32 $0x2800, s14;
	[sflag:s17] =	ssyncadd.s32 $0xFFFFEC00  }
0xa8: {  	[spmem:s2] =	stream.indirect.scatter.add.f32 [tilespmem:s24], [sflag:$0x7], $0x40, s6, s18, $0xb8;
	[tilespmem:$0x17CA0] =	vst v63  }
0xa9: {  	_ =	swait.ge [sflag:s15], $0x1400  }
0xaa: {  	[sflag:s15] =	ssyncset.done $0x0  }
0xab: {  	[sflag:s15] =	ssyncadd.s32 $0xFFFFEC00  }
0xac: {  	[spmem:s3] =	stream.indirect.scatter.add.f32 [tilespmem:s28], [sflag:$0x7], $0x8, s6, s18, $0xb8;
	[tilespmem:$0x17CA0] =	vst v63  }
0xad: {  	_ =	swait.ge [sflag:s15], $0x280  }
0xae: {  	[sflag:s15] =	ssyncset.done $0x0  }
0xaf: {  	s6 =	sadd.s32 $0x2D0, s14;
	[sflag:s15] =	ssyncadd.s32 $0xFFFFFD80  }
0xb0: {  	[tilespmem:s24], [sflag:$0x4] =	stream.indirect.gather [hbm4b:s5+s18], $0x40, s6, s18, $0xb8;
	[tilespmem:$0x17CA0] =	vst v63  }
0xb1: {  	_ =	swait.ge [sflag:s21], $0x1400  }
0xb2: {  	[sflag:s21] =	ssyncset.done $0x0  }
0xb3: {  	s6 =	sadd.s32 $0x2850, s14;
	[sflag:s21] =	ssyncadd.s32 $0xFFFFEC00  }
0xb4: {  	[spmem:s2] =	stream.indirect.scatter.add.f32 [tilespmem:s26], [sflag:$0x7], $0x40, s6, s18, $0xb8;
	[tilespmem:$0x17CA0] =	vst v63  }
0xb5: {  	_ =	swait.ge [sflag:s15], $0x1400  }
0xb6: {  	[sflag:s15] =	ssyncset.done $0x0  }
0xb7: {  	[sflag:s15] =	ssyncadd.s32 $0xFFFFEC00  }
0xb8: {  	[spmem:s3] =	stream.indirect.scatter.add.f32 [tilespmem:s28], [sflag:$0x7], $0x8, s6, s18, $0xb8;
	[tilespmem:$0x17CA0] =	vst v63  }
0xb9: {  	_ =	swait.ge [sflag:s15], $0x280  }
0xba: {  	[sflag:s15] =	ssyncset.done $0x0  }
0xbb: {  	s6 =	sadd.s32 $0x320, s14;
	[sflag:s15] =	ssyncadd.s32 $0xFFFFFD80  }
0xbc: {  	[tilespmem:s26], [sflag:$0x5] =	stream.indirect.gather [hbm4b:s5+s18], $0x40, s6, s18, $0xb8;
	[tilespmem:$0x17CA0] =	vst v63  }
0xbd: {  	_ =	swait.ge [sflag:s23], $0x1400  }
0xbe: {  	[sflag:s23] =	ssyncset.done $0x0  }
0xbf: {  	s6 =	sadd.s32 $0x28A0, s14;
	[sflag:s23] =	ssyncadd.s32 $0xFFFFEC00  }
0xc0: {  	[spmem:s2] =	stream.indirect.scatter.add.f32 [tilespmem:s29], [sflag:$0x7], $0x40, s6, s18, $0xb8;
	[tilespmem:$0x17CA0] =	vst v63  }
0xc1: {  	_ =	swait.ge [sflag:s15], $0x1400  }
.Ltmp0:
0xc2: {  	[sflag:s15] =	ssyncset.done $0x0;
	(pc) =	sbr.rel @p0 .LBB2_2-.Ltmp0, $4  }
0xc3: {  	[sflag:s15] =	ssyncadd.s32 $0xFFFFEC00  }
0xc4: {  	[spmem:s3] =	stream.indirect.scatter.add.f32 [tilespmem:s28], [sflag:$0x7], $0x8, s6, s18, $0xb8;
	[tilespmem:$0x17CA0] =	vst v63  }
0xc5: {  	_ =	swait.ge [sflag:s15], $0x280  }
0xc6: {  	s16 =	smov.u32 s0;
	s14 =	sshra.s32 s25, $0x2;
	[sflag:s15] =	ssyncset.done $0x0  }
0xc7: {  	s0 =	sadd.s32 $0x190, s14;
	[sflag:s15] =	ssyncadd.s32 $0xFFFFFD80  }
0xc8: {  	[tilespmem:s29], [sflag:$0x6] =	stream.indirect.gather [hbm4b:s5+s18], $0x40, s0, s18, $0xb8;
	[tilespmem:$0x17CA0] =	vst v63  }
0xc9: {  	_ =	swait.ge [sflag:s30], $0x1400  }
0xca: {  	[sflag:s30] =	ssyncset.done $0x0  }
0xcb: {  	s6 =	sadd.s32 $0x2710, s14;
	[sflag:s30] =	ssyncadd.s32 $0xFFFFEC00  }
0xcc: {  	[spmem:s2] =	stream.indirect.scatter.add.f32 [tilespmem:s19], [sflag:$0x7], $0x40, s6, s18, $0xb8;
	[tilespmem:$0x17CA0] =	vst v63  }
0xcd: {  	_ =	swait.ge [sflag:s15], $0x1400  }
0xce: {  	[sflag:s15] =	ssyncset.done $0x0  }
0xcf: {  	[sflag:s15] =	ssyncadd.s32 $0xFFFFEC00  }
0xd0: {  	[spmem:s3] =	stream.indirect.scatter.add.f32 [tilespmem:s28], [sflag:$0x7], $0x8, s6, s18, $0xb8;
	[tilespmem:$0x17CA0] =	vst v63  }
0xd1: {  	_ =	swait.ge [sflag:s15], $0x280  }
0xd2: {  	[sflag:s15] =	ssyncset.done $0x0  }
0xd3: {  	s16 =	sadd.s32 $0x1E0, s14;
	[sflag:s15] =	ssyncadd.s32 $0xFFFFFD80  }
0xd4: {  	[tilespmem:s19], [sflag:$0x1] =	stream.indirect.gather [hbm4b:s5+s18], $0x40, s16, s18, $0xb8;
	[tilespmem:$0x17CA0] =	vst v63  }
0xd5: {  	_ =	swait.ge [sflag:s31], $0x1400  }
0xd6: {  	[sflag:s31] =	ssyncset.done $0x0  }
0xd7: {  	s25 =	sadd.s32 $0x2760, s14;
	[sflag:s31] =	ssyncadd.s32 $0xFFFFEC00  }
0xd8: {  	[spmem:s2] =	stream.indirect.scatter.add.f32 [tilespmem:s20], [sflag:$0x7], $0x40, s25, s18, $0xb8;
	[tilespmem:$0x17CA0] =	vst v63  }
0xd9: {  	_ =	swait.ge [sflag:s15], $0x1400  }
0xda: {  	[sflag:s15] =	ssyncset.done $0x0  }
0xdb: {  	[sflag:s15] =	ssyncadd.s32 $0xFFFFEC00  }
0xdc: {  	[spmem:s3] =	stream.indirect.scatter.add.f32 [tilespmem:s28], [sflag:$0x7], $0x8, s25, s18, $0xb8;
	[tilespmem:$0x17CA0] =	vst v63  }
0xdd: {  	_ =	swait.ge [sflag:s15], $0x280  }
0xde: {  	[sflag:s15] =	ssyncset.done $0x0  }
0xdf: {  	s6 =	sadd.s32 $0x230, s14;
	[sflag:s15] =	ssyncadd.s32 $0xFFFFFD80  }
0xe0: {  	[tilespmem:s20], [sflag:$0x2] =	stream.indirect.gather [hbm4b:s5+s18], $0x40, s6, s18, $0xb8;
	[tilespmem:$0x17CA0] =	vst v63  }
0xe1: {  	_ =	swait.ge [sflag:s1], $0x1400  }
0xe2: {  	[sflag:s1] =	ssyncset.done $0x0  }
0xe3: {  	s16 =	sadd.s32 $0x27B0, s14;
	[sflag:s1] =	ssyncadd.s32 $0xFFFFEC00  }
0xe4: {  	[spmem:s2] =	stream.indirect.scatter.add.f32 [tilespmem:s22], [sflag:$0x7], $0x40, s16, s18, $0xb8;
	[tilespmem:$0x17CA0] =	vst v63  }
0xe5: {  	_ =	swait.ge [sflag:s15], $0x1400  }
0xe6: {  	[sflag:s15] =	ssyncset.done $0x0  }
0xe7: {  	[sflag:s15] =	ssyncadd.s32 $0xFFFFEC00  }
0xe8: {  	[spmem:s3] =	stream.indirect.scatter.add.f32 [tilespmem:s28], [sflag:$0x7], $0x8, s16, s18, $0xb8;
	[tilespmem:$0x17CA0] =	vst v63  }
0xe9: {  	_ =	swait.ge [sflag:s15], $0x280  }
0xea: {  	[sflag:s15] =	ssyncset.done $0x0  }
0xeb: {  	s25 =	sadd.s32 $0x280, s14;
	[sflag:s15] =	ssyncadd.s32 $0xFFFFFD80  }
0xec: {  	[tilespmem:s22], [sflag:$0x3] =	stream.indirect.gather [hbm4b:s5+s18], $0x40, s25, s18, $0xb8;
	[tilespmem:$0x17CA0] =	vst v63  }
0xed: {  	_ =	swait.ge [sflag:s17], $0x1400  }
0xee: {  	[sflag:s17] =	ssyncset.done $0x0  }
0xef: {  	s6 =	sadd.s32 $0x2800, s14;
	[sflag:s17] =	ssyncadd.s32 $0xFFFFEC00  }
0xf0: {  	[spmem:s2] =	stream.indirect.scatter.add.f32 [tilespmem:s24], [sflag:$0x7], $0x40, s6, s18, $0xb8;
	[tilespmem:$0x17CA0] =	vst v63  }
0xf1: {  	_ =	swait.ge [sflag:s15], $0x1400  }
0xf2: {  	[sflag:s15] =	ssyncset.done $0x0  }
0xf3: {  	[sflag:s15] =	ssyncadd.s32 $0xFFFFEC00  }
0xf4: {  	[spmem:s3] =	stream.indirect.scatter.add.f32 [tilespmem:s28], [sflag:$0x7], $0x8, s6, s18, $0xb8;
	[tilespmem:$0x17CA0] =	vst v63  }
0xf5: {  	_ =	swait.ge [sflag:s15], $0x280  }
0xf6: {  	[sflag:s15] =	ssyncset.done $0x0  }
0xf7: {  	s16 =	sadd.s32 $0x2D0, s14;
	[sflag:s15] =	ssyncadd.s32 $0xFFFFFD80  }
0xf8: {  	[tilespmem:s24], [sflag:$0x4] =	stream.indirect.gather [hbm4b:s5+s18], $0x40, s16, s18, $0xb8;
	[tilespmem:$0x17CA0] =	vst v63  }
0xf9: {  	_ =	swait.ge [sflag:s21], $0x1400  }
0xfa: {  	[sflag:s21] =	ssyncset.done $0x0  }
0xfb: {  	s25 =	sadd.s32 $0x2850, s14;
	[sflag:s21] =	ssyncadd.s32 $0xFFFFEC00  }
0xfc: {  	[spmem:s2] =	stream.indirect.scatter.add.f32 [tilespmem:s26], [sflag:$0x7], $0x40, s25, s18, $0xb8;
	[tilespmem:$0x17CA0] =	vst v63  }
0xfd: {  	_ =	swait.ge [sflag:s15], $0x1400  }
0xfe: {  	[sflag:s15] =	ssyncset.done $0x0  }
0xff: {  	[sflag:s15] =	ssyncadd.s32 $0xFFFFEC00  }
0x100: {  	[spmem:s3] =	stream.indirect.scatter.add.f32 [tilespmem:s28], [sflag:$0x7], $0x8, s25, s18, $0xb8;
	[tilespmem:$0x17CA0] =	vst v63  }
0x101: {  	_ =	swait.ge [sflag:s15], $0x280  }
0x102: {  	[sflag:s15] =	ssyncset.done $0x0  }
0x103: {  	s6 =	sadd.s32 $0x320, s14;
	[sflag:s15] =	ssyncadd.s32 $0xFFFFFD80  }
0x104: {  	[tilespmem:s26], [sflag:$0x5] =	stream.indirect.gather [hbm4b:s5+s18], $0x40, s6, s18, $0xb8;
	[tilespmem:$0x17CA0] =	vst v63  }
0x105: {  	_ =	swait.ge [sflag:s23], $0x1400  }
0x106: {  	[sflag:s23] =	ssyncset.done $0x0  }
0x107: {  	s14 =	sadd.s32 $0x28A0, s14;
	[sflag:s23] =	ssyncadd.s32 $0xFFFFEC00  }
0x108: {  	[spmem:s2] =	stream.indirect.scatter.add.f32 [tilespmem:s29], [sflag:$0x7], $0x40, s14, s18, $0xb8;
	[tilespmem:$0x17CA0] =	vst v63  }
0x109: {  	_ =	swait.ge [sflag:s15], $0x1400  }
0x10a: {  	[sflag:s15] =	ssyncset.done $0x0  }
0x10b: {  	[sflag:s15] =	ssyncadd.s32 $0xFFFFEC00  }
0x10c: {  	[spmem:s3] =	stream.indirect.scatter.add.f32 [tilespmem:s28], [sflag:$0x7], $0x8, s14, s18, $0xb8;
	[tilespmem:$0x17CA0] =	vst v63  }
0x10d: {  	_ =	swait.ge [sflag:s15], $0x280  }
0x10e: {  	[sflag:s15] =	ssyncset.done $0x0  }
0x10f: {  	[sflag:s15] =	ssyncadd.s32 $0xFFFFFD80  }
0x110: {  	_ =	swait.ge [sflag:s30], $0x1400  }
0x111: {  	[sflag:s30] =	ssyncset.done $0x0  }
0x112: {  	s16 =	simm.s32 $0x4C90;
	[sflag:s30] =	ssyncadd.s32 $0xFFFFEC00  }
0x113: {  	[spmem:s2] =	stream.indirect.scatter.add.f32 [tilespmem:s19], [sflag:$0x7], $0x40, s16, s18, $0xb8;
	[tilespmem:$0x17CA0] =	vst v63  }
0x114: {  	_ =	swait.ge [sflag:s15], $0x1400  }
0x115: {  	[sflag:s15] =	ssyncset.done $0x0  }
0x116: {  	[sflag:s15] =	ssyncadd.s32 $0xFFFFEC00  }
0x117: {  	[spmem:s3] =	stream.indirect.scatter.add.f32 [tilespmem:s28], [sflag:$0x7], $0x8, s16, s18, $0xb8;
	[tilespmem:$0x17CA0] =	vst v63  }
0x118: {  	_ =	swait.ge [sflag:s15], $0x280  }
0x119: {  	[sflag:s15] =	ssyncset.done $0x0  }
0x11a: {  	[sflag:s15] =	ssyncadd.s32 $0xFFFFFD80  }
0x11b: {  	_ =	swait.ge [sflag:s31], $0x1400  }
0x11c: {  	[sflag:s31] =	ssyncset.done $0x0  }
0x11d: {  	s25 =	simm.s32 $0x4CE0;
	[sflag:s31] =	ssyncadd.s32 $0xFFFFEC00  }
0x11e: {  	[spmem:s2] =	stream.indirect.scatter.add.f32 [tilespmem:s20], [sflag:$0x7], $0x40, s25, s18, $0xb8;
	[tilespmem:$0x17CA0] =	vst v63  }
0x11f: {  	_ =	swait.ge [sflag:s15], $0x1400  }
0x120: {  	[sflag:s15] =	ssyncset.done $0x0  }
0x121: {  	[sflag:s15] =	ssyncadd.s32 $0xFFFFEC00  }
0x122: {  	[spmem:s3] =	stream.indirect.scatter.add.f32 [tilespmem:s28], [sflag:$0x7], $0x8, s25, s18, $0xb8;
	[tilespmem:$0x17CA0] =	vst v63  }
0x123: {  	_ =	swait.ge [sflag:s15], $0x280  }
0x124: {  	[sflag:s15] =	ssyncset.done $0x0  }
0x125: {  	[sflag:s15] =	ssyncadd.s32 $0xFFFFFD80  }
0x126: {  	_ =	swait.ge [sflag:s1], $0x1400  }
0x127: {  	[sflag:s1] =	ssyncset.done $0x0  }
0x128: {  	s6 =	simm.s32 $0x4D30;
	[sflag:s1] =	ssyncadd.s32 $0xFFFFEC00  }
0x129: {  	[spmem:s2] =	stream.indirect.scatter.add.f32 [tilespmem:s22], [sflag:$0x7], $0x40, s6, s18, $0xb8;
	[tilespmem:$0x17CA0] =	vst v63  }
0x12a: {  	_ =	swait.ge [sflag:s15], $0x1400  }
0x12b: {  	[sflag:s15] =	ssyncset.done $0x0  }
0x12c: {  	[sflag:s15] =	ssyncadd.s32 $0xFFFFEC00  }
0x12d: {  	[spmem:s3] =	stream.indirect.scatter.add.f32 [tilespmem:s28], [sflag:$0x7], $0x8, s6, s18, $0xb8;
	[tilespmem:$0x17CA0] =	vst v63  }
0x12e: {  	_ =	swait.ge [sflag:s15], $0x280  }
0x12f: {  	[sflag:s15] =	ssyncset.done $0x0  }
0x130: {  	[sflag:s15] =	ssyncadd.s32 $0xFFFFFD80  }
0x131: {  	_ =	swait.ge [sflag:s17], $0x1400  }
0x132: {  	[sflag:s17] =	ssyncset.done $0x0  }
0x133: {  	[sflag:s17] =	ssyncadd.s32 $0xFFFFEC00  }
0x134: {  	[spmem:s2] =	stream.indirect.scatter.add.f32 [tilespmem:s24], [sflag:$0x7], $0x40, s7, s18, $0xb8;
	[tilespmem:$0x17CA0] =	vst v63  }
0x135: {  	_ =	swait.ge [sflag:s15], $0x1400  }
0x136: {  	[sflag:s15] =	ssyncset.done $0x0  }
0x137: {  	[sflag:s15] =	ssyncadd.s32 $0xFFFFEC00  }
0x138: {  	[spmem:s3] =	stream.indirect.scatter.add.f32 [tilespmem:s28], [sflag:$0x7], $0x8, s7, s18, $0xb8;
	[tilespmem:$0x17CA0] =	vst v63  }
0x139: {  	_ =	swait.ge [sflag:s15], $0x280  }
0x13a: {  	[sflag:s15] =	ssyncset.done $0x0  }
0x13b: {  	[sflag:s15] =	ssyncadd.s32 $0xFFFFFD80  }
0x13c: {  	_ =	swait.ge [sflag:s21], $0x1400  }
0x13d: {  	[sflag:s21] =	ssyncset.done $0x0  }
0x13e: {  	[sflag:s21] =	ssyncadd.s32 $0xFFFFEC00  }
0x13f: {  	[spmem:s2] =	stream.indirect.scatter.add.f32 [tilespmem:s26], [sflag:$0x7], $0x40, s8, s18, $0xb8;
	[tilespmem:$0x17CA0] =	vst v63  }
0x140: {  	_ =	swait.ge [sflag:s15], $0x1400  }
0x141: {  	[sflag:s15] =	ssyncset.done $0x0  }
0x142: {  	[sflag:s15] =	ssyncadd.s32 $0xFFFFEC00  }
0x143: {  	[spmem:s3] =	stream.indirect.scatter.add.f32 [tilespmem:s28], [sflag:$0x7], $0x8, s8, s18, $0xb8;
	[tilespmem:$0x17CA0] =	vst v63  }
0x144: {  	_ =	swait.ge [sflag:s15], $0x280  }
0x145: {  	[sflag:s15] =	ssyncset.done $0x0  }
0x146: {  	[sflag:s15] =	ssyncadd.s32 $0xFFFFFD80  }
0x147: {  	[bflag:$0x0] =	sbarrier.arrive $0xFFFF  }
0x148: {  	s6 =	simm.s32 $0x8;
	s14 =	rddreg [dreg:$0xa]  }
0x149: {  	[hbm:s14@s9], [sflag:s11] =	dma.strided [spmem:s12@s6], $0x1400, s30, $0x8   }
0x14a: {  	_ =	swait.ge [sflag:s15], $0x1400  }
0x14b: {  	[sflag:s15] =	ssyncset.done $0x0  }
0x14c: {  	s16 =	rddreg [dreg:$0xb];
	[sflag:s15] =	ssyncadd.s32 $0xFFFFEC00  }
0x14d: {  	[hbm:s16@s9], [sflag:s11] =	dma.strided [spmem:s13@s30], $0x280, s30, $0x1   }
0x14e: {  	_ =	swait.ge [sflag:s15], $0x280  }
0x14f: {  	s10 =	sadd.s32 $0x1, s10;
	s25 =	rddreg [dreg:$0xc]  }
0x150: {  	p0 =	sne.s32 s10, s25  }
.Ltmp1:
0x151: {  	_ = 	snop;
	(pc) =	sbr.rel @p0 .LBB2_1-.Ltmp1, $3  }
0x152: {  	_ =	sdelay $0x1  }
0x153: {  	[sflag:s15] =	ssyncset.done $0x0  }
0x154: {  	[sflag:s15] =	ssyncadd.s32 $0xFFFFFD80  }
0x155: {  	_ =	sfence.sel $0x180000  }
0x156: {  	[bflag:$0x0] =	sbarrier.arrive $0xFFFF  }
0x157: {  	_ =	strace $0x90000047  }
0x158: {  	s0 =	stileid.u32;
	[bflag:$0x2] =	sbarrier.arrive $0xFFFF  }
0x159: {  	p0 =	sne.s32 s0, $0x0;
	s0 =	rddreg [dreg:$0x3]  }
0x15a: {  	s0 =	sadd.s32 @!p0 $0x100000, s0  }
0x15b: {  	[sflag:s0] =	ssyncadd.tile.s32 @!p0 $0x1;
	_ =	shalt  }
.Lfunc_end2:
_tile_overlayer_lowered:
.L_overlay_start_2:
0x15c: {  	(tag) =	ssettag $0x2  }
0x15d: {  	s0 =	rddreg [dreg:$0x0];
	s2 =	stileid.u32  }
0x15e: {  	s1 =	rddreg [dreg:$0x1];
	p0 =	sne.s32 s2, $0x0  }
0x15f: {  	s3 =	rddreg [dreg:$0x2];
	[bflag:$0x3] =	sbarrier.arrive $0xFFFF;
	s2 =	simm.s32 @!p0 $0x1C07  }
0x160: {  	[timem:s3], [sflag:s2] =	dma.local @!p0 [hbm:s0], s1  }
0x161: {  	s0 =	simm.s32 @!p0 $0x7  }
0x162: {  	_ =	swait.ge @!p0 [sflag:s0], s1  }
0x163: {  	s1 =	ssub.s32 @!p0 $0x0, s1;
	[sflag:s0] =	ssyncset.done @!p0 $0x0  }
0x164: {  	[sflag:s0] =	ssyncadd.s32 @!p0 s1  }
0x165: {  	[bflag:$0x3] =	sbarrier.arrive $0xFFFF  }
0x166: {  	_ =	shalt  }

</sc_bundles>
